<compile_context>
chip_gen: v7x
topology: tpu7x:2x2x1
jax: 0.10.2.dev20260603
libtpu: 0.0.44.dev20260713+nightly
codegen_flags: <defaults>
</compile_context>

<pallas_src>
import functools

import jax
import jax.numpy as jnp
from jax import lax
from jax.experimental import pallas as pl
from jax.experimental.pallas import tpu as pltpu
from jax.experimental.pallas import tpu_sc as plsc

B = 100000
D = 128
CHUNK = 128
GC = 1
GROUP = GC * CHUNK
NBUF = 6
NC = 2
NS = 16
NW = NC * NS
N_G = (B + GROUP - 1) // GROUP
LAST_START = B - GROUP
MAX_G = (N_G + NW - 1) // NW
N_EXTRA = N_G - (MAX_G - 1) * NW
BLOCK = MAX_G * GROUP
BLOCK_LAST = B - BLOCK

_mesh = plsc.VectorSubcoreMesh(core_axis_name="c", subcore_axis_name="s")


@functools.partial(
    pl.kernel,
    mesh=_mesh,
    out_type=jax.ShapeDtypeStruct((B, D), jnp.float32),
    scratch_types=[
        pltpu.VMEM((BLOCK,), jnp.int32),
        pltpu.VMEM((NBUF, GROUP, D), jnp.float32),
        pltpu.VMEM_SHARED((1024, D), jnp.float32),
    ] + [pltpu.SemaphoreType.DMA] * (2 * NBUF),
)
def _gather_sc(table_hbm, idx_hbm, out_hbm, idx_v, rows_v, table_sh, *sems):
    sem_g = sems[:NBUF]
    sem_w = sems[NBUF:]
    sub = lax.axis_index("s")
    wid = sub * NC + lax.axis_index("c")
    n_my = jnp.where(wid < N_EXTRA, MAX_G, MAX_G - 1)
    g0 = (MAX_G - 1) * wid + lax.min(wid, N_EXTRA)
    block_start = pl.multiple_of(lax.min(g0 * GROUP, BLOCK_LAST), 8)

    rows_per_sub = 1024 // NS
    tstart = pl.multiple_of(sub * rows_per_sub, 8)
    stage_t = pltpu.make_async_copy(
        table_hbm.at[pl.ds(tstart, rows_per_sub)],
        table_sh.at[pl.ds(tstart, rows_per_sub)], sem_w[0])
    stage_i = pltpu.make_async_copy(
        idx_hbm.at[pl.ds(block_start, BLOCK)], idx_v, sem_w[1])
    stage_t.start()
    stage_i.start()

    def group_start(s):
        return pl.multiple_of(lax.min((g0 + s) * GROUP, LAST_START), 8)

    def gather_copy(s, b, k, src):
        off = pl.multiple_of(group_start(s) - block_start, 8)
        return pltpu.make_async_copy(
            src.at[idx_v.at[pl.ds(off + k * CHUNK, CHUNK)]],
            rows_v.at[b, pl.ds(k * CHUNK, CHUNK)],
            sem_g[b],
        )

    stage_i.wait()
    for k in range(GC):
        gather_copy(0, 0, k, table_hbm).start()
    stage_t.wait()
    plsc.subcore_barrier()

    def write_copy(s, b):
        return pltpu.make_async_copy(
            rows_v.at[b], out_hbm.at[pl.ds(group_start(s), GROUP)], sem_w[b])

    for s in range(MAX_G + 1):
        b = s % NBUF
        if 0 < s < MAX_G:
            @pl.when(s < n_my)
            def _(s=s, b=b):
                if s >= NBUF:
                    write_copy(s - NBUF, b).wait()
                for k in range(GC):
                    gather_copy(s, b, k, table_sh).start()
        if s >= 1:
            sp, bp = s - 1, (s - 1) % NBUF
            src = table_hbm if sp == 0 else table_sh
            @pl.when(sp < n_my)
            def _(sp=sp, bp=bp, src=src):
                for k in range(GC):
                    gather_copy(sp, bp, k, src).wait()
                write_copy(sp, bp).start()

    for s in range(max(0, MAX_G - 1 - NBUF), MAX_G):
        @pl.when(jnp.logical_and(s >= n_my - NBUF, s < n_my))
        def _(s=s):
            write_copy(s, s % NBUF).wait()


def kernel(global_matrix, node_or_bond_graph_indices):
    idx = node_or_bond_graph_indices.astype(jnp.int32)
    return _gather_sc(global_matrix, idx)

# --- scband reference (transcript-rebuilt; emitter-appended) ---
"""Pipeline reference for scband-gather-mol-to-atom-or-bond-84018150244582 (READ-ONLY COPY).

The authoritative reference and input builder live on the scoring server;
editing this copy changes nothing except your own understanding.
"""

import jax, jax.numpy as jnp
import numpy as np


def setup_inputs(seed: int = 0) -> dict:
    key = jax.random.key(seed)
    k1, k2 = jax.random.split(key)
    global_matrix = jax.random.normal(k1, (1024, 128), dtype=jnp.float32)
    node_or_bond_graph_indices = jax.random.randint(k2, (100000,), 0, 1024, dtype=jnp.int64)
    return {"global_matrix": global_matrix, "node_or_bond_graph_indices": node_or_bond_graph_indices}


def reference(global_matrix, node_or_bond_graph_indices):
    # tf.gather(global_matrix, indices) along axis 0
    return jnp.take(global_matrix, node_or_bond_graph_indices, axis=0)

if __name__ == "__main__":
    import jax
    _d = setup_inputs()
    print(jax.jit(kernel)(*tuple(_d.values())))

</pallas_src>

<mosaic_0001>
#map = affine_map<(d0, d1) -> (0, 0)>
#map1 = affine_map<(d0, d1) -> (0)>
module attributes {stable_mosaic.version = 14 : i64} {
  func.func @_gather_sc(%arg0: i32, %arg1: i32, %arg2: memref<1024x128xf32, #tpu.memory_space<hbm>>, %arg3: memref<100000xi32, #tpu.memory_space<hbm>>, %arg4: memref<100000x128xf32, #tpu.memory_space<hbm>>, %arg5: memref<3200xi32, #tpu.memory_space<vmem>>, %arg6: memref<6x128x128xf32, #tpu.memory_space<vmem>>, %arg7: memref<1024x128xf32, #tpu.memory_space<vmem_shared>>, %arg8: memref<!tpu.dma_semaphore, #tpu.memory_space<semaphore_mem>>, %arg9: memref<!tpu.dma_semaphore, #tpu.memory_space<semaphore_mem>>, %arg10: memref<!tpu.dma_semaphore, #tpu.memory_space<semaphore_mem>>, %arg11: memref<!tpu.dma_semaphore, #tpu.memory_space<semaphore_mem>>, %arg12: memref<!tpu.dma_semaphore, #tpu.memory_space<semaphore_mem>>, %arg13: memref<!tpu.dma_semaphore, #tpu.memory_space<semaphore_mem>>, %arg14: memref<!tpu.dma_semaphore, #tpu.memory_space<semaphore_mem>>, %arg15: memref<!tpu.dma_semaphore, #tpu.memory_space<semaphore_mem>>, %arg16: memref<!tpu.dma_semaphore, #tpu.memory_space<semaphore_mem>>, %arg17: memref<!tpu.dma_semaphore, #tpu.memory_space<semaphore_mem>>, %arg18: memref<!tpu.dma_semaphore, #tpu.memory_space<semaphore_mem>>, %arg19: memref<!tpu.dma_semaphore, #tpu.memory_space<semaphore_mem>>) attributes {dimension_semantics = [#tpu.dimension_semantics<core_parallel>, #tpu.dimension_semantics<subcore_parallel>], iteration_bounds = array<i64: 2, 16>, scalar_prefetch = 0 : i64, scratch_operands = 15 : i64, tpu.core_type = #tpu.core_type<sc_vector_subcore>, window_params = [{transform_indices = #map}, {transform_indices = #map1}, {transform_indices = #map}]} {
    %mul3A = arith.constant 2 : i32
    %mul3A_0 = arith.muli %arg1, %mul3A : i32
    %add3A = arith.addi %mul3A_0, %arg0 : i32
    %lt3A = arith.constant 14 : i32
    %lt3A_1 = arith.cmpi slt, %add3A, %lt3A : i32
    %jit3A = arith.constant 25 : i32
    %jit3A_2 = arith.constant 24 : i32
    %select_n3A = arith.select %lt3A_1, %jit3A, %jit3A_2 : i32
    %mul3A_3 = arith.constant 24 : i32
    %mul3A_4 = arith.muli %mul3A_3, %add3A : i32
    %min3A = arith.constant 14 : i32
    %min3A_5 = arith.minsi %add3A, %min3A : i32
    %add3A_6 = arith.addi %mul3A_4, %min3A_5 : i32
    %mul3A_7 = arith.constant 128 : i32
    %mul3A_8 = arith.muli %add3A_6, %mul3A_7 : i32
    %min3A_9 = arith.constant 96800 : i32
    %min3A_10 = arith.minsi %mul3A_8, %min3A_9 : i32
    %multiple_of3A = tpu.assume_multiple %min3A_10, 8 : i32
    %mul3A_11 = arith.constant 64 : i32
    %mul3A_12 = arith.muli %arg1, %mul3A_11 : i32
    %multiple_of3A_13 = tpu.assume_multiple %mul3A_12, 8 : i32
    %dma_start3A = arith.constant 0 : i32
    %dma_start3A_14 = tpu.memref_slice %arg7[%multiple_of3A_13, %dma_start3A] : memref<1024x128xf32, #tpu.memory_space<vmem_shared>> -> memref<64x128xf32, #tpu.memory_space<vmem_shared>>
    %dma_start3A_15 = arith.constant 0 : i32
    %dma_start3A_16 = tpu.memref_slice %arg2[%multiple_of3A_13, %dma_start3A_15] : memref<1024x128xf32, #tpu.memory_space<hbm>> -> memref<64x128xf32, #tpu.memory_space<hbm>>
    tpu.enqueue_dma source(%dma_start3A_16 : memref<64x128xf32, #tpu.memory_space<hbm>>) target(%dma_start3A_14 : memref<64x128xf32, #tpu.memory_space<vmem_shared>>) target_semaphore(%arg14 : memref<!tpu.dma_semaphore, #tpu.memory_space<semaphore_mem>>)
    %dma_start3A_17 = tpu.memref_slice %arg3[%multiple_of3A] : memref<100000xi32, #tpu.memory_space<hbm>> -> memref<3200xi32, #tpu.memory_space<hbm>>
    %dma_start3A_18 = tpu.memref_slice %arg3[%multiple_of3A] : memref<100000xi32, #tpu.memory_space<hbm>> -> memref<3200xi32, #tpu.memory_space<hbm>>
    tpu.enqueue_dma source(%dma_start3A_18 : memref<3200xi32, #tpu.memory_space<hbm>>) target(%arg5 : memref<3200xi32, #tpu.memory_space<vmem>>) target_semaphore(%arg15 : memref<!tpu.dma_semaphore, #tpu.memory_space<semaphore_mem>>)
    %dma_wait3A = tpu.memref_slice %arg3[%multiple_of3A] : memref<100000xi32, #tpu.memory_space<hbm>> -> memref<3200xi32, #tpu.memory_space<hbm>>
    %dma_wait3A_19 = tpu.memref_slice %arg3[%multiple_of3A] : memref<100000xi32, #tpu.memory_space<hbm>> -> memref<3200xi32, #tpu.memory_space<hbm>>
    tpu.wait_dma2 semaphore(%arg15 : memref<!tpu.dma_semaphore, #tpu.memory_space<semaphore_mem>>) src(%dma_wait3A_19 : memref<3200xi32, #tpu.memory_space<hbm>>) dst(%arg5 : memref<3200xi32, #tpu.memory_space<vmem>>)
    %add3A_20 = arith.constant 0 : i32
    %add3A_21 = arith.addi %add3A_6, %add3A_20 : i32
    %mul3A_22 = arith.constant 128 : i32
    %mul3A_23 = arith.muli %add3A_21, %mul3A_22 : i32
    %min3A_24 = arith.constant 99872 : i32
    %min3A_25 = arith.minsi %mul3A_23, %min3A_24 : i32
    %multiple_of3A_26 = tpu.assume_multiple %min3A_25, 8 : i32
    %sub3A = arith.subi %multiple_of3A_26, %multiple_of3A : i32
    %multiple_of3A_27 = tpu.assume_multiple %sub3A, 8 : i32
    %add3A_28 = arith.constant 0 : i32
    %add3A_29 = arith.addi %multiple_of3A_27, %add3A_28 : i32
    %dma_start3A_30 = arith.constant 0 : i32
    %dma_start3A_31 = arith.constant 0 : i32
    %dma_start3A_32 = arith.constant 0 : i32
    %dma_start3A_33 = tpu.memref_slice %arg6[%dma_start3A_30, %dma_start3A_31, %dma_start3A_32] : memref<6x128x128xf32, #tpu.memory_space<vmem>> -> memref<1x128x128xf32, #tpu.memory_space<vmem>>
    %dma_start3A_34 = tpu.memref_squeeze %dma_start3A_33 : memref<1x128x128xf32, #tpu.memory_space<vmem>> -> memref<128x128xf32, #tpu.memory_space<vmem>>
    %dma_start3A_35 = tpu.memref_slice %arg5[%add3A_29] : memref<3200xi32, #tpu.memory_space<vmem>> -> memref<128xi32, #tpu.memory_space<vmem>>
    %dma_start3A_36 = arith.constant 0 : i32
    %dma_start3A_37 = arith.constant 0 : i32
    %dma_start3A_38 = tpu.memref_slice %arg2[%dma_start3A_36, %dma_start3A_37] : memref<1024x128xf32, #tpu.memory_space<hbm>> -> memref<1024x128xf32, #tpu.memory_space<hbm>>
    tpu.enqueue_indirect_dma source(%dma_start3A_38 : memref<1024x128xf32, #tpu.memory_space<hbm>>) target(%dma_start3A_34 : memref<128x128xf32, #tpu.memory_space<vmem>>) offsets(%dma_start3A_35 : memref<128xi32, #tpu.memory_space<vmem>>) semaphore(%arg8 : memref<!tpu.dma_semaphore, #tpu.memory_space<semaphore_mem>>)
    %dma_wait3A_39 = arith.constant 0 : i32
    %dma_wait3A_40 = tpu.memref_slice %arg7[%multiple_of3A_13, %dma_wait3A_39] : memref<1024x128xf32, #tpu.memory_space<vmem_shared>> -> memref<64x128xf32, #tpu.memory_space<vmem_shared>>
    %dma_wait3A_41 = arith.constant 0 : i32
    %dma_wait3A_42 = tpu.memref_slice %arg2[%multiple_of3A_13, %dma_wait3A_41] : memref<1024x128xf32, #tpu.memory_space<hbm>> -> memref<64x128xf32, #tpu.memory_space<hbm>>
    tpu.wait_dma2 semaphore(%arg14 : memref<!tpu.dma_semaphore, #tpu.memory_space<semaphore_mem>>) src(%dma_wait3A_42 : memref<64x128xf32, #tpu.memory_space<hbm>>) dst(%dma_wait3A_40 : memref<64x128xf32, #tpu.memory_space<vmem_shared>>)
    %barrier3A = arith.constant 0 : index
    tpu.barrier barrier_id(%barrier3A)
    %gt3A = arith.constant 1 : i32
    %gt3A_43 = arith.cmpi sgt, %select_n3A, %gt3A : i32
    %convert_element_type3A = arith.extui %gt3A_43 : i1 to i32
    %cond3A = arith.constant 0 : i32
    %cond3A_44 = arith.cmpi ne, %convert_element_type3A, %cond3A : i32
    scf.if %cond3A_44 {
      %add3A_353 = arith.constant 1 : i32
      %add3A_354 = arith.addi %add3A_6, %add3A_353 : i32
      %mul3A_355 = arith.constant 128 : i32
      %mul3A_356 = arith.muli %add3A_354, %mul3A_355 : i32
      %min3A_357 = arith.constant 99872 : i32
      %min3A_358 = arith.minsi %mul3A_356, %min3A_357 : i32
      %multiple_of3A_359 = tpu.assume_multiple %min3A_358, 8 : i32
      %sub3A_360 = arith.subi %multiple_of3A_359, %multiple_of3A : i32
      %multiple_of3A_361 = tpu.assume_multiple %sub3A_360, 8 : i32
      %add3A_362 = arith.constant 0 : i32
      %add3A_363 = arith.addi %multiple_of3A_361, %add3A_362 : i32
      %dma_start3A_364 = arith.constant 1 : i32
      %dma_start3A_365 = arith.constant 0 : i32
      %dma_start3A_366 = arith.constant 0 : i32
      %dma_start3A_367 = tpu.memref_slice %arg6[%dma_start3A_364, %dma_start3A_365, %dma_start3A_366] : memref<6x128x128xf32, #tpu.memory_space<vmem>> -> memref<1x128x128xf32, #tpu.memory_space<vmem>>
      %dma_start3A_368 = tpu.memref_squeeze %dma_start3A_367 : memref<1x128x128xf32, #tpu.memory_space<vmem>> -> memref<128x128xf32, #tpu.memory_space<vmem>>
      %dma_start3A_369 = tpu.memref_slice %arg5[%add3A_363] : memref<3200xi32, #tpu.memory_space<vmem>> -> memref<128xi32, #tpu.memory_space<vmem>>
      %dma_start3A_370 = arith.constant 0 : i32
      %dma_start3A_371 = arith.constant 0 : i32
      %dma_start3A_372 = tpu.memref_slice %arg7[%dma_start3A_370, %dma_start3A_371] : memref<1024x128xf32, #tpu.memory_space<vmem_shared>> -> memref<1024x128xf32, #tpu.memory_space<vmem_shared>>
      tpu.enqueue_indirect_dma source(%dma_start3A_372 : memref<1024x128xf32, #tpu.memory_space<vmem_shared>>) target(%dma_start3A_368 : memref<128x128xf32, #tpu.memory_space<vmem>>) offsets(%dma_start3A_369 : memref<128xi32, #tpu.memory_space<vmem>>) semaphore(%arg9 : memref<!tpu.dma_semaphore, #tpu.memory_space<semaphore_mem>>)
    } else {
    }
    %gt3A_45 = arith.constant 0 : i32
    %gt3A_46 = arith.cmpi sgt, %select_n3A, %gt3A_45 : i32
    %convert_element_type3A_47 = arith.extui %gt3A_46 : i1 to i32
    %cond3A_48 = arith.constant 0 : i32
    %cond3A_49 = arith.cmpi ne, %convert_element_type3A_47, %cond3A_48 : i32
    scf.if %cond3A_49 {
      %add3A_353 = arith.constant 0 : i32
      %add3A_354 = arith.addi %add3A_6, %add3A_353 : i32
      %mul3A_355 = arith.constant 128 : i32
      %mul3A_356 = arith.muli %add3A_354, %mul3A_355 : i32
      %min3A_357 = arith.constant 99872 : i32
      %min3A_358 = arith.minsi %mul3A_356, %min3A_357 : i32
      %multiple_of3A_359 = tpu.assume_multiple %min3A_358, 8 : i32
      %sub3A_360 = arith.subi %multiple_of3A_359, %multiple_of3A : i32
      %multiple_of3A_361 = tpu.assume_multiple %sub3A_360, 8 : i32
      %add3A_362 = arith.constant 0 : i32
      %add3A_363 = arith.addi %multiple_of3A_361, %add3A_362 : i32
      %dma_wait3A_364 = arith.constant 0 : i32
      %dma_wait3A_365 = arith.constant 0 : i32
      %dma_wait3A_366 = arith.constant 0 : i32
      %dma_wait3A_367 = tpu.memref_slice %arg6[%dma_wait3A_364, %dma_wait3A_365, %dma_wait3A_366] : memref<6x128x128xf32, #tpu.memory_space<vmem>> -> memref<1x128x128xf32, #tpu.memory_space<vmem>>
      %dma_wait3A_368 = tpu.memref_squeeze %dma_wait3A_367 : memref<1x128x128xf32, #tpu.memory_space<vmem>> -> memref<128x128xf32, #tpu.memory_space<vmem>>
      %dma_wait3A_369 = tpu.memref_slice %arg5[%add3A_363] : memref<3200xi32, #tpu.memory_space<vmem>> -> memref<128xi32, #tpu.memory_space<vmem>>
      %dma_wait3A_370 = arith.constant 0 : i32
      %dma_wait3A_371 = arith.constant 0 : i32
      %dma_wait3A_372 = tpu.memref_slice %arg2[%dma_wait3A_370, %dma_wait3A_371] : memref<1024x128xf32, #tpu.memory_space<hbm>> -> memref<1024x128xf32, #tpu.memory_space<hbm>>
      tpu.wait_indirect_dma semaphore(%arg8 : memref<!tpu.dma_semaphore, #tpu.memory_space<semaphore_mem>>) src(%dma_wait3A_372 : memref<1024x128xf32, #tpu.memory_space<hbm>>) dst(%dma_wait3A_368 : memref<128x128xf32, #tpu.memory_space<vmem>>)
      %add3A_373 = arith.constant 0 : i32
      %add3A_374 = arith.addi %add3A_6, %add3A_373 : i32
      %mul3A_375 = arith.constant 128 : i32
      %mul3A_376 = arith.muli %add3A_374, %mul3A_375 : i32
      %min3A_377 = arith.constant 99872 : i32
      %min3A_378 = arith.minsi %mul3A_376, %min3A_377 : i32
      %multiple_of3A_379 = tpu.assume_multiple %min3A_378, 8 : i32
      %dma_start3A_380 = arith.constant 0 : i32
      %dma_start3A_381 = arith.constant 0 : i32
      %dma_start3A_382 = arith.constant 0 : i32
      %dma_start3A_383 = tpu.memref_slice %arg6[%dma_start3A_380, %dma_start3A_381, %dma_start3A_382] : memref<6x128x128xf32, #tpu.memory_space<vmem>> -> memref<1x128x128xf32, #tpu.memory_space<vmem>>
      %dma_start3A_384 = tpu.memref_squeeze %dma_start3A_383 : memref<1x128x128xf32, #tpu.memory_space<vmem>> -> memref<128x128xf32, #tpu.memory_space<vmem>>
      %dma_start3A_385 = arith.constant 0 : i32
      %dma_start3A_386 = tpu.memref_slice %arg4[%multiple_of3A_379, %dma_start3A_385] : memref<100000x128xf32, #tpu.memory_space<hbm>> -> memref<128x128xf32, #tpu.memory_space<hbm>>
      %dma_start3A_387 = arith.constant 0 : i32
      %dma_start3A_388 = tpu.memref_slice %arg4[%multiple_of3A_379, %dma_start3A_387] : memref<100000x128xf32, #tpu.memory_space<hbm>> -> memref<128x128xf32, #tpu.memory_space<hbm>>
      %dma_start3A_389 = arith.constant 0 : i32
      %dma_start3A_390 = arith.constant 0 : i32
      %dma_start3A_391 = tpu.memref_slice %arg6[%dma_start3A_380, %dma_start3A_389, %dma_start3A_390] : memref<6x128x128xf32, #tpu.memory_space<vmem>> -> memref<1x128x128xf32, #tpu.memory_space<vmem>>
      %dma_start3A_392 = tpu.memref_squeeze %dma_start3A_391 : memref<1x128x128xf32, #tpu.memory_space<vmem>> -> memref<128x128xf32, #tpu.memory_space<vmem>>
      tpu.enqueue_dma source(%dma_start3A_392 : memref<128x128xf32, #tpu.memory_space<vmem>>) target(%dma_start3A_388 : memref<128x128xf32, #tpu.memory_space<hbm>>) target_semaphore(%arg14 : memref<!tpu.dma_semaphore, #tpu.memory_space<semaphore_mem>>)
    } else {
    }
    %gt3A_50 = arith.constant 2 : i32
    %gt3A_51 = arith.cmpi sgt, %select_n3A, %gt3A_50 : i32
    %convert_element_type3A_52 = arith.extui %gt3A_51 : i1 to i32
    %cond3A_53 = arith.constant 0 : i32
    %cond3A_54 = arith.cmpi ne, %convert_element_type3A_52, %cond3A_53 : i32
    scf.if %cond3A_54 {
      %add3A_353 = arith.constant 2 : i32
      %add3A_354 = arith.addi %add3A_6, %add3A_353 : i32
      %mul3A_355 = arith.constant 128 : i32
      %mul3A_356 = arith.muli %add3A_354, %mul3A_355 : i32
      %min3A_357 = arith.constant 99872 : i32
      %min3A_358 = arith.minsi %mul3A_356, %min3A_357 : i32
      %multiple_of3A_359 = tpu.assume_multiple %min3A_358, 8 : i32
      %sub3A_360 = arith.subi %multiple_of3A_359, %multiple_of3A : i32
      %multiple_of3A_361 = tpu.assume_multiple %sub3A_360, 8 : i32
      %add3A_362 = arith.constant 0 : i32
      %add3A_363 = arith.addi %multiple_of3A_361, %add3A_362 : i32
      %dma_start3A_364 = arith.constant 2 : i32
      %dma_start3A_365 = arith.constant 0 : i32
      %dma_start3A_366 = arith.constant 0 : i32
      %dma_start3A_367 = tpu.memref_slice %arg6[%dma_start3A_364, %dma_start3A_365, %dma_start3A_366] : memref<6x128x128xf32, #tpu.memory_space<vmem>> -> memref<1x128x128xf32, #tpu.memory_space<vmem>>
      %dma_start3A_368 = tpu.memref_squeeze %dma_start3A_367 : memref<1x128x128xf32, #tpu.memory_space<vmem>> -> memref<128x128xf32, #tpu.memory_space<vmem>>
      %dma_start3A_369 = tpu.memref_slice %arg5[%add3A_363] : memref<3200xi32, #tpu.memory_space<vmem>> -> memref<128xi32, #tpu.memory_space<vmem>>
      %dma_start3A_370 = arith.constant 0 : i32
      %dma_start3A_371 = arith.constant 0 : i32
      %dma_start3A_372 = tpu.memref_slice %arg7[%dma_start3A_370, %dma_start3A_371] : memref<1024x128xf32, #tpu.memory_space<vmem_shared>> -> memref<1024x128xf32, #tpu.memory_space<vmem_shared>>
      tpu.enqueue_indirect_dma source(%dma_start3A_372 : memref<1024x128xf32, #tpu.memory_space<vmem_shared>>) target(%dma_start3A_368 : memref<128x128xf32, #tpu.memory_space<vmem>>) offsets(%dma_start3A_369 : memref<128xi32, #tpu.memory_space<vmem>>) semaphore(%arg10 : memref<!tpu.dma_semaphore, #tpu.memory_space<semaphore_mem>>)
    } else {
    }
    %gt3A_55 = arith.constant 1 : i32
    %gt3A_56 = arith.cmpi sgt, %select_n3A, %gt3A_55 : i32
    %convert_element_type3A_57 = arith.extui %gt3A_56 : i1 to i32
    %cond3A_58 = arith.constant 0 : i32
    %cond3A_59 = arith.cmpi ne, %convert_element_type3A_57, %cond3A_58 : i32
    scf.if %cond3A_59 {
      %add3A_353 = arith.constant 1 : i32
      %add3A_354 = arith.addi %add3A_6, %add3A_353 : i32
      %mul3A_355 = arith.constant 128 : i32
      %mul3A_356 = arith.muli %add3A_354, %mul3A_355 : i32
      %min3A_357 = arith.constant 99872 : i32
      %min3A_358 = arith.minsi %mul3A_356, %min3A_357 : i32
      %multiple_of3A_359 = tpu.assume_multiple %min3A_358, 8 : i32
      %sub3A_360 = arith.subi %multiple_of3A_359, %multiple_of3A : i32
      %multiple_of3A_361 = tpu.assume_multiple %sub3A_360, 8 : i32
      %add3A_362 = arith.constant 0 : i32
      %add3A_363 = arith.addi %multiple_of3A_361, %add3A_362 : i32
      %dma_wait3A_364 = arith.constant 1 : i32
      %dma_wait3A_365 = arith.constant 0 : i32
      %dma_wait3A_366 = arith.constant 0 : i32
      %dma_wait3A_367 = tpu.memref_slice %arg6[%dma_wait3A_364, %dma_wait3A_365, %dma_wait3A_366] : memref<6x128x128xf32, #tpu.memory_space<vmem>> -> memref<1x128x128xf32, #tpu.memory_space<vmem>>
      %dma_wait3A_368 = tpu.memref_squeeze %dma_wait3A_367 : memref<1x128x128xf32, #tpu.memory_space<vmem>> -> memref<128x128xf32, #tpu.memory_space<vmem>>
      %dma_wait3A_369 = tpu.memref_slice %arg5[%add3A_363] : memref<3200xi32, #tpu.memory_space<vmem>> -> memref<128xi32, #tpu.memory_space<vmem>>
      %dma_wait3A_370 = arith.constant 0 : i32
      %dma_wait3A_371 = arith.constant 0 : i32
      %dma_wait3A_372 = tpu.memref_slice %arg7[%dma_wait3A_370, %dma_wait3A_371] : memref<1024x128xf32, #tpu.memory_space<vmem_shared>> -> memref<1024x128xf32, #tpu.memory_space<vmem_shared>>
      tpu.wait_indirect_dma semaphore(%arg9 : memref<!tpu.dma_semaphore, #tpu.memory_space<semaphore_mem>>) src(%dma_wait3A_372 : memref<1024x128xf32, #tpu.memory_space<vmem_shared>>) dst(%dma_wait3A_368 : memref<128x128xf32, #tpu.memory_space<vmem>>)
      %add3A_373 = arith.constant 1 : i32
      %add3A_374 = arith.addi %add3A_6, %add3A_373 : i32
      %mul3A_375 = arith.constant 128 : i32
      %mul3A_376 = arith.muli %add3A_374, %mul3A_375 : i32
      %min3A_377 = arith.constant 99872 : i32
      %min3A_378 = arith.minsi %mul3A_376, %min3A_377 : i32
      %multiple_of3A_379 = tpu.assume_multiple %min3A_378, 8 : i32
      %dma_start3A_380 = arith.constant 1 : i32
      %dma_start3A_381 = arith.constant 0 : i32
      %dma_start3A_382 = arith.constant 0 : i32
      %dma_start3A_383 = tpu.memref_slice %arg6[%dma_start3A_380, %dma_start3A_381, %dma_start3A_382] : memref<6x128x128xf32, #tpu.memory_space<vmem>> -> memref<1x128x128xf32, #tpu.memory_space<vmem>>
      %dma_start3A_384 = tpu.memref_squeeze %dma_start3A_383 : memref<1x128x128xf32, #tpu.memory_space<vmem>> -> memref<128x128xf32, #tpu.memory_space<vmem>>
      %dma_start3A_385 = arith.constant 0 : i32
      %dma_start3A_386 = tpu.memref_slice %arg4[%multiple_of3A_379, %dma_start3A_385] : memref<100000x128xf32, #tpu.memory_space<hbm>> -> memref<128x128xf32, #tpu.memory_space<hbm>>
      %dma_start3A_387 = arith.constant 0 : i32
      %dma_start3A_388 = tpu.memref_slice %arg4[%multiple_of3A_379, %dma_start3A_387] : memref<100000x128xf32, #tpu.memory_space<hbm>> -> memref<128x128xf32, #tpu.memory_space<hbm>>
      %dma_start3A_389 = arith.constant 0 : i32
      %dma_start3A_390 = arith.constant 0 : i32
      %dma_start3A_391 = tpu.memref_slice %arg6[%dma_start3A_380, %dma_start3A_389, %dma_start3A_390] : memref<6x128x128xf32, #tpu.memory_space<vmem>> -> memref<1x128x128xf32, #tpu.memory_space<vmem>>
      %dma_start3A_392 = tpu.memref_squeeze %dma_start3A_391 : memref<1x128x128xf32, #tpu.memory_space<vmem>> -> memref<128x128xf32, #tpu.memory_space<vmem>>
      tpu.enqueue_dma source(%dma_start3A_392 : memref<128x128xf32, #tpu.memory_space<vmem>>) target(%dma_start3A_388 : memref<128x128xf32, #tpu.memory_space<hbm>>) target_semaphore(%arg15 : memref<!tpu.dma_semaphore, #tpu.memory_space<semaphore_mem>>)
    } else {
    }
    %gt3A_60 = arith.constant 3 : i32
    %gt3A_61 = arith.cmpi sgt, %select_n3A, %gt3A_60 : i32
    %convert_element_type3A_62 = arith.extui %gt3A_61 : i1 to i32
    %cond3A_63 = arith.constant 0 : i32
    %cond3A_64 = arith.cmpi ne, %convert_element_type3A_62, %cond3A_63 : i32
    scf.if %cond3A_64 {
      %add3A_353 = arith.constant 3 : i32
      %add3A_354 = arith.addi %add3A_6, %add3A_353 : i32
      %mul3A_355 = arith.constant 128 : i32
      %mul3A_356 = arith.muli %add3A_354, %mul3A_355 : i32
      %min3A_357 = arith.constant 99872 : i32
      %min3A_358 = arith.minsi %mul3A_356, %min3A_357 : i32
      %multiple_of3A_359 = tpu.assume_multiple %min3A_358, 8 : i32
      %sub3A_360 = arith.subi %multiple_of3A_359, %multiple_of3A : i32
      %multiple_of3A_361 = tpu.assume_multiple %sub3A_360, 8 : i32
      %add3A_362 = arith.constant 0 : i32
      %add3A_363 = arith.addi %multiple_of3A_361, %add3A_362 : i32
      %dma_start3A_364 = arith.constant 3 : i32
      %dma_start3A_365 = arith.constant 0 : i32
      %dma_start3A_366 = arith.constant 0 : i32
      %dma_start3A_367 = tpu.memref_slice %arg6[%dma_start3A_364, %dma_start3A_365, %dma_start3A_366] : memref<6x128x128xf32, #tpu.memory_space<vmem>> -> memref<1x128x128xf32, #tpu.memory_space<vmem>>
      %dma_start3A_368 = tpu.memref_squeeze %dma_start3A_367 : memref<1x128x128xf32, #tpu.memory_space<vmem>> -> memref<128x128xf32, #tpu.memory_space<vmem>>
      %dma_start3A_369 = tpu.memref_slice %arg5[%add3A_363] : memref<3200xi32, #tpu.memory_space<vmem>> -> memref<128xi32, #tpu.memory_space<vmem>>
      %dma_start3A_370 = arith.constant 0 : i32
      %dma_start3A_371 = arith.constant 0 : i32
      %dma_start3A_372 = tpu.memref_slice %arg7[%dma_start3A_370, %dma_start3A_371] : memref<1024x128xf32, #tpu.memory_space<vmem_shared>> -> memref<1024x128xf32, #tpu.memory_space<vmem_shared>>
      tpu.enqueue_indirect_dma source(%dma_start3A_372 : memref<1024x128xf32, #tpu.memory_space<vmem_shared>>) target(%dma_start3A_368 : memref<128x128xf32, #tpu.memory_space<vmem>>) offsets(%dma_start3A_369 : memref<128xi32, #tpu.memory_space<vmem>>) semaphore(%arg11 : memref<!tpu.dma_semaphore, #tpu.memory_space<semaphore_mem>>)
    } else {
    }
    %gt3A_65 = arith.constant 2 : i32
    %gt3A_66 = arith.cmpi sgt, %select_n3A, %gt3A_65 : i32
    %convert_element_type3A_67 = arith.extui %gt3A_66 : i1 to i32
    %cond3A_68 = arith.constant 0 : i32
    %cond3A_69 = arith.cmpi ne, %convert_element_type3A_67, %cond3A_68 : i32
    scf.if %cond3A_69 {
      %add3A_353 = arith.constant 2 : i32
      %add3A_354 = arith.addi %add3A_6, %add3A_353 : i32
      %mul3A_355 = arith.constant 128 : i32
      %mul3A_356 = arith.muli %add3A_354, %mul3A_355 : i32
      %min3A_357 = arith.constant 99872 : i32
      %min3A_358 = arith.minsi %mul3A_356, %min3A_357 : i32
      %multiple_of3A_359 = tpu.assume_multiple %min3A_358, 8 : i32
      %sub3A_360 = arith.subi %multiple_of3A_359, %multiple_of3A : i32
      %multiple_of3A_361 = tpu.assume_multiple %sub3A_360, 8 : i32
      %add3A_362 = arith.constant 0 : i32
      %add3A_363 = arith.addi %multiple_of3A_361, %add3A_362 : i32
      %dma_wait3A_364 = arith.constant 2 : i32
      %dma_wait3A_365 = arith.constant 0 : i32
      %dma_wait3A_366 = arith.constant 0 : i32
      %dma_wait3A_367 = tpu.memref_slice %arg6[%dma_wait3A_364, %dma_wait3A_365, %dma_wait3A_366] : memref<6x128x128xf32, #tpu.memory_space<vmem>> -> memref<1x128x128xf32, #tpu.memory_space<vmem>>
      %dma_wait3A_368 = tpu.memref_squeeze %dma_wait3A_367 : memref<1x128x128xf32, #tpu.memory_space<vmem>> -> memref<128x128xf32, #tpu.memory_space<vmem>>
      %dma_wait3A_369 = tpu.memref_slice %arg5[%add3A_363] : memref<3200xi32, #tpu.memory_space<vmem>> -> memref<128xi32, #tpu.memory_space<vmem>>
      %dma_wait3A_370 = arith.constant 0 : i32
      %dma_wait3A_371 = arith.constant 0 : i32
      %dma_wait3A_372 = tpu.memref_slice %arg7[%dma_wait3A_370, %dma_wait3A_371] : memref<1024x128xf32, #tpu.memory_space<vmem_shared>> -> memref<1024x128xf32, #tpu.memory_space<vmem_shared>>
      tpu.wait_indirect_dma semaphore(%arg10 : memref<!tpu.dma_semaphore, #tpu.memory_space<semaphore_mem>>) src(%dma_wait3A_372 : memref<1024x128xf32, #tpu.memory_space<vmem_shared>>) dst(%dma_wait3A_368 : memref<128x128xf32, #tpu.memory_space<vmem>>)
      %add3A_373 = arith.constant 2 : i32
      %add3A_374 = arith.addi %add3A_6, %add3A_373 : i32
      %mul3A_375 = arith.constant 128 : i32
      %mul3A_376 = arith.muli %add3A_374, %mul3A_375 : i32
      %min3A_377 = arith.constant 99872 : i32
      %min3A_378 = arith.minsi %mul3A_376, %min3A_377 : i32
      %multiple_of3A_379 = tpu.assume_multiple %min3A_378, 8 : i32
      %dma_start3A_380 = arith.constant 2 : i32
      %dma_start3A_381 = arith.constant 0 : i32
      %dma_start3A_382 = arith.constant 0 : i32
      %dma_start3A_383 = tpu.memref_slice %arg6[%dma_start3A_380, %dma_start3A_381, %dma_start3A_382] : memref<6x128x128xf32, #tpu.memory_space<vmem>> -> memref<1x128x128xf32, #tpu.memory_space<vmem>>
      %dma_start3A_384 = tpu.memref_squeeze %dma_start3A_383 : memref<1x128x128xf32, #tpu.memory_space<vmem>> -> memref<128x128xf32, #tpu.memory_space<vmem>>
      %dma_start3A_385 = arith.constant 0 : i32
      %dma_start3A_386 = tpu.memref_slice %arg4[%multiple_of3A_379, %dma_start3A_385] : memref<100000x128xf32, #tpu.memory_space<hbm>> -> memref<128x128xf32, #tpu.memory_space<hbm>>
      %dma_start3A_387 = arith.constant 0 : i32
      %dma_start3A_388 = tpu.memref_slice %arg4[%multiple_of3A_379, %dma_start3A_387] : memref<100000x128xf32, #tpu.memory_space<hbm>> -> memref<128x128xf32, #tpu.memory_space<hbm>>
      %dma_start3A_389 = arith.constant 0 : i32
      %dma_start3A_390 = arith.constant 0 : i32
      %dma_start3A_391 = tpu.memref_slice %arg6[%dma_start3A_380, %dma_start3A_389, %dma_start3A_390] : memref<6x128x128xf32, #tpu.memory_space<vmem>> -> memref<1x128x128xf32, #tpu.memory_space<vmem>>
      %dma_start3A_392 = tpu.memref_squeeze %dma_start3A_391 : memref<1x128x128xf32, #tpu.memory_space<vmem>> -> memref<128x128xf32, #tpu.memory_space<vmem>>
      tpu.enqueue_dma source(%dma_start3A_392 : memref<128x128xf32, #tpu.memory_space<vmem>>) target(%dma_start3A_388 : memref<128x128xf32, #tpu.memory_space<hbm>>) target_semaphore(%arg16 : memref<!tpu.dma_semaphore, #tpu.memory_space<semaphore_mem>>)
    } else {
    }
    %gt3A_70 = arith.constant 4 : i32
    %gt3A_71 = arith.cmpi sgt, %select_n3A, %gt3A_70 : i32
    %convert_element_type3A_72 = arith.extui %gt3A_71 : i1 to i32
    %cond3A_73 = arith.constant 0 : i32
    %cond3A_74 = arith.cmpi ne, %convert_element_type3A_72, %cond3A_73 : i32
    scf.if %cond3A_74 {
      %add3A_353 = arith.constant 4 : i32
      %add3A_354 = arith.addi %add3A_6, %add3A_353 : i32
      %mul3A_355 = arith.constant 128 : i32
      %mul3A_356 = arith.muli %add3A_354, %mul3A_355 : i32
      %min3A_357 = arith.constant 99872 : i32
      %min3A_358 = arith.minsi %mul3A_356, %min3A_357 : i32
      %multiple_of3A_359 = tpu.assume_multiple %min3A_358, 8 : i32
      %sub3A_360 = arith.subi %multiple_of3A_359, %multiple_of3A : i32
      %multiple_of3A_361 = tpu.assume_multiple %sub3A_360, 8 : i32
      %add3A_362 = arith.constant 0 : i32
      %add3A_363 = arith.addi %multiple_of3A_361, %add3A_362 : i32
      %dma_start3A_364 = arith.constant 4 : i32
      %dma_start3A_365 = arith.constant 0 : i32
      %dma_start3A_366 = arith.constant 0 : i32
      %dma_start3A_367 = tpu.memref_slice %arg6[%dma_start3A_364, %dma_start3A_365, %dma_start3A_366] : memref<6x128x128xf32, #tpu.memory_space<vmem>> -> memref<1x128x128xf32, #tpu.memory_space<vmem>>
      %dma_start3A_368 = tpu.memref_squeeze %dma_start3A_367 : memref<1x128x128xf32, #tpu.memory_space<vmem>> -> memref<128x128xf32, #tpu.memory_space<vmem>>
      %dma_start3A_369 = tpu.memref_slice %arg5[%add3A_363] : memref<3200xi32, #tpu.memory_space<vmem>> -> memref<128xi32, #tpu.memory_space<vmem>>
      %dma_start3A_370 = arith.constant 0 : i32
      %dma_start3A_371 = arith.constant 0 : i32
      %dma_start3A_372 = tpu.memref_slice %arg7[%dma_start3A_370, %dma_start3A_371] : memref<1024x128xf32, #tpu.memory_space<vmem_shared>> -> memref<1024x128xf32, #tpu.memory_space<vmem_shared>>
      tpu.enqueue_indirect_dma source(%dma_start3A_372 : memref<1024x128xf32, #tpu.memory_space<vmem_shared>>) target(%dma_start3A_368 : memref<128x128xf32, #tpu.memory_space<vmem>>) offsets(%dma_start3A_369 : memref<128xi32, #tpu.memory_space<vmem>>) semaphore(%arg12 : memref<!tpu.dma_semaphore, #tpu.memory_space<semaphore_mem>>)
    } else {
    }
    %gt3A_75 = arith.constant 3 : i32
    %gt3A_76 = arith.cmpi sgt, %select_n3A, %gt3A_75 : i32
    %convert_element_type3A_77 = arith.extui %gt3A_76 : i1 to i32
    %cond3A_78 = arith.constant 0 : i32
    %cond3A_79 = arith.cmpi ne, %convert_element_type3A_77, %cond3A_78 : i32
    scf.if %cond3A_79 {
      %add3A_353 = arith.constant 3 : i32
      %add3A_354 = arith.addi %add3A_6, %add3A_353 : i32
      %mul3A_355 = arith.constant 128 : i32
      %mul3A_356 = arith.muli %add3A_354, %mul3A_355 : i32
      %min3A_357 = arith.constant 99872 : i32
      %min3A_358 = arith.minsi %mul3A_356, %min3A_357 : i32
      %multiple_of3A_359 = tpu.assume_multiple %min3A_358, 8 : i32
      %sub3A_360 = arith.subi %multiple_of3A_359, %multiple_of3A : i32
      %multiple_of3A_361 = tpu.assume_multiple %sub3A_360, 8 : i32
      %add3A_362 = arith.constant 0 : i32
      %add3A_363 = arith.addi %multiple_of3A_361, %add3A_362 : i32
      %dma_wait3A_364 = arith.constant 3 : i32
      %dma_wait3A_365 = arith.constant 0 : i32
      %dma_wait3A_366 = arith.constant 0 : i32
      %dma_wait3A_367 = tpu.memref_slice %arg6[%dma_wait3A_364, %dma_wait3A_365, %dma_wait3A_366] : memref<6x128x128xf32, #tpu.memory_space<vmem>> -> memref<1x128x128xf32, #tpu.memory_space<vmem>>
      %dma_wait3A_368 = tpu.memref_squeeze %dma_wait3A_367 : memref<1x128x128xf32, #tpu.memory_space<vmem>> -> memref<128x128xf32, #tpu.memory_space<vmem>>
      %dma_wait3A_369 = tpu.memref_slice %arg5[%add3A_363] : memref<3200xi32, #tpu.memory_space<vmem>> -> memref<128xi32, #tpu.memory_space<vmem>>
      %dma_wait3A_370 = arith.constant 0 : i32
      %dma_wait3A_371 = arith.constant 0 : i32
      %dma_wait3A_372 = tpu.memref_slice %arg7[%dma_wait3A_370, %dma_wait3A_371] : memref<1024x128xf32, #tpu.memory_space<vmem_shared>> -> memref<1024x128xf32, #tpu.memory_space<vmem_shared>>
      tpu.wait_indirect_dma semaphore(%arg11 : memref<!tpu.dma_semaphore, #tpu.memory_space<semaphore_mem>>) src(%dma_wait3A_372 : memref<1024x128xf32, #tpu.memory_space<vmem_shared>>) dst(%dma_wait3A_368 : memref<128x128xf32, #tpu.memory_space<vmem>>)
      %add3A_373 = arith.constant 3 : i32
      %add3A_374 = arith.addi %add3A_6, %add3A_373 : i32
      %mul3A_375 = arith.constant 128 : i32
      %mul3A_376 = arith.muli %add3A_374, %mul3A_375 : i32
      %min3A_377 = arith.constant 99872 : i32
      %min3A_378 = arith.minsi %mul3A_376, %min3A_377 : i32
      %multiple_of3A_379 = tpu.assume_multiple %min3A_378, 8 : i32
      %dma_start3A_380 = arith.constant 3 : i32
      %dma_start3A_381 = arith.constant 0 : i32
      %dma_start3A_382 = arith.constant 0 : i32
      %dma_start3A_383 = tpu.memref_slice %arg6[%dma_start3A_380, %dma_start3A_381, %dma_start3A_382] : memref<6x128x128xf32, #tpu.memory_space<vmem>> -> memref<1x128x128xf32, #tpu.memory_space<vmem>>
      %dma_start3A_384 = tpu.memref_squeeze %dma_start3A_383 : memref<1x128x128xf32, #tpu.memory_space<vmem>> -> memref<128x128xf32, #tpu.memory_space<vmem>>
      %dma_start3A_385 = arith.constant 0 : i32
      %dma_start3A_386 = tpu.memref_slice %arg4[%multiple_of3A_379, %dma_start3A_385] : memref<100000x128xf32, #tpu.memory_space<hbm>> -> memref<128x128xf32, #tpu.memory_space<hbm>>
      %dma_start3A_387 = arith.constant 0 : i32
      %dma_start3A_388 = tpu.memref_slice %arg4[%multiple_of3A_379, %dma_start3A_387] : memref<100000x128xf32, #tpu.memory_space<hbm>> -> memref<128x128xf32, #tpu.memory_space<hbm>>
      %dma_start3A_389 = arith.constant 0 : i32
      %dma_start3A_390 = arith.constant 0 : i32
      %dma_start3A_391 = tpu.memref_slice %arg6[%dma_start3A_380, %dma_start3A_389, %dma_start3A_390] : memref<6x128x128xf32, #tpu.memory_space<vmem>> -> memref<1x128x128xf32, #tpu.memory_space<vmem>>
      %dma_start3A_392 = tpu.memref_squeeze %dma_start3A_391 : memref<1x128x128xf32, #tpu.memory_space<vmem>> -> memref<128x128xf32, #tpu.memory_space<vmem>>
      tpu.enqueue_dma source(%dma_start3A_392 : memref<128x128xf32, #tpu.memory_space<vmem>>) target(%dma_start3A_388 : memref<128x128xf32, #tpu.memory_space<hbm>>) target_semaphore(%arg17 : memref<!tpu.dma_semaphore, #tpu.memory_space<semaphore_mem>>)
    } else {
    }
    %gt3A_80 = arith.constant 5 : i32
    %gt3A_81 = arith.cmpi sgt, %select_n3A, %gt3A_80 : i32
    %convert_element_type3A_82 = arith.extui %gt3A_81 : i1 to i32
    %cond3A_83 = arith.constant 0 : i32
    %cond3A_84 = arith.cmpi ne, %convert_element_type3A_82, %cond3A_83 : i32
    scf.if %cond3A_84 {
      %add3A_353 = arith.constant 5 : i32
      %add3A_354 = arith.addi %add3A_6, %add3A_353 : i32
      %mul3A_355 = arith.constant 128 : i32
      %mul3A_356 = arith.muli %add3A_354, %mul3A_355 : i32
      %min3A_357 = arith.constant 99872 : i32
      %min3A_358 = arith.minsi %mul3A_356, %min3A_357 : i32
      %multiple_of3A_359 = tpu.assume_multiple %min3A_358, 8 : i32
      %sub3A_360 = arith.subi %multiple_of3A_359, %multiple_of3A : i32
      %multiple_of3A_361 = tpu.assume_multiple %sub3A_360, 8 : i32
      %add3A_362 = arith.constant 0 : i32
      %add3A_363 = arith.addi %multiple_of3A_361, %add3A_362 : i32
      %dma_start3A_364 = arith.constant 5 : i32
      %dma_start3A_365 = arith.constant 0 : i32
      %dma_start3A_366 = arith.constant 0 : i32
      %dma_start3A_367 = tpu.memref_slice %arg6[%dma_start3A_364, %dma_start3A_365, %dma_start3A_366] : memref<6x128x128xf32, #tpu.memory_space<vmem>> -> memref<1x128x128xf32, #tpu.memory_space<vmem>>
      %dma_start3A_368 = tpu.memref_squeeze %dma_start3A_367 : memref<1x128x128xf32, #tpu.memory_space<vmem>> -> memref<128x128xf32, #tpu.memory_space<vmem>>
      %dma_start3A_369 = tpu.memref_slice %arg5[%add3A_363] : memref<3200xi32, #tpu.memory_space<vmem>> -> memref<128xi32, #tpu.memory_space<vmem>>
      %dma_start3A_370 = arith.constant 0 : i32
      %dma_start3A_371 = arith.constant 0 : i32
      %dma_start3A_372 = tpu.memref_slice %arg7[%dma_start3A_370, %dma_start3A_371] : memref<1024x128xf32, #tpu.memory_space<vmem_shared>> -> memref<1024x128xf32, #tpu.memory_space<vmem_shared>>
      tpu.enqueue_indirect_dma source(%dma_start3A_372 : memref<1024x128xf32, #tpu.memory_space<vmem_shared>>) target(%dma_start3A_368 : memref<128x128xf32, #tpu.memory_space<vmem>>) offsets(%dma_start3A_369 : memref<128xi32, #tpu.memory_space<vmem>>) semaphore(%arg13 : memref<!tpu.dma_semaphore, #tpu.memory_space<semaphore_mem>>)
    } else {
    }
    %gt3A_85 = arith.constant 4 : i32
    %gt3A_86 = arith.cmpi sgt, %select_n3A, %gt3A_85 : i32
    %convert_element_type3A_87 = arith.extui %gt3A_86 : i1 to i32
    %cond3A_88 = arith.constant 0 : i32
    %cond3A_89 = arith.cmpi ne, %convert_element_type3A_87, %cond3A_88 : i32
    scf.if %cond3A_89 {
      %add3A_353 = arith.constant 4 : i32
      %add3A_354 = arith.addi %add3A_6, %add3A_353 : i32
      %mul3A_355 = arith.constant 128 : i32
      %mul3A_356 = arith.muli %add3A_354, %mul3A_355 : i32
      %min3A_357 = arith.constant 99872 : i32
      %min3A_358 = arith.minsi %mul3A_356, %min3A_357 : i32
      %multiple_of3A_359 = tpu.assume_multiple %min3A_358, 8 : i32
      %sub3A_360 = arith.subi %multiple_of3A_359, %multiple_of3A : i32
      %multiple_of3A_361 = tpu.assume_multiple %sub3A_360, 8 : i32
      %add3A_362 = arith.constant 0 : i32
      %add3A_363 = arith.addi %multiple_of3A_361, %add3A_362 : i32
      %dma_wait3A_364 = arith.constant 4 : i32
      %dma_wait3A_365 = arith.constant 0 : i32
      %dma_wait3A_366 = arith.constant 0 : i32
      %dma_wait3A_367 = tpu.memref_slice %arg6[%dma_wait3A_364, %dma_wait3A_365, %dma_wait3A_366] : memref<6x128x128xf32, #tpu.memory_space<vmem>> -> memref<1x128x128xf32, #tpu.memory_space<vmem>>
      %dma_wait3A_368 = tpu.memref_squeeze %dma_wait3A_367 : memref<1x128x128xf32, #tpu.memory_space<vmem>> -> memref<128x128xf32, #tpu.memory_space<vmem>>
      %dma_wait3A_369 = tpu.memref_slice %arg5[%add3A_363] : memref<3200xi32, #tpu.memory_space<vmem>> -> memref<128xi32, #tpu.memory_space<vmem>>
      %dma_wait3A_370 = arith.constant 0 : i32
      %dma_wait3A_371 = arith.constant 0 : i32
      %dma_wait3A_372 = tpu.memref_slice %arg7[%dma_wait3A_370, %dma_wait3A_371] : memref<1024x128xf32, #tpu.memory_space<vmem_shared>> -> memref<1024x128xf32, #tpu.memory_space<vmem_shared>>
      tpu.wait_indirect_dma semaphore(%arg12 : memref<!tpu.dma_semaphore, #tpu.memory_space<semaphore_mem>>) src(%dma_wait3A_372 : memref<1024x128xf32, #tpu.memory_space<vmem_shared>>) dst(%dma_wait3A_368 : memref<128x128xf32, #tpu.memory_space<vmem>>)
      %add3A_373 = arith.constant 4 : i32
      %add3A_374 = arith.addi %add3A_6, %add3A_373 : i32
      %mul3A_375 = arith.constant 128 : i32
      %mul3A_376 = arith.muli %add3A_374, %mul3A_375 : i32
      %min3A_377 = arith.constant 99872 : i32
      %min3A_378 = arith.minsi %mul3A_376, %min3A_377 : i32
      %multiple_of3A_379 = tpu.assume_multiple %min3A_378, 8 : i32
      %dma_start3A_380 = arith.constant 4 : i32
      %dma_start3A_381 = arith.constant 0 : i32
      %dma_start3A_382 = arith.constant 0 : i32
      %dma_start3A_383 = tpu.memref_slice %arg6[%dma_start3A_380, %dma_start3A_381, %dma_start3A_382] : memref<6x128x128xf32, #tpu.memory_space<vmem>> -> memref<1x128x128xf32, #tpu.memory_space<vmem>>
      %dma_start3A_384 = tpu.memref_squeeze %dma_start3A_383 : memref<1x128x128xf32, #tpu.memory_space<vmem>> -> memref<128x128xf32, #tpu.memory_space<vmem>>
      %dma_start3A_385 = arith.constant 0 : i32
      %dma_start3A_386 = tpu.memref_slice %arg4[%multiple_of3A_379, %dma_start3A_385] : memref<100000x128xf32, #tpu.memory_space<hbm>> -> memref<128x128xf32, #tpu.memory_space<hbm>>
      %dma_start3A_387 = arith.constant 0 : i32
      %dma_start3A_388 = tpu.memref_slice %arg4[%multiple_of3A_379, %dma_start3A_387] : memref<100000x128xf32, #tpu.memory_space<hbm>> -> memref<128x128xf32, #tpu.memory_space<hbm>>
      %dma_start3A_389 = arith.constant 0 : i32
      %dma_start3A_390 = arith.constant 0 : i32
      %dma_start3A_391 = tpu.memref_slice %arg6[%dma_start3A_380, %dma_start3A_389, %dma_start3A_390] : memref<6x128x128xf32, #tpu.memory_space<vmem>> -> memref<1x128x128xf32, #tpu.memory_space<vmem>>
      %dma_start3A_392 = tpu.memref_squeeze %dma_start3A_391 : memref<1x128x128xf32, #tpu.memory_space<vmem>> -> memref<128x128xf32, #tpu.memory_space<vmem>>
      tpu.enqueue_dma source(%dma_start3A_392 : memref<128x128xf32, #tpu.memory_space<vmem>>) target(%dma_start3A_388 : memref<128x128xf32, #tpu.memory_space<hbm>>) target_semaphore(%arg18 : memref<!tpu.dma_semaphore, #tpu.memory_space<semaphore_mem>>)
    } else {
    }
    %gt3A_90 = arith.constant 6 : i32
    %gt3A_91 = arith.cmpi sgt, %select_n3A, %gt3A_90 : i32
    %convert_element_type3A_92 = arith.extui %gt3A_91 : i1 to i32
    %cond3A_93 = arith.constant 0 : i32
    %cond3A_94 = arith.cmpi ne, %convert_element_type3A_92, %cond3A_93 : i32
    scf.if %cond3A_94 {
      %add3A_353 = arith.constant 0 : i32
      %add3A_354 = arith.addi %add3A_6, %add3A_353 : i32
      %mul3A_355 = arith.constant 128 : i32
      %mul3A_356 = arith.muli %add3A_354, %mul3A_355 : i32
      %min3A_357 = arith.constant 99872 : i32
      %min3A_358 = arith.minsi %mul3A_356, %min3A_357 : i32
      %multiple_of3A_359 = tpu.assume_multiple %min3A_358, 8 : i32
      %dma_wait3A_360 = arith.constant 0 : i32
      %dma_wait3A_361 = arith.constant 0 : i32
      %dma_wait3A_362 = arith.constant 0 : i32
      %dma_wait3A_363 = tpu.memref_slice %arg6[%dma_wait3A_360, %dma_wait3A_361, %dma_wait3A_362] : memref<6x128x128xf32, #tpu.memory_space<vmem>> -> memref<1x128x128xf32, #tpu.memory_space<vmem>>
      %dma_wait3A_364 = tpu.memref_squeeze %dma_wait3A_363 : memref<1x128x128xf32, #tpu.memory_space<vmem>> -> memref<128x128xf32, #tpu.memory_space<vmem>>
      %dma_wait3A_365 = arith.constant 0 : i32
      %dma_wait3A_366 = tpu.memref_slice %arg4[%multiple_of3A_359, %dma_wait3A_365] : memref<100000x128xf32, #tpu.memory_space<hbm>> -> memref<128x128xf32, #tpu.memory_space<hbm>>
      %dma_wait3A_367 = arith.constant 0 : i32
      %dma_wait3A_368 = tpu.memref_slice %arg4[%multiple_of3A_359, %dma_wait3A_367] : memref<100000x128xf32, #tpu.memory_space<hbm>> -> memref<128x128xf32, #tpu.memory_space<hbm>>
      %dma_wait3A_369 = arith.constant 0 : i32
      %dma_wait3A_370 = arith.constant 0 : i32
      %dma_wait3A_371 = tpu.memref_slice %arg6[%dma_wait3A_360, %dma_wait3A_369, %dma_wait3A_370] : memref<6x128x128xf32, #tpu.memory_space<vmem>> -> memref<1x128x128xf32, #tpu.memory_space<vmem>>
      %dma_wait3A_372 = tpu.memref_squeeze %dma_wait3A_371 : memref<1x128x128xf32, #tpu.memory_space<vmem>> -> memref<128x128xf32, #tpu.memory_space<vmem>>
      tpu.wait_dma2 semaphore(%arg14 : memref<!tpu.dma_semaphore, #tpu.memory_space<semaphore_mem>>) src(%dma_wait3A_372 : memref<128x128xf32, #tpu.memory_space<vmem>>) dst(%dma_wait3A_368 : memref<128x128xf32, #tpu.memory_space<hbm>>)
      %add3A_373 = arith.constant 6 : i32
      %add3A_374 = arith.addi %add3A_6, %add3A_373 : i32
      %mul3A_375 = arith.constant 128 : i32
      %mul3A_376 = arith.muli %add3A_374, %mul3A_375 : i32
      %min3A_377 = arith.constant 99872 : i32
      %min3A_378 = arith.minsi %mul3A_376, %min3A_377 : i32
      %multiple_of3A_379 = tpu.assume_multiple %min3A_378, 8 : i32
      %sub3A_380 = arith.subi %multiple_of3A_379, %multiple_of3A : i32
      %multiple_of3A_381 = tpu.assume_multiple %sub3A_380, 8 : i32
      %add3A_382 = arith.constant 0 : i32
      %add3A_383 = arith.addi %multiple_of3A_381, %add3A_382 : i32
      %dma_start3A_384 = arith.constant 0 : i32
      %dma_start3A_385 = arith.constant 0 : i32
      %dma_start3A_386 = arith.constant 0 : i32
      %dma_start3A_387 = tpu.memref_slice %arg6[%dma_start3A_384, %dma_start3A_385, %dma_start3A_386] : memref<6x128x128xf32, #tpu.memory_space<vmem>> -> memref<1x128x128xf32, #tpu.memory_space<vmem>>
      %dma_start3A_388 = tpu.memref_squeeze %dma_start3A_387 : memref<1x128x128xf32, #tpu.memory_space<vmem>> -> memref<128x128xf32, #tpu.memory_space<vmem>>
      %dma_start3A_389 = tpu.memref_slice %arg5[%add3A_383] : memref<3200xi32, #tpu.memory_space<vmem>> -> memref<128xi32, #tpu.memory_space<vmem>>
      %dma_start3A_390 = arith.constant 0 : i32
      %dma_start3A_391 = arith.constant 0 : i32
      %dma_start3A_392 = tpu.memref_slice %arg7[%dma_start3A_390, %dma_start3A_391] : memref<1024x128xf32, #tpu.memory_space<vmem_shared>> -> memref<1024x128xf32, #tpu.memory_space<vmem_shared>>
      tpu.enqueue_indirect_dma source(%dma_start3A_392 : memref<1024x128xf32, #tpu.memory_space<vmem_shared>>) target(%dma_start3A_388 : memref<128x128xf32, #tpu.memory_space<vmem>>) offsets(%dma_start3A_389 : memref<128xi32, #tpu.memory_space<vmem>>) semaphore(%arg8 : memref<!tpu.dma_semaphore, #tpu.memory_space<semaphore_mem>>)
    } else {
    }
    %gt3A_95 = arith.constant 5 : i32
    %gt3A_96 = arith.cmpi sgt, %select_n3A, %gt3A_95 : i32
    %convert_element_type3A_97 = arith.extui %gt3A_96 : i1 to i32
    %cond3A_98 = arith.constant 0 : i32
    %cond3A_99 = arith.cmpi ne, %convert_element_type3A_97, %cond3A_98 : i32
    scf.if %cond3A_99 {
      %add3A_353 = arith.constant 5 : i32
      %add3A_354 = arith.addi %add3A_6, %add3A_353 : i32
      %mul3A_355 = arith.constant 128 : i32
      %mul3A_356 = arith.muli %add3A_354, %mul3A_355 : i32
      %min3A_357 = arith.constant 99872 : i32
      %min3A_358 = arith.minsi %mul3A_356, %min3A_357 : i32
      %multiple_of3A_359 = tpu.assume_multiple %min3A_358, 8 : i32
      %sub3A_360 = arith.subi %multiple_of3A_359, %multiple_of3A : i32
      %multiple_of3A_361 = tpu.assume_multiple %sub3A_360, 8 : i32
      %add3A_362 = arith.constant 0 : i32
      %add3A_363 = arith.addi %multiple_of3A_361, %add3A_362 : i32
      %dma_wait3A_364 = arith.constant 5 : i32
      %dma_wait3A_365 = arith.constant 0 : i32
      %dma_wait3A_366 = arith.constant 0 : i32
      %dma_wait3A_367 = tpu.memref_slice %arg6[%dma_wait3A_364, %dma_wait3A_365, %dma_wait3A_366] : memref<6x128x128xf32, #tpu.memory_space<vmem>> -> memref<1x128x128xf32, #tpu.memory_space<vmem>>
      %dma_wait3A_368 = tpu.memref_squeeze %dma_wait3A_367 : memref<1x128x128xf32, #tpu.memory_space<vmem>> -> memref<128x128xf32, #tpu.memory_space<vmem>>
      %dma_wait3A_369 = tpu.memref_slice %arg5[%add3A_363] : memref<3200xi32, #tpu.memory_space<vmem>> -> memref<128xi32, #tpu.memory_space<vmem>>
      %dma_wait3A_370 = arith.constant 0 : i32
      %dma_wait3A_371 = arith.constant 0 : i32
      %dma_wait3A_372 = tpu.memref_slice %arg7[%dma_wait3A_370, %dma_wait3A_371] : memref<1024x128xf32, #tpu.memory_space<vmem_shared>> -> memref<1024x128xf32, #tpu.memory_space<vmem_shared>>
      tpu.wait_indirect_dma semaphore(%arg13 : memref<!tpu.dma_semaphore, #tpu.memory_space<semaphore_mem>>) src(%dma_wait3A_372 : memref<1024x128xf32, #tpu.memory_space<vmem_shared>>) dst(%dma_wait3A_368 : memref<128x128xf32, #tpu.memory_space<vmem>>)
      %add3A_373 = arith.constant 5 : i32
      %add3A_374 = arith.addi %add3A_6, %add3A_373 : i32
      %mul3A_375 = arith.constant 128 : i32
      %mul3A_376 = arith.muli %add3A_374, %mul3A_375 : i32
      %min3A_377 = arith.constant 99872 : i32
      %min3A_378 = arith.minsi %mul3A_376, %min3A_377 : i32
      %multiple_of3A_379 = tpu.assume_multiple %min3A_378, 8 : i32
      %dma_start3A_380 = arith.constant 5 : i32
      %dma_start3A_381 = arith.constant 0 : i32
      %dma_start3A_382 = arith.constant 0 : i32
      %dma_start3A_383 = tpu.memref_slice %arg6[%dma_start3A_380, %dma_start3A_381, %dma_start3A_382] : memref<6x128x128xf32, #tpu.memory_space<vmem>> -> memref<1x128x128xf32, #tpu.memory_space<vmem>>
      %dma_start3A_384 = tpu.memref_squeeze %dma_start3A_383 : memref<1x128x128xf32, #tpu.memory_space<vmem>> -> memref<128x128xf32, #tpu.memory_space<vmem>>
      %dma_start3A_385 = arith.constant 0 : i32
      %dma_start3A_386 = tpu.memref_slice %arg4[%multiple_of3A_379, %dma_start3A_385] : memref<100000x128xf32, #tpu.memory_space<hbm>> -> memref<128x128xf32, #tpu.memory_space<hbm>>
      %dma_start3A_387 = arith.constant 0 : i32
      %dma_start3A_388 = tpu.memref_slice %arg4[%multiple_of3A_379, %dma_start3A_387] : memref<100000x128xf32, #tpu.memory_space<hbm>> -> memref<128x128xf32, #tpu.memory_space<hbm>>
      %dma_start3A_389 = arith.constant 0 : i32
      %dma_start3A_390 = arith.constant 0 : i32
      %dma_start3A_391 = tpu.memref_slice %arg6[%dma_start3A_380, %dma_start3A_389, %dma_start3A_390] : memref<6x128x128xf32, #tpu.memory_space<vmem>> -> memref<1x128x128xf32, #tpu.memory_space<vmem>>
      %dma_start3A_392 = tpu.memref_squeeze %dma_start3A_391 : memref<1x128x128xf32, #tpu.memory_space<vmem>> -> memref<128x128xf32, #tpu.memory_space<vmem>>
      tpu.enqueue_dma source(%dma_start3A_392 : memref<128x128xf32, #tpu.memory_space<vmem>>) target(%dma_start3A_388 : memref<128x128xf32, #tpu.memory_space<hbm>>) target_semaphore(%arg19 : memref<!tpu.dma_semaphore, #tpu.memory_space<semaphore_mem>>)
    } else {
    }
    %gt3A_100 = arith.constant 7 : i32
    %gt3A_101 = arith.cmpi sgt, %select_n3A, %gt3A_100 : i32
    %convert_element_type3A_102 = arith.extui %gt3A_101 : i1 to i32
    %cond3A_103 = arith.constant 0 : i32
    %cond3A_104 = arith.cmpi ne, %convert_element_type3A_102, %cond3A_103 : i32
    scf.if %cond3A_104 {
      %add3A_353 = arith.constant 1 : i32
      %add3A_354 = arith.addi %add3A_6, %add3A_353 : i32
      %mul3A_355 = arith.constant 128 : i32
      %mul3A_356 = arith.muli %add3A_354, %mul3A_355 : i32
      %min3A_357 = arith.constant 99872 : i32
      %min3A_358 = arith.minsi %mul3A_356, %min3A_357 : i32
      %multiple_of3A_359 = tpu.assume_multiple %min3A_358, 8 : i32
      %dma_wait3A_360 = arith.constant 1 : i32
      %dma_wait3A_361 = arith.constant 0 : i32
      %dma_wait3A_362 = arith.constant 0 : i32
      %dma_wait3A_363 = tpu.memref_slice %arg6[%dma_wait3A_360, %dma_wait3A_361, %dma_wait3A_362] : memref<6x128x128xf32, #tpu.memory_space<vmem>> -> memref<1x128x128xf32, #tpu.memory_space<vmem>>
      %dma_wait3A_364 = tpu.memref_squeeze %dma_wait3A_363 : memref<1x128x128xf32, #tpu.memory_space<vmem>> -> memref<128x128xf32, #tpu.memory_space<vmem>>
      %dma_wait3A_365 = arith.constant 0 : i32
      %dma_wait3A_366 = tpu.memref_slice %arg4[%multiple_of3A_359, %dma_wait3A_365] : memref<100000x128xf32, #tpu.memory_space<hbm>> -> memref<128x128xf32, #tpu.memory_space<hbm>>
      %dma_wait3A_367 = arith.constant 0 : i32
      %dma_wait3A_368 = tpu.memref_slice %arg4[%multiple_of3A_359, %dma_wait3A_367] : memref<100000x128xf32, #tpu.memory_space<hbm>> -> memref<128x128xf32, #tpu.memory_space<hbm>>
      %dma_wait3A_369 = arith.constant 0 : i32
      %dma_wait3A_370 = arith.constant 0 : i32
      %dma_wait3A_371 = tpu.memref_slice %arg6[%dma_wait3A_360, %dma_wait3A_369, %dma_wait3A_370] : memref<6x128x128xf32, #tpu.memory_space<vmem>> -> memref<1x128x128xf32, #tpu.memory_space<vmem>>
      %dma_wait3A_372 = tpu.memref_squeeze %dma_wait3A_371 : memref<1x128x128xf32, #tpu.memory_space<vmem>> -> memref<128x128xf32, #tpu.memory_space<vmem>>
      tpu.wait_dma2 semaphore(%arg15 : memref<!tpu.dma_semaphore, #tpu.memory_space<semaphore_mem>>) src(%dma_wait3A_372 : memref<128x128xf32, #tpu.memory_space<vmem>>) dst(%dma_wait3A_368 : memref<128x128xf32, #tpu.memory_space<hbm>>)
      %add3A_373 = arith.constant 7 : i32
      %add3A_374 = arith.addi %add3A_6, %add3A_373 : i32
      %mul3A_375 = arith.constant 128 : i32
      %mul3A_376 = arith.muli %add3A_374, %mul3A_375 : i32
      %min3A_377 = arith.constant 99872 : i32
      %min3A_378 = arith.minsi %mul3A_376, %min3A_377 : i32
      %multiple_of3A_379 = tpu.assume_multiple %min3A_378, 8 : i32
      %sub3A_380 = arith.subi %multiple_of3A_379, %multiple_of3A : i32
      %multiple_of3A_381 = tpu.assume_multiple %sub3A_380, 8 : i32
      %add3A_382 = arith.constant 0 : i32
      %add3A_383 = arith.addi %multiple_of3A_381, %add3A_382 : i32
      %dma_start3A_384 = arith.constant 1 : i32
      %dma_start3A_385 = arith.constant 0 : i32
      %dma_start3A_386 = arith.constant 0 : i32
      %dma_start3A_387 = tpu.memref_slice %arg6[%dma_start3A_384, %dma_start3A_385, %dma_start3A_386] : memref<6x128x128xf32, #tpu.memory_space<vmem>> -> memref<1x128x128xf32, #tpu.memory_space<vmem>>
      %dma_start3A_388 = tpu.memref_squeeze %dma_start3A_387 : memref<1x128x128xf32, #tpu.memory_space<vmem>> -> memref<128x128xf32, #tpu.memory_space<vmem>>
      %dma_start3A_389 = tpu.memref_slice %arg5[%add3A_383] : memref<3200xi32, #tpu.memory_space<vmem>> -> memref<128xi32, #tpu.memory_space<vmem>>
      %dma_start3A_390 = arith.constant 0 : i32
      %dma_start3A_391 = arith.constant 0 : i32
      %dma_start3A_392 = tpu.memref_slice %arg7[%dma_start3A_390, %dma_start3A_391] : memref<1024x128xf32, #tpu.memory_space<vmem_shared>> -> memref<1024x128xf32, #tpu.memory_space<vmem_shared>>
      tpu.enqueue_indirect_dma source(%dma_start3A_392 : memref<1024x128xf32, #tpu.memory_space<vmem_shared>>) target(%dma_start3A_388 : memref<128x128xf32, #tpu.memory_space<vmem>>) offsets(%dma_start3A_389 : memref<128xi32, #tpu.memory_space<vmem>>) semaphore(%arg9 : memref<!tpu.dma_semaphore, #tpu.memory_space<semaphore_mem>>)
    } else {
    }
    %gt3A_105 = arith.constant 6 : i32
    %gt3A_106 = arith.cmpi sgt, %select_n3A, %gt3A_105 : i32
    %convert_element_type3A_107 = arith.extui %gt3A_106 : i1 to i32
    %cond3A_108 = arith.constant 0 : i32
    %cond3A_109 = arith.cmpi ne, %convert_element_type3A_107, %cond3A_108 : i32
    scf.if %cond3A_109 {
      %add3A_353 = arith.constant 6 : i32
      %add3A_354 = arith.addi %add3A_6, %add3A_353 : i32
      %mul3A_355 = arith.constant 128 : i32
      %mul3A_356 = arith.muli %add3A_354, %mul3A_355 : i32
      %min3A_357 = arith.constant 99872 : i32
      %min3A_358 = arith.minsi %mul3A_356, %min3A_357 : i32
      %multiple_of3A_359 = tpu.assume_multiple %min3A_358, 8 : i32
      %sub3A_360 = arith.subi %multiple_of3A_359, %multiple_of3A : i32
      %multiple_of3A_361 = tpu.assume_multiple %sub3A_360, 8 : i32
      %add3A_362 = arith.constant 0 : i32
      %add3A_363 = arith.addi %multiple_of3A_361, %add3A_362 : i32
      %dma_wait3A_364 = arith.constant 0 : i32
      %dma_wait3A_365 = arith.constant 0 : i32
      %dma_wait3A_366 = arith.constant 0 : i32
      %dma_wait3A_367 = tpu.memref_slice %arg6[%dma_wait3A_364, %dma_wait3A_365, %dma_wait3A_366] : memref<6x128x128xf32, #tpu.memory_space<vmem>> -> memref<1x128x128xf32, #tpu.memory_space<vmem>>
      %dma_wait3A_368 = tpu.memref_squeeze %dma_wait3A_367 : memref<1x128x128xf32, #tpu.memory_space<vmem>> -> memref<128x128xf32, #tpu.memory_space<vmem>>
      %dma_wait3A_369 = tpu.memref_slice %arg5[%add3A_363] : memref<3200xi32, #tpu.memory_space<vmem>> -> memref<128xi32, #tpu.memory_space<vmem>>
      %dma_wait3A_370 = arith.constant 0 : i32
      %dma_wait3A_371 = arith.constant 0 : i32
      %dma_wait3A_372 = tpu.memref_slice %arg7[%dma_wait3A_370, %dma_wait3A_371] : memref<1024x128xf32, #tpu.memory_space<vmem_shared>> -> memref<1024x128xf32, #tpu.memory_space<vmem_shared>>
      tpu.wait_indirect_dma semaphore(%arg8 : memref<!tpu.dma_semaphore, #tpu.memory_space<semaphore_mem>>) src(%dma_wait3A_372 : memref<1024x128xf32, #tpu.memory_space<vmem_shared>>) dst(%dma_wait3A_368 : memref<128x128xf32, #tpu.memory_space<vmem>>)
      %add3A_373 = arith.constant 6 : i32
      %add3A_374 = arith.addi %add3A_6, %add3A_373 : i32
      %mul3A_375 = arith.constant 128 : i32
      %mul3A_376 = arith.muli %add3A_374, %mul3A_375 : i32
      %min3A_377 = arith.constant 99872 : i32
      %min3A_378 = arith.minsi %mul3A_376, %min3A_377 : i32
      %multiple_of3A_379 = tpu.assume_multiple %min3A_378, 8 : i32
      %dma_start3A_380 = arith.constant 0 : i32
      %dma_start3A_381 = arith.constant 0 : i32
      %dma_start3A_382 = arith.constant 0 : i32
      %dma_start3A_383 = tpu.memref_slice %arg6[%dma_start3A_380, %dma_start3A_381, %dma_start3A_382] : memref<6x128x128xf32, #tpu.memory_space<vmem>> -> memref<1x128x128xf32, #tpu.memory_space<vmem>>
      %dma_start3A_384 = tpu.memref_squeeze %dma_start3A_383 : memref<1x128x128xf32, #tpu.memory_space<vmem>> -> memref<128x128xf32, #tpu.memory_space<vmem>>
      %dma_start3A_385 = arith.constant 0 : i32
      %dma_start3A_386 = tpu.memref_slice %arg4[%multiple_of3A_379, %dma_start3A_385] : memref<100000x128xf32, #tpu.memory_space<hbm>> -> memref<128x128xf32, #tpu.memory_space<hbm>>
      %dma_start3A_387 = arith.constant 0 : i32
      %dma_start3A_388 = tpu.memref_slice %arg4[%multiple_of3A_379, %dma_start3A_387] : memref<100000x128xf32, #tpu.memory_space<hbm>> -> memref<128x128xf32, #tpu.memory_space<hbm>>
      %dma_start3A_389 = arith.constant 0 : i32
      %dma_start3A_390 = arith.constant 0 : i32
      %dma_start3A_391 = tpu.memref_slice %arg6[%dma_start3A_380, %dma_start3A_389, %dma_start3A_390] : memref<6x128x128xf32, #tpu.memory_space<vmem>> -> memref<1x128x128xf32, #tpu.memory_space<vmem>>
      %dma_start3A_392 = tpu.memref_squeeze %dma_start3A_391 : memref<1x128x128xf32, #tpu.memory_space<vmem>> -> memref<128x128xf32, #tpu.memory_space<vmem>>
      tpu.enqueue_dma source(%dma_start3A_392 : memref<128x128xf32, #tpu.memory_space<vmem>>) target(%dma_start3A_388 : memref<128x128xf32, #tpu.memory_space<hbm>>) target_semaphore(%arg14 : memref<!tpu.dma_semaphore, #tpu.memory_space<semaphore_mem>>)
    } else {
    }
    %gt3A_110 = arith.constant 8 : i32
    %gt3A_111 = arith.cmpi sgt, %select_n3A, %gt3A_110 : i32
    %convert_element_type3A_112 = arith.extui %gt3A_111 : i1 to i32
    %cond3A_113 = arith.constant 0 : i32
    %cond3A_114 = arith.cmpi ne, %convert_element_type3A_112, %cond3A_113 : i32
    scf.if %cond3A_114 {
      %add3A_353 = arith.constant 2 : i32
      %add3A_354 = arith.addi %add3A_6, %add3A_353 : i32
      %mul3A_355 = arith.constant 128 : i32
      %mul3A_356 = arith.muli %add3A_354, %mul3A_355 : i32
      %min3A_357 = arith.constant 99872 : i32
      %min3A_358 = arith.minsi %mul3A_356, %min3A_357 : i32
      %multiple_of3A_359 = tpu.assume_multiple %min3A_358, 8 : i32
      %dma_wait3A_360 = arith.constant 2 : i32
      %dma_wait3A_361 = arith.constant 0 : i32
      %dma_wait3A_362 = arith.constant 0 : i32
      %dma_wait3A_363 = tpu.memref_slice %arg6[%dma_wait3A_360, %dma_wait3A_361, %dma_wait3A_362] : memref<6x128x128xf32, #tpu.memory_space<vmem>> -> memref<1x128x128xf32, #tpu.memory_space<vmem>>
      %dma_wait3A_364 = tpu.memref_squeeze %dma_wait3A_363 : memref<1x128x128xf32, #tpu.memory_space<vmem>> -> memref<128x128xf32, #tpu.memory_space<vmem>>
      %dma_wait3A_365 = arith.constant 0 : i32
      %dma_wait3A_366 = tpu.memref_slice %arg4[%multiple_of3A_359, %dma_wait3A_365] : memref<100000x128xf32, #tpu.memory_space<hbm>> -> memref<128x128xf32, #tpu.memory_space<hbm>>
      %dma_wait3A_367 = arith.constant 0 : i32
      %dma_wait3A_368 = tpu.memref_slice %arg4[%multiple_of3A_359, %dma_wait3A_367] : memref<100000x128xf32, #tpu.memory_space<hbm>> -> memref<128x128xf32, #tpu.memory_space<hbm>>
      %dma_wait3A_369 = arith.constant 0 : i32
      %dma_wait3A_370 = arith.constant 0 : i32
      %dma_wait3A_371 = tpu.memref_slice %arg6[%dma_wait3A_360, %dma_wait3A_369, %dma_wait3A_370] : memref<6x128x128xf32, #tpu.memory_space<vmem>> -> memref<1x128x128xf32, #tpu.memory_space<vmem>>
      %dma_wait3A_372 = tpu.memref_squeeze %dma_wait3A_371 : memref<1x128x128xf32, #tpu.memory_space<vmem>> -> memref<128x128xf32, #tpu.memory_space<vmem>>
      tpu.wait_dma2 semaphore(%arg16 : memref<!tpu.dma_semaphore, #tpu.memory_space<semaphore_mem>>) src(%dma_wait3A_372 : memref<128x128xf32, #tpu.memory_space<vmem>>) dst(%dma_wait3A_368 : memref<128x128xf32, #tpu.memory_space<hbm>>)
      %add3A_373 = arith.constant 8 : i32
      %add3A_374 = arith.addi %add3A_6, %add3A_373 : i32
      %mul3A_375 = arith.constant 128 : i32
      %mul3A_376 = arith.muli %add3A_374, %mul3A_375 : i32
      %min3A_377 = arith.constant 99872 : i32
      %min3A_378 = arith.minsi %mul3A_376, %min3A_377 : i32
      %multiple_of3A_379 = tpu.assume_multiple %min3A_378, 8 : i32
      %sub3A_380 = arith.subi %multiple_of3A_379, %multiple_of3A : i32
      %multiple_of3A_381 = tpu.assume_multiple %sub3A_380, 8 : i32
      %add3A_382 = arith.constant 0 : i32
      %add3A_383 = arith.addi %multiple_of3A_381, %add3A_382 : i32
      %dma_start3A_384 = arith.constant 2 : i32
      %dma_start3A_385 = arith.constant 0 : i32
      %dma_start3A_386 = arith.constant 0 : i32
      %dma_start3A_387 = tpu.memref_slice %arg6[%dma_start3A_384, %dma_start3A_385, %dma_start3A_386] : memref<6x128x128xf32, #tpu.memory_space<vmem>> -> memref<1x128x128xf32, #tpu.memory_space<vmem>>
      %dma_start3A_388 = tpu.memref_squeeze %dma_start3A_387 : memref<1x128x128xf32, #tpu.memory_space<vmem>> -> memref<128x128xf32, #tpu.memory_space<vmem>>
      %dma_start3A_389 = tpu.memref_slice %arg5[%add3A_383] : memref<3200xi32, #tpu.memory_space<vmem>> -> memref<128xi32, #tpu.memory_space<vmem>>
      %dma_start3A_390 = arith.constant 0 : i32
      %dma_start3A_391 = arith.constant 0 : i32
      %dma_start3A_392 = tpu.memref_slice %arg7[%dma_start3A_390, %dma_start3A_391] : memref<1024x128xf32, #tpu.memory_space<vmem_shared>> -> memref<1024x128xf32, #tpu.memory_space<vmem_shared>>
      tpu.enqueue_indirect_dma source(%dma_start3A_392 : memref<1024x128xf32, #tpu.memory_space<vmem_shared>>) target(%dma_start3A_388 : memref<128x128xf32, #tpu.memory_space<vmem>>) offsets(%dma_start3A_389 : memref<128xi32, #tpu.memory_space<vmem>>) semaphore(%arg10 : memref<!tpu.dma_semaphore, #tpu.memory_space<semaphore_mem>>)
    } else {
    }
    %gt3A_115 = arith.constant 7 : i32
    %gt3A_116 = arith.cmpi sgt, %select_n3A, %gt3A_115 : i32
    %convert_element_type3A_117 = arith.extui %gt3A_116 : i1 to i32
    %cond3A_118 = arith.constant 0 : i32
    %cond3A_119 = arith.cmpi ne, %convert_element_type3A_117, %cond3A_118 : i32
    scf.if %cond3A_119 {
      %add3A_353 = arith.constant 7 : i32
      %add3A_354 = arith.addi %add3A_6, %add3A_353 : i32
      %mul3A_355 = arith.constant 128 : i32
      %mul3A_356 = arith.muli %add3A_354, %mul3A_355 : i32
      %min3A_357 = arith.constant 99872 : i32
      %min3A_358 = arith.minsi %mul3A_356, %min3A_357 : i32
      %multiple_of3A_359 = tpu.assume_multiple %min3A_358, 8 : i32
      %sub3A_360 = arith.subi %multiple_of3A_359, %multiple_of3A : i32
      %multiple_of3A_361 = tpu.assume_multiple %sub3A_360, 8 : i32
      %add3A_362 = arith.constant 0 : i32
      %add3A_363 = arith.addi %multiple_of3A_361, %add3A_362 : i32
      %dma_wait3A_364 = arith.constant 1 : i32
      %dma_wait3A_365 = arith.constant 0 : i32
      %dma_wait3A_366 = arith.constant 0 : i32
      %dma_wait3A_367 = tpu.memref_slice %arg6[%dma_wait3A_364, %dma_wait3A_365, %dma_wait3A_366] : memref<6x128x128xf32, #tpu.memory_space<vmem>> -> memref<1x128x128xf32, #tpu.memory_space<vmem>>
      %dma_wait3A_368 = tpu.memref_squeeze %dma_wait3A_367 : memref<1x128x128xf32, #tpu.memory_space<vmem>> -> memref<128x128xf32, #tpu.memory_space<vmem>>
      %dma_wait3A_369 = tpu.memref_slice %arg5[%add3A_363] : memref<3200xi32, #tpu.memory_space<vmem>> -> memref<128xi32, #tpu.memory_space<vmem>>
      %dma_wait3A_370 = arith.constant 0 : i32
      %dma_wait3A_371 = arith.constant 0 : i32
      %dma_wait3A_372 = tpu.memref_slice %arg7[%dma_wait3A_370, %dma_wait3A_371] : memref<1024x128xf32, #tpu.memory_space<vmem_shared>> -> memref<1024x128xf32, #tpu.memory_space<vmem_shared>>
      tpu.wait_indirect_dma semaphore(%arg9 : memref<!tpu.dma_semaphore, #tpu.memory_space<semaphore_mem>>) src(%dma_wait3A_372 : memref<1024x128xf32, #tpu.memory_space<vmem_shared>>) dst(%dma_wait3A_368 : memref<128x128xf32, #tpu.memory_space<vmem>>)
      %add3A_373 = arith.constant 7 : i32
      %add3A_374 = arith.addi %add3A_6, %add3A_373 : i32
      %mul3A_375 = arith.constant 128 : i32
      %mul3A_376 = arith.muli %add3A_374, %mul3A_375 : i32
      %min3A_377 = arith.constant 99872 : i32
      %min3A_378 = arith.minsi %mul3A_376, %min3A_377 : i32
      %multiple_of3A_379 = tpu.assume_multiple %min3A_378, 8 : i32
      %dma_start3A_380 = arith.constant 1 : i32
      %dma_start3A_381 = arith.constant 0 : i32
      %dma_start3A_382 = arith.constant 0 : i32
      %dma_start3A_383 = tpu.memref_slice %arg6[%dma_start3A_380, %dma_start3A_381, %dma_start3A_382] : memref<6x128x128xf32, #tpu.memory_space<vmem>> -> memref<1x128x128xf32, #tpu.memory_space<vmem>>
      %dma_start3A_384 = tpu.memref_squeeze %dma_start3A_383 : memref<1x128x128xf32, #tpu.memory_space<vmem>> -> memref<128x128xf32, #tpu.memory_space<vmem>>
      %dma_start3A_385 = arith.constant 0 : i32
      %dma_start3A_386 = tpu.memref_slice %arg4[%multiple_of3A_379, %dma_start3A_385] : memref<100000x128xf32, #tpu.memory_space<hbm>> -> memref<128x128xf32, #tpu.memory_space<hbm>>
      %dma_start3A_387 = arith.constant 0 : i32
      %dma_start3A_388 = tpu.memref_slice %arg4[%multiple_of3A_379, %dma_start3A_387] : memref<100000x128xf32, #tpu.memory_space<hbm>> -> memref<128x128xf32, #tpu.memory_space<hbm>>
      %dma_start3A_389 = arith.constant 0 : i32
      %dma_start3A_390 = arith.constant 0 : i32
      %dma_start3A_391 = tpu.memref_slice %arg6[%dma_start3A_380, %dma_start3A_389, %dma_start3A_390] : memref<6x128x128xf32, #tpu.memory_space<vmem>> -> memref<1x128x128xf32, #tpu.memory_space<vmem>>
      %dma_start3A_392 = tpu.memref_squeeze %dma_start3A_391 : memref<1x128x128xf32, #tpu.memory_space<vmem>> -> memref<128x128xf32, #tpu.memory_space<vmem>>
      tpu.enqueue_dma source(%dma_start3A_392 : memref<128x128xf32, #tpu.memory_space<vmem>>) target(%dma_start3A_388 : memref<128x128xf32, #tpu.memory_space<hbm>>) target_semaphore(%arg15 : memref<!tpu.dma_semaphore, #tpu.memory_space<semaphore_mem>>)
    } else {
    }
    %gt3A_120 = arith.constant 9 : i32
    %gt3A_121 = arith.cmpi sgt, %select_n3A, %gt3A_120 : i32
    %convert_element_type3A_122 = arith.extui %gt3A_121 : i1 to i32
    %cond3A_123 = arith.constant 0 : i32
    %cond3A_124 = arith.cmpi ne, %convert_element_type3A_122, %cond3A_123 : i32
    scf.if %cond3A_124 {
      %add3A_353 = arith.constant 3 : i32
      %add3A_354 = arith.addi %add3A_6, %add3A_353 : i32
      %mul3A_355 = arith.constant 128 : i32
      %mul3A_356 = arith.muli %add3A_354, %mul3A_355 : i32
      %min3A_357 = arith.constant 99872 : i32
      %min3A_358 = arith.minsi %mul3A_356, %min3A_357 : i32
      %multiple_of3A_359 = tpu.assume_multiple %min3A_358, 8 : i32
      %dma_wait3A_360 = arith.constant 3 : i32
      %dma_wait3A_361 = arith.constant 0 : i32
      %dma_wait3A_362 = arith.constant 0 : i32
      %dma_wait3A_363 = tpu.memref_slice %arg6[%dma_wait3A_360, %dma_wait3A_361, %dma_wait3A_362] : memref<6x128x128xf32, #tpu.memory_space<vmem>> -> memref<1x128x128xf32, #tpu.memory_space<vmem>>
      %dma_wait3A_364 = tpu.memref_squeeze %dma_wait3A_363 : memref<1x128x128xf32, #tpu.memory_space<vmem>> -> memref<128x128xf32, #tpu.memory_space<vmem>>
      %dma_wait3A_365 = arith.constant 0 : i32
      %dma_wait3A_366 = tpu.memref_slice %arg4[%multiple_of3A_359, %dma_wait3A_365] : memref<100000x128xf32, #tpu.memory_space<hbm>> -> memref<128x128xf32, #tpu.memory_space<hbm>>
      %dma_wait3A_367 = arith.constant 0 : i32
      %dma_wait3A_368 = tpu.memref_slice %arg4[%multiple_of3A_359, %dma_wait3A_367] : memref<100000x128xf32, #tpu.memory_space<hbm>> -> memref<128x128xf32, #tpu.memory_space<hbm>>
      %dma_wait3A_369 = arith.constant 0 : i32
      %dma_wait3A_370 = arith.constant 0 : i32
      %dma_wait3A_371 = tpu.memref_slice %arg6[%dma_wait3A_360, %dma_wait3A_369, %dma_wait3A_370] : memref<6x128x128xf32, #tpu.memory_space<vmem>> -> memref<1x128x128xf32, #tpu.memory_space<vmem>>
      %dma_wait3A_372 = tpu.memref_squeeze %dma_wait3A_371 : memref<1x128x128xf32, #tpu.memory_space<vmem>> -> memref<128x128xf32, #tpu.memory_space<vmem>>
      tpu.wait_dma2 semaphore(%arg17 : memref<!tpu.dma_semaphore, #tpu.memory_space<semaphore_mem>>) src(%dma_wait3A_372 : memref<128x128xf32, #tpu.memory_space<vmem>>) dst(%dma_wait3A_368 : memref<128x128xf32, #tpu.memory_space<hbm>>)
      %add3A_373 = arith.constant 9 : i32
      %add3A_374 = arith.addi %add3A_6, %add3A_373 : i32
      %mul3A_375 = arith.constant 128 : i32
      %mul3A_376 = arith.muli %add3A_374, %mul3A_375 : i32
      %min3A_377 = arith.constant 99872 : i32
      %min3A_378 = arith.minsi %mul3A_376, %min3A_377 : i32
      %multiple_of3A_379 = tpu.assume_multiple %min3A_378, 8 : i32
      %sub3A_380 = arith.subi %multiple_of3A_379, %multiple_of3A : i32
      %multiple_of3A_381 = tpu.assume_multiple %sub3A_380, 8 : i32
      %add3A_382 = arith.constant 0 : i32
      %add3A_383 = arith.addi %multiple_of3A_381, %add3A_382 : i32
      %dma_start3A_384 = arith.constant 3 : i32
      %dma_start3A_385 = arith.constant 0 : i32
      %dma_start3A_386 = arith.constant 0 : i32
      %dma_start3A_387 = tpu.memref_slice %arg6[%dma_start3A_384, %dma_start3A_385, %dma_start3A_386] : memref<6x128x128xf32, #tpu.memory_space<vmem>> -> memref<1x128x128xf32, #tpu.memory_space<vmem>>
      %dma_start3A_388 = tpu.memref_squeeze %dma_start3A_387 : memref<1x128x128xf32, #tpu.memory_space<vmem>> -> memref<128x128xf32, #tpu.memory_space<vmem>>
      %dma_start3A_389 = tpu.memref_slice %arg5[%add3A_383] : memref<3200xi32, #tpu.memory_space<vmem>> -> memref<128xi32, #tpu.memory_space<vmem>>
      %dma_start3A_390 = arith.constant 0 : i32
      %dma_start3A_391 = arith.constant 0 : i32
      %dma_start3A_392 = tpu.memref_slice %arg7[%dma_start3A_390, %dma_start3A_391] : memref<1024x128xf32, #tpu.memory_space<vmem_shared>> -> memref<1024x128xf32, #tpu.memory_space<vmem_shared>>
      tpu.enqueue_indirect_dma source(%dma_start3A_392 : memref<1024x128xf32, #tpu.memory_space<vmem_shared>>) target(%dma_start3A_388 : memref<128x128xf32, #tpu.memory_space<vmem>>) offsets(%dma_start3A_389 : memref<128xi32, #tpu.memory_space<vmem>>) semaphore(%arg11 : memref<!tpu.dma_semaphore, #tpu.memory_space<semaphore_mem>>)
    } else {
    }
    %gt3A_125 = arith.constant 8 : i32
    %gt3A_126 = arith.cmpi sgt, %select_n3A, %gt3A_125 : i32
    %convert_element_type3A_127 = arith.extui %gt3A_126 : i1 to i32
    %cond3A_128 = arith.constant 0 : i32
    %cond3A_129 = arith.cmpi ne, %convert_element_type3A_127, %cond3A_128 : i32
    scf.if %cond3A_129 {
      %add3A_353 = arith.constant 8 : i32
      %add3A_354 = arith.addi %add3A_6, %add3A_353 : i32
      %mul3A_355 = arith.constant 128 : i32
      %mul3A_356 = arith.muli %add3A_354, %mul3A_355 : i32
      %min3A_357 = arith.constant 99872 : i32
      %min3A_358 = arith.minsi %mul3A_356, %min3A_357 : i32
      %multiple_of3A_359 = tpu.assume_multiple %min3A_358, 8 : i32
      %sub3A_360 = arith.subi %multiple_of3A_359, %multiple_of3A : i32
      %multiple_of3A_361 = tpu.assume_multiple %sub3A_360, 8 : i32
      %add3A_362 = arith.constant 0 : i32
      %add3A_363 = arith.addi %multiple_of3A_361, %add3A_362 : i32
      %dma_wait3A_364 = arith.constant 2 : i32
      %dma_wait3A_365 = arith.constant 0 : i32
      %dma_wait3A_366 = arith.constant 0 : i32
      %dma_wait3A_367 = tpu.memref_slice %arg6[%dma_wait3A_364, %dma_wait3A_365, %dma_wait3A_366] : memref<6x128x128xf32, #tpu.memory_space<vmem>> -> memref<1x128x128xf32, #tpu.memory_space<vmem>>
      %dma_wait3A_368 = tpu.memref_squeeze %dma_wait3A_367 : memref<1x128x128xf32, #tpu.memory_space<vmem>> -> memref<128x128xf32, #tpu.memory_space<vmem>>
      %dma_wait3A_369 = tpu.memref_slice %arg5[%add3A_363] : memref<3200xi32, #tpu.memory_space<vmem>> -> memref<128xi32, #tpu.memory_space<vmem>>
      %dma_wait3A_370 = arith.constant 0 : i32
      %dma_wait3A_371 = arith.constant 0 : i32
      %dma_wait3A_372 = tpu.memref_slice %arg7[%dma_wait3A_370, %dma_wait3A_371] : memref<1024x128xf32, #tpu.memory_space<vmem_shared>> -> memref<1024x128xf32, #tpu.memory_space<vmem_shared>>
      tpu.wait_indirect_dma semaphore(%arg10 : memref<!tpu.dma_semaphore, #tpu.memory_space<semaphore_mem>>) src(%dma_wait3A_372 : memref<1024x128xf32, #tpu.memory_space<vmem_shared>>) dst(%dma_wait3A_368 : memref<128x128xf32, #tpu.memory_space<vmem>>)
      %add3A_373 = arith.constant 8 : i32
      %add3A_374 = arith.addi %add3A_6, %add3A_373 : i32
      %mul3A_375 = arith.constant 128 : i32
      %mul3A_376 = arith.muli %add3A_374, %mul3A_375 : i32
      %min3A_377 = arith.constant 99872 : i32
      %min3A_378 = arith.minsi %mul3A_376, %min3A_377 : i32
      %multiple_of3A_379 = tpu.assume_multiple %min3A_378, 8 : i32
      %dma_start3A_380 = arith.constant 2 : i32
      %dma_start3A_381 = arith.constant 0 : i32
      %dma_start3A_382 = arith.constant 0 : i32
      %dma_start3A_383 = tpu.memref_slice %arg6[%dma_start3A_380, %dma_start3A_381, %dma_start3A_382] : memref<6x128x128xf32, #tpu.memory_space<vmem>> -> memref<1x128x128xf32, #tpu.memory_space<vmem>>
      %dma_start3A_384 = tpu.memref_squeeze %dma_start3A_383 : memref<1x128x128xf32, #tpu.memory_space<vmem>> -> memref<128x128xf32, #tpu.memory_space<vmem>>
      %dma_start3A_385 = arith.constant 0 : i32
      %dma_start3A_386 = tpu.memref_slice %arg4[%multiple_of3A_379, %dma_start3A_385] : memref<100000x128xf32, #tpu.memory_space<hbm>> -> memref<128x128xf32, #tpu.memory_space<hbm>>
      %dma_start3A_387 = arith.constant 0 : i32
      %dma_start3A_388 = tpu.memref_slice %arg4[%multiple_of3A_379, %dma_start3A_387] : memref<100000x128xf32, #tpu.memory_space<hbm>> -> memref<128x128xf32, #tpu.memory_space<hbm>>
      %dma_start3A_389 = arith.constant 0 : i32
      %dma_start3A_390 = arith.constant 0 : i32
      %dma_start3A_391 = tpu.memref_slice %arg6[%dma_start3A_380, %dma_start3A_389, %dma_start3A_390] : memref<6x128x128xf32, #tpu.memory_space<vmem>> -> memref<1x128x128xf32, #tpu.memory_space<vmem>>
      %dma_start3A_392 = tpu.memref_squeeze %dma_start3A_391 : memref<1x128x128xf32, #tpu.memory_space<vmem>> -> memref<128x128xf32, #tpu.memory_space<vmem>>
      tpu.enqueue_dma source(%dma_start3A_392 : memref<128x128xf32, #tpu.memory_space<vmem>>) target(%dma_start3A_388 : memref<128x128xf32, #tpu.memory_space<hbm>>) target_semaphore(%arg16 : memref<!tpu.dma_semaphore, #tpu.memory_space<semaphore_mem>>)
    } else {
    }
    %gt3A_130 = arith.constant 10 : i32
    %gt3A_131 = arith.cmpi sgt, %select_n3A, %gt3A_130 : i32
    %convert_element_type3A_132 = arith.extui %gt3A_131 : i1 to i32
    %cond3A_133 = arith.constant 0 : i32
    %cond3A_134 = arith.cmpi ne, %convert_element_type3A_132, %cond3A_133 : i32
    scf.if %cond3A_134 {
      %add3A_353 = arith.constant 4 : i32
      %add3A_354 = arith.addi %add3A_6, %add3A_353 : i32
      %mul3A_355 = arith.constant 128 : i32
      %mul3A_356 = arith.muli %add3A_354, %mul3A_355 : i32
      %min3A_357 = arith.constant 99872 : i32
      %min3A_358 = arith.minsi %mul3A_356, %min3A_357 : i32
      %multiple_of3A_359 = tpu.assume_multiple %min3A_358, 8 : i32
      %dma_wait3A_360 = arith.constant 4 : i32
      %dma_wait3A_361 = arith.constant 0 : i32
      %dma_wait3A_362 = arith.constant 0 : i32
      %dma_wait3A_363 = tpu.memref_slice %arg6[%dma_wait3A_360, %dma_wait3A_361, %dma_wait3A_362] : memref<6x128x128xf32, #tpu.memory_space<vmem>> -> memref<1x128x128xf32, #tpu.memory_space<vmem>>
      %dma_wait3A_364 = tpu.memref_squeeze %dma_wait3A_363 : memref<1x128x128xf32, #tpu.memory_space<vmem>> -> memref<128x128xf32, #tpu.memory_space<vmem>>
      %dma_wait3A_365 = arith.constant 0 : i32
      %dma_wait3A_366 = tpu.memref_slice %arg4[%multiple_of3A_359, %dma_wait3A_365] : memref<100000x128xf32, #tpu.memory_space<hbm>> -> memref<128x128xf32, #tpu.memory_space<hbm>>
      %dma_wait3A_367 = arith.constant 0 : i32
      %dma_wait3A_368 = tpu.memref_slice %arg4[%multiple_of3A_359, %dma_wait3A_367] : memref<100000x128xf32, #tpu.memory_space<hbm>> -> memref<128x128xf32, #tpu.memory_space<hbm>>
      %dma_wait3A_369 = arith.constant 0 : i32
      %dma_wait3A_370 = arith.constant 0 : i32
      %dma_wait3A_371 = tpu.memref_slice %arg6[%dma_wait3A_360, %dma_wait3A_369, %dma_wait3A_370] : memref<6x128x128xf32, #tpu.memory_space<vmem>> -> memref<1x128x128xf32, #tpu.memory_space<vmem>>
      %dma_wait3A_372 = tpu.memref_squeeze %dma_wait3A_371 : memref<1x128x128xf32, #tpu.memory_space<vmem>> -> memref<128x128xf32, #tpu.memory_space<vmem>>
      tpu.wait_dma2 semaphore(%arg18 : memref<!tpu.dma_semaphore, #tpu.memory_space<semaphore_mem>>) src(%dma_wait3A_372 : memref<128x128xf32, #tpu.memory_space<vmem>>) dst(%dma_wait3A_368 : memref<128x128xf32, #tpu.memory_space<hbm>>)
      %add3A_373 = arith.constant 10 : i32
      %add3A_374 = arith.addi %add3A_6, %add3A_373 : i32
      %mul3A_375 = arith.constant 128 : i32
      %mul3A_376 = arith.muli %add3A_374, %mul3A_375 : i32
      %min3A_377 = arith.constant 99872 : i32
      %min3A_378 = arith.minsi %mul3A_376, %min3A_377 : i32
      %multiple_of3A_379 = tpu.assume_multiple %min3A_378, 8 : i32
      %sub3A_380 = arith.subi %multiple_of3A_379, %multiple_of3A : i32
      %multiple_of3A_381 = tpu.assume_multiple %sub3A_380, 8 : i32
      %add3A_382 = arith.constant 0 : i32
      %add3A_383 = arith.addi %multiple_of3A_381, %add3A_382 : i32
      %dma_start3A_384 = arith.constant 4 : i32
      %dma_start3A_385 = arith.constant 0 : i32
      %dma_start3A_386 = arith.constant 0 : i32
      %dma_start3A_387 = tpu.memref_slice %arg6[%dma_start3A_384, %dma_start3A_385, %dma_start3A_386] : memref<6x128x128xf32, #tpu.memory_space<vmem>> -> memref<1x128x128xf32, #tpu.memory_space<vmem>>
      %dma_start3A_388 = tpu.memref_squeeze %dma_start3A_387 : memref<1x128x128xf32, #tpu.memory_space<vmem>> -> memref<128x128xf32, #tpu.memory_space<vmem>>
      %dma_start3A_389 = tpu.memref_slice %arg5[%add3A_383] : memref<3200xi32, #tpu.memory_space<vmem>> -> memref<128xi32, #tpu.memory_space<vmem>>
      %dma_start3A_390 = arith.constant 0 : i32
      %dma_start3A_391 = arith.constant 0 : i32
      %dma_start3A_392 = tpu.memref_slice %arg7[%dma_start3A_390, %dma_start3A_391] : memref<1024x128xf32, #tpu.memory_space<vmem_shared>> -> memref<1024x128xf32, #tpu.memory_space<vmem_shared>>
      tpu.enqueue_indirect_dma source(%dma_start3A_392 : memref<1024x128xf32, #tpu.memory_space<vmem_shared>>) target(%dma_start3A_388 : memref<128x128xf32, #tpu.memory_space<vmem>>) offsets(%dma_start3A_389 : memref<128xi32, #tpu.memory_space<vmem>>) semaphore(%arg12 : memref<!tpu.dma_semaphore, #tpu.memory_space<semaphore_mem>>)
    } else {
    }
    %gt3A_135 = arith.constant 9 : i32
    %gt3A_136 = arith.cmpi sgt, %select_n3A, %gt3A_135 : i32
    %convert_element_type3A_137 = arith.extui %gt3A_136 : i1 to i32
    %cond3A_138 = arith.constant 0 : i32
    %cond3A_139 = arith.cmpi ne, %convert_element_type3A_137, %cond3A_138 : i32
    scf.if %cond3A_139 {
      %add3A_353 = arith.constant 9 : i32
      %add3A_354 = arith.addi %add3A_6, %add3A_353 : i32
      %mul3A_355 = arith.constant 128 : i32
      %mul3A_356 = arith.muli %add3A_354, %mul3A_355 : i32
      %min3A_357 = arith.constant 99872 : i32
      %min3A_358 = arith.minsi %mul3A_356, %min3A_357 : i32
      %multiple_of3A_359 = tpu.assume_multiple %min3A_358, 8 : i32
      %sub3A_360 = arith.subi %multiple_of3A_359, %multiple_of3A : i32
      %multiple_of3A_361 = tpu.assume_multiple %sub3A_360, 8 : i32
      %add3A_362 = arith.constant 0 : i32
      %add3A_363 = arith.addi %multiple_of3A_361, %add3A_362 : i32
      %dma_wait3A_364 = arith.constant 3 : i32
      %dma_wait3A_365 = arith.constant 0 : i32
      %dma_wait3A_366 = arith.constant 0 : i32
      %dma_wait3A_367 = tpu.memref_slice %arg6[%dma_wait3A_364, %dma_wait3A_365, %dma_wait3A_366] : memref<6x128x128xf32, #tpu.memory_space<vmem>> -> memref<1x128x128xf32, #tpu.memory_space<vmem>>
      %dma_wait3A_368 = tpu.memref_squeeze %dma_wait3A_367 : memref<1x128x128xf32, #tpu.memory_space<vmem>> -> memref<128x128xf32, #tpu.memory_space<vmem>>
      %dma_wait3A_369 = tpu.memref_slice %arg5[%add3A_363] : memref<3200xi32, #tpu.memory_space<vmem>> -> memref<128xi32, #tpu.memory_space<vmem>>
      %dma_wait3A_370 = arith.constant 0 : i32
      %dma_wait3A_371 = arith.constant 0 : i32
      %dma_wait3A_372 = tpu.memref_slice %arg7[%dma_wait3A_370, %dma_wait3A_371] : memref<1024x128xf32, #tpu.memory_space<vmem_shared>> -> memref<1024x128xf32, #tpu.memory_space<vmem_shared>>
      tpu.wait_indirect_dma semaphore(%arg11 : memref<!tpu.dma_semaphore, #tpu.memory_space<semaphore_mem>>) src(%dma_wait3A_372 : memref<1024x128xf32, #tpu.memory_space<vmem_shared>>) dst(%dma_wait3A_368 : memref<128x128xf32, #tpu.memory_space<vmem>>)
      %add3A_373 = arith.constant 9 : i32
      %add3A_374 = arith.addi %add3A_6, %add3A_373 : i32
      %mul3A_375 = arith.constant 128 : i32
      %mul3A_376 = arith.muli %add3A_374, %mul3A_375 : i32
      %min3A_377 = arith.constant 99872 : i32
      %min3A_378 = arith.minsi %mul3A_376, %min3A_377 : i32
      %multiple_of3A_379 = tpu.assume_multiple %min3A_378, 8 : i32
      %dma_start3A_380 = arith.constant 3 : i32
      %dma_start3A_381 = arith.constant 0 : i32
      %dma_start3A_382 = arith.constant 0 : i32
      %dma_start3A_383 = tpu.memref_slice %arg6[%dma_start3A_380, %dma_start3A_381, %dma_start3A_382] : memref<6x128x128xf32, #tpu.memory_space<vmem>> -> memref<1x128x128xf32, #tpu.memory_space<vmem>>
      %dma_start3A_384 = tpu.memref_squeeze %dma_start3A_383 : memref<1x128x128xf32, #tpu.memory_space<vmem>> -> memref<128x128xf32, #tpu.memory_space<vmem>>
      %dma_start3A_385 = arith.constant 0 : i32
      %dma_start3A_386 = tpu.memref_slice %arg4[%multiple_of3A_379, %dma_start3A_385] : memref<100000x128xf32, #tpu.memory_space<hbm>> -> memref<128x128xf32, #tpu.memory_space<hbm>>
      %dma_start3A_387 = arith.constant 0 : i32
      %dma_start3A_388 = tpu.memref_slice %arg4[%multiple_of3A_379, %dma_start3A_387] : memref<100000x128xf32, #tpu.memory_space<hbm>> -> memref<128x128xf32, #tpu.memory_space<hbm>>
      %dma_start3A_389 = arith.constant 0 : i32
      %dma_start3A_390 = arith.constant 0 : i32
      %dma_start3A_391 = tpu.memref_slice %arg6[%dma_start3A_380, %dma_start3A_389, %dma_start3A_390] : memref<6x128x128xf32, #tpu.memory_space<vmem>> -> memref<1x128x128xf32, #tpu.memory_space<vmem>>
      %dma_start3A_392 = tpu.memref_squeeze %dma_start3A_391 : memref<1x128x128xf32, #tpu.memory_space<vmem>> -> memref<128x128xf32, #tpu.memory_space<vmem>>
      tpu.enqueue_dma source(%dma_start3A_392 : memref<128x128xf32, #tpu.memory_space<vmem>>) target(%dma_start3A_388 : memref<128x128xf32, #tpu.memory_space<hbm>>) target_semaphore(%arg17 : memref<!tpu.dma_semaphore, #tpu.memory_space<semaphore_mem>>)
    } else {
    }
    %gt3A_140 = arith.constant 11 : i32
    %gt3A_141 = arith.cmpi sgt, %select_n3A, %gt3A_140 : i32
    %convert_element_type3A_142 = arith.extui %gt3A_141 : i1 to i32
    %cond3A_143 = arith.constant 0 : i32
    %cond3A_144 = arith.cmpi ne, %convert_element_type3A_142, %cond3A_143 : i32
    scf.if %cond3A_144 {
      %add3A_353 = arith.constant 5 : i32
      %add3A_354 = arith.addi %add3A_6, %add3A_353 : i32
      %mul3A_355 = arith.constant 128 : i32
      %mul3A_356 = arith.muli %add3A_354, %mul3A_355 : i32
      %min3A_357 = arith.constant 99872 : i32
      %min3A_358 = arith.minsi %mul3A_356, %min3A_357 : i32
      %multiple_of3A_359 = tpu.assume_multiple %min3A_358, 8 : i32
      %dma_wait3A_360 = arith.constant 5 : i32
      %dma_wait3A_361 = arith.constant 0 : i32
      %dma_wait3A_362 = arith.constant 0 : i32
      %dma_wait3A_363 = tpu.memref_slice %arg6[%dma_wait3A_360, %dma_wait3A_361, %dma_wait3A_362] : memref<6x128x128xf32, #tpu.memory_space<vmem>> -> memref<1x128x128xf32, #tpu.memory_space<vmem>>
      %dma_wait3A_364 = tpu.memref_squeeze %dma_wait3A_363 : memref<1x128x128xf32, #tpu.memory_space<vmem>> -> memref<128x128xf32, #tpu.memory_space<vmem>>
      %dma_wait3A_365 = arith.constant 0 : i32
      %dma_wait3A_366 = tpu.memref_slice %arg4[%multiple_of3A_359, %dma_wait3A_365] : memref<100000x128xf32, #tpu.memory_space<hbm>> -> memref<128x128xf32, #tpu.memory_space<hbm>>
      %dma_wait3A_367 = arith.constant 0 : i32
      %dma_wait3A_368 = tpu.memref_slice %arg4[%multiple_of3A_359, %dma_wait3A_367] : memref<100000x128xf32, #tpu.memory_space<hbm>> -> memref<128x128xf32, #tpu.memory_space<hbm>>
      %dma_wait3A_369 = arith.constant 0 : i32
      %dma_wait3A_370 = arith.constant 0 : i32
      %dma_wait3A_371 = tpu.memref_slice %arg6[%dma_wait3A_360, %dma_wait3A_369, %dma_wait3A_370] : memref<6x128x128xf32, #tpu.memory_space<vmem>> -> memref<1x128x128xf32, #tpu.memory_space<vmem>>
      %dma_wait3A_372 = tpu.memref_squeeze %dma_wait3A_371 : memref<1x128x128xf32, #tpu.memory_space<vmem>> -> memref<128x128xf32, #tpu.memory_space<vmem>>
      tpu.wait_dma2 semaphore(%arg19 : memref<!tpu.dma_semaphore, #tpu.memory_space<semaphore_mem>>) src(%dma_wait3A_372 : memref<128x128xf32, #tpu.memory_space<vmem>>) dst(%dma_wait3A_368 : memref<128x128xf32, #tpu.memory_space<hbm>>)
      %add3A_373 = arith.constant 11 : i32
      %add3A_374 = arith.addi %add3A_6, %add3A_373 : i32
      %mul3A_375 = arith.constant 128 : i32
      %mul3A_376 = arith.muli %add3A_374, %mul3A_375 : i32
      %min3A_377 = arith.constant 99872 : i32
      %min3A_378 = arith.minsi %mul3A_376, %min3A_377 : i32
      %multiple_of3A_379 = tpu.assume_multiple %min3A_378, 8 : i32
      %sub3A_380 = arith.subi %multiple_of3A_379, %multiple_of3A : i32
      %multiple_of3A_381 = tpu.assume_multiple %sub3A_380, 8 : i32
      %add3A_382 = arith.constant 0 : i32
      %add3A_383 = arith.addi %multiple_of3A_381, %add3A_382 : i32
      %dma_start3A_384 = arith.constant 5 : i32
      %dma_start3A_385 = arith.constant 0 : i32
      %dma_start3A_386 = arith.constant 0 : i32
      %dma_start3A_387 = tpu.memref_slice %arg6[%dma_start3A_384, %dma_start3A_385, %dma_start3A_386] : memref<6x128x128xf32, #tpu.memory_space<vmem>> -> memref<1x128x128xf32, #tpu.memory_space<vmem>>
      %dma_start3A_388 = tpu.memref_squeeze %dma_start3A_387 : memref<1x128x128xf32, #tpu.memory_space<vmem>> -> memref<128x128xf32, #tpu.memory_space<vmem>>
      %dma_start3A_389 = tpu.memref_slice %arg5[%add3A_383] : memref<3200xi32, #tpu.memory_space<vmem>> -> memref<128xi32, #tpu.memory_space<vmem>>
      %dma_start3A_390 = arith.constant 0 : i32
      %dma_start3A_391 = arith.constant 0 : i32
      %dma_start3A_392 = tpu.memref_slice %arg7[%dma_start3A_390, %dma_start3A_391] : memref<1024x128xf32, #tpu.memory_space<vmem_shared>> -> memref<1024x128xf32, #tpu.memory_space<vmem_shared>>
      tpu.enqueue_indirect_dma source(%dma_start3A_392 : memref<1024x128xf32, #tpu.memory_space<vmem_shared>>) target(%dma_start3A_388 : memref<128x128xf32, #tpu.memory_space<vmem>>) offsets(%dma_start3A_389 : memref<128xi32, #tpu.memory_space<vmem>>) semaphore(%arg13 : memref<!tpu.dma_semaphore, #tpu.memory_space<semaphore_mem>>)
    } else {
    }
    %gt3A_145 = arith.constant 10 : i32
    %gt3A_146 = arith.cmpi sgt, %select_n3A, %gt3A_145 : i32
    %convert_element_type3A_147 = arith.extui %gt3A_146 : i1 to i32
    %cond3A_148 = arith.constant 0 : i32
    %cond3A_149 = arith.cmpi ne, %convert_element_type3A_147, %cond3A_148 : i32
    scf.if %cond3A_149 {
      %add3A_353 = arith.constant 10 : i32
      %add3A_354 = arith.addi %add3A_6, %add3A_353 : i32
      %mul3A_355 = arith.constant 128 : i32
      %mul3A_356 = arith.muli %add3A_354, %mul3A_355 : i32
      %min3A_357 = arith.constant 99872 : i32
      %min3A_358 = arith.minsi %mul3A_356, %min3A_357 : i32
      %multiple_of3A_359 = tpu.assume_multiple %min3A_358, 8 : i32
      %sub3A_360 = arith.subi %multiple_of3A_359, %multiple_of3A : i32
      %multiple_of3A_361 = tpu.assume_multiple %sub3A_360, 8 : i32
      %add3A_362 = arith.constant 0 : i32
      %add3A_363 = arith.addi %multiple_of3A_361, %add3A_362 : i32
      %dma_wait3A_364 = arith.constant 4 : i32
      %dma_wait3A_365 = arith.constant 0 : i32
      %dma_wait3A_366 = arith.constant 0 : i32
      %dma_wait3A_367 = tpu.memref_slice %arg6[%dma_wait3A_364, %dma_wait3A_365, %dma_wait3A_366] : memref<6x128x128xf32, #tpu.memory_space<vmem>> -> memref<1x128x128xf32, #tpu.memory_space<vmem>>
      %dma_wait3A_368 = tpu.memref_squeeze %dma_wait3A_367 : memref<1x128x128xf32, #tpu.memory_space<vmem>> -> memref<128x128xf32, #tpu.memory_space<vmem>>
      %dma_wait3A_369 = tpu.memref_slice %arg5[%add3A_363] : memref<3200xi32, #tpu.memory_space<vmem>> -> memref<128xi32, #tpu.memory_space<vmem>>
      %dma_wait3A_370 = arith.constant 0 : i32
      %dma_wait3A_371 = arith.constant 0 : i32
      %dma_wait3A_372 = tpu.memref_slice %arg7[%dma_wait3A_370, %dma_wait3A_371] : memref<1024x128xf32, #tpu.memory_space<vmem_shared>> -> memref<1024x128xf32, #tpu.memory_space<vmem_shared>>
      tpu.wait_indirect_dma semaphore(%arg12 : memref<!tpu.dma_semaphore, #tpu.memory_space<semaphore_mem>>) src(%dma_wait3A_372 : memref<1024x128xf32, #tpu.memory_space<vmem_shared>>) dst(%dma_wait3A_368 : memref<128x128xf32, #tpu.memory_space<vmem>>)
      %add3A_373 = arith.constant 10 : i32
      %add3A_374 = arith.addi %add3A_6, %add3A_373 : i32
      %mul3A_375 = arith.constant 128 : i32
      %mul3A_376 = arith.muli %add3A_374, %mul3A_375 : i32
      %min3A_377 = arith.constant 99872 : i32
      %min3A_378 = arith.minsi %mul3A_376, %min3A_377 : i32
      %multiple_of3A_379 = tpu.assume_multiple %min3A_378, 8 : i32
      %dma_start3A_380 = arith.constant 4 : i32
      %dma_start3A_381 = arith.constant 0 : i32
      %dma_start3A_382 = arith.constant 0 : i32
      %dma_start3A_383 = tpu.memref_slice %arg6[%dma_start3A_380, %dma_start3A_381, %dma_start3A_382] : memref<6x128x128xf32, #tpu.memory_space<vmem>> -> memref<1x128x128xf32, #tpu.memory_space<vmem>>
      %dma_start3A_384 = tpu.memref_squeeze %dma_start3A_383 : memref<1x128x128xf32, #tpu.memory_space<vmem>> -> memref<128x128xf32, #tpu.memory_space<vmem>>
      %dma_start3A_385 = arith.constant 0 : i32
      %dma_start3A_386 = tpu.memref_slice %arg4[%multiple_of3A_379, %dma_start3A_385] : memref<100000x128xf32, #tpu.memory_space<hbm>> -> memref<128x128xf32, #tpu.memory_space<hbm>>
      %dma_start3A_387 = arith.constant 0 : i32
      %dma_start3A_388 = tpu.memref_slice %arg4[%multiple_of3A_379, %dma_start3A_387] : memref<100000x128xf32, #tpu.memory_space<hbm>> -> memref<128x128xf32, #tpu.memory_space<hbm>>
      %dma_start3A_389 = arith.constant 0 : i32
      %dma_start3A_390 = arith.constant 0 : i32
      %dma_start3A_391 = tpu.memref_slice %arg6[%dma_start3A_380, %dma_start3A_389, %dma_start3A_390] : memref<6x128x128xf32, #tpu.memory_space<vmem>> -> memref<1x128x128xf32, #tpu.memory_space<vmem>>
      %dma_start3A_392 = tpu.memref_squeeze %dma_start3A_391 : memref<1x128x128xf32, #tpu.memory_space<vmem>> -> memref<128x128xf32, #tpu.memory_space<vmem>>
      tpu.enqueue_dma source(%dma_start3A_392 : memref<128x128xf32, #tpu.memory_space<vmem>>) target(%dma_start3A_388 : memref<128x128xf32, #tpu.memory_space<hbm>>) target_semaphore(%arg18 : memref<!tpu.dma_semaphore, #tpu.memory_space<semaphore_mem>>)
    } else {
    }
    %gt3A_150 = arith.constant 12 : i32
    %gt3A_151 = arith.cmpi sgt, %select_n3A, %gt3A_150 : i32
    %convert_element_type3A_152 = arith.extui %gt3A_151 : i1 to i32
    %cond3A_153 = arith.constant 0 : i32
    %cond3A_154 = arith.cmpi ne, %convert_element_type3A_152, %cond3A_153 : i32
    scf.if %cond3A_154 {
      %add3A_353 = arith.constant 6 : i32
      %add3A_354 = arith.addi %add3A_6, %add3A_353 : i32
      %mul3A_355 = arith.constant 128 : i32
      %mul3A_356 = arith.muli %add3A_354, %mul3A_355 : i32
      %min3A_357 = arith.constant 99872 : i32
      %min3A_358 = arith.minsi %mul3A_356, %min3A_357 : i32
      %multiple_of3A_359 = tpu.assume_multiple %min3A_358, 8 : i32
      %dma_wait3A_360 = arith.constant 0 : i32
      %dma_wait3A_361 = arith.constant 0 : i32
      %dma_wait3A_362 = arith.constant 0 : i32
      %dma_wait3A_363 = tpu.memref_slice %arg6[%dma_wait3A_360, %dma_wait3A_361, %dma_wait3A_362] : memref<6x128x128xf32, #tpu.memory_space<vmem>> -> memref<1x128x128xf32, #tpu.memory_space<vmem>>
      %dma_wait3A_364 = tpu.memref_squeeze %dma_wait3A_363 : memref<1x128x128xf32, #tpu.memory_space<vmem>> -> memref<128x128xf32, #tpu.memory_space<vmem>>
      %dma_wait3A_365 = arith.constant 0 : i32
      %dma_wait3A_366 = tpu.memref_slice %arg4[%multiple_of3A_359, %dma_wait3A_365] : memref<100000x128xf32, #tpu.memory_space<hbm>> -> memref<128x128xf32, #tpu.memory_space<hbm>>
      %dma_wait3A_367 = arith.constant 0 : i32
      %dma_wait3A_368 = tpu.memref_slice %arg4[%multiple_of3A_359, %dma_wait3A_367] : memref<100000x128xf32, #tpu.memory_space<hbm>> -> memref<128x128xf32, #tpu.memory_space<hbm>>
      %dma_wait3A_369 = arith.constant 0 : i32
      %dma_wait3A_370 = arith.constant 0 : i32
      %dma_wait3A_371 = tpu.memref_slice %arg6[%dma_wait3A_360, %dma_wait3A_369, %dma_wait3A_370] : memref<6x128x128xf32, #tpu.memory_space<vmem>> -> memref<1x128x128xf32, #tpu.memory_space<vmem>>
      %dma_wait3A_372 = tpu.memref_squeeze %dma_wait3A_371 : memref<1x128x128xf32, #tpu.memory_space<vmem>> -> memref<128x128xf32, #tpu.memory_space<vmem>>
      tpu.wait_dma2 semaphore(%arg14 : memref<!tpu.dma_semaphore, #tpu.memory_space<semaphore_mem>>) src(%dma_wait3A_372 : memref<128x128xf32, #tpu.memory_space<vmem>>) dst(%dma_wait3A_368 : memref<128x128xf32, #tpu.memory_space<hbm>>)
      %add3A_373 = arith.constant 12 : i32
      %add3A_374 = arith.addi %add3A_6, %add3A_373 : i32
      %mul3A_375 = arith.constant 128 : i32
      %mul3A_376 = arith.muli %add3A_374, %mul3A_375 : i32
      %min3A_377 = arith.constant 99872 : i32
      %min3A_378 = arith.minsi %mul3A_376, %min3A_377 : i32
      %multiple_of3A_379 = tpu.assume_multiple %min3A_378, 8 : i32
      %sub3A_380 = arith.subi %multiple_of3A_379, %multiple_of3A : i32
      %multiple_of3A_381 = tpu.assume_multiple %sub3A_380, 8 : i32
      %add3A_382 = arith.constant 0 : i32
      %add3A_383 = arith.addi %multiple_of3A_381, %add3A_382 : i32
      %dma_start3A_384 = arith.constant 0 : i32
      %dma_start3A_385 = arith.constant 0 : i32
      %dma_start3A_386 = arith.constant 0 : i32
      %dma_start3A_387 = tpu.memref_slice %arg6[%dma_start3A_384, %dma_start3A_385, %dma_start3A_386] : memref<6x128x128xf32, #tpu.memory_space<vmem>> -> memref<1x128x128xf32, #tpu.memory_space<vmem>>
      %dma_start3A_388 = tpu.memref_squeeze %dma_start3A_387 : memref<1x128x128xf32, #tpu.memory_space<vmem>> -> memref<128x128xf32, #tpu.memory_space<vmem>>
      %dma_start3A_389 = tpu.memref_slice %arg5[%add3A_383] : memref<3200xi32, #tpu.memory_space<vmem>> -> memref<128xi32, #tpu.memory_space<vmem>>
      %dma_start3A_390 = arith.constant 0 : i32
      %dma_start3A_391 = arith.constant 0 : i32
      %dma_start3A_392 = tpu.memref_slice %arg7[%dma_start3A_390, %dma_start3A_391] : memref<1024x128xf32, #tpu.memory_space<vmem_shared>> -> memref<1024x128xf32, #tpu.memory_space<vmem_shared>>
      tpu.enqueue_indirect_dma source(%dma_start3A_392 : memref<1024x128xf32, #tpu.memory_space<vmem_shared>>) target(%dma_start3A_388 : memref<128x128xf32, #tpu.memory_space<vmem>>) offsets(%dma_start3A_389 : memref<128xi32, #tpu.memory_space<vmem>>) semaphore(%arg8 : memref<!tpu.dma_semaphore, #tpu.memory_space<semaphore_mem>>)
    } else {
    }
    %gt3A_155 = arith.constant 11 : i32
    %gt3A_156 = arith.cmpi sgt, %select_n3A, %gt3A_155 : i32
    %convert_element_type3A_157 = arith.extui %gt3A_156 : i1 to i32
    %cond3A_158 = arith.constant 0 : i32
    %cond3A_159 = arith.cmpi ne, %convert_element_type3A_157, %cond3A_158 : i32
    scf.if %cond3A_159 {
      %add3A_353 = arith.constant 11 : i32
      %add3A_354 = arith.addi %add3A_6, %add3A_353 : i32
      %mul3A_355 = arith.constant 128 : i32
      %mul3A_356 = arith.muli %add3A_354, %mul3A_355 : i32
      %min3A_357 = arith.constant 99872 : i32
      %min3A_358 = arith.minsi %mul3A_356, %min3A_357 : i32
      %multiple_of3A_359 = tpu.assume_multiple %min3A_358, 8 : i32
      %sub3A_360 = arith.subi %multiple_of3A_359, %multiple_of3A : i32
      %multiple_of3A_361 = tpu.assume_multiple %sub3A_360, 8 : i32
      %add3A_362 = arith.constant 0 : i32
      %add3A_363 = arith.addi %multiple_of3A_361, %add3A_362 : i32
      %dma_wait3A_364 = arith.constant 5 : i32
      %dma_wait3A_365 = arith.constant 0 : i32
      %dma_wait3A_366 = arith.constant 0 : i32
      %dma_wait3A_367 = tpu.memref_slice %arg6[%dma_wait3A_364, %dma_wait3A_365, %dma_wait3A_366] : memref<6x128x128xf32, #tpu.memory_space<vmem>> -> memref<1x128x128xf32, #tpu.memory_space<vmem>>
      %dma_wait3A_368 = tpu.memref_squeeze %dma_wait3A_367 : memref<1x128x128xf32, #tpu.memory_space<vmem>> -> memref<128x128xf32, #tpu.memory_space<vmem>>
      %dma_wait3A_369 = tpu.memref_slice %arg5[%add3A_363] : memref<3200xi32, #tpu.memory_space<vmem>> -> memref<128xi32, #tpu.memory_space<vmem>>
      %dma_wait3A_370 = arith.constant 0 : i32
      %dma_wait3A_371 = arith.constant 0 : i32
      %dma_wait3A_372 = tpu.memref_slice %arg7[%dma_wait3A_370, %dma_wait3A_371] : memref<1024x128xf32, #tpu.memory_space<vmem_shared>> -> memref<1024x128xf32, #tpu.memory_space<vmem_shared>>
      tpu.wait_indirect_dma semaphore(%arg13 : memref<!tpu.dma_semaphore, #tpu.memory_space<semaphore_mem>>) src(%dma_wait3A_372 : memref<1024x128xf32, #tpu.memory_space<vmem_shared>>) dst(%dma_wait3A_368 : memref<128x128xf32, #tpu.memory_space<vmem>>)
      %add3A_373 = arith.constant 11 : i32
      %add3A_374 = arith.addi %add3A_6, %add3A_373 : i32
      %mul3A_375 = arith.constant 128 : i32
      %mul3A_376 = arith.muli %add3A_374, %mul3A_375 : i32
      %min3A_377 = arith.constant 99872 : i32
      %min3A_378 = arith.minsi %mul3A_376, %min3A_377 : i32
      %multiple_of3A_379 = tpu.assume_multiple %min3A_378, 8 : i32
      %dma_start3A_380 = arith.constant 5 : i32
      %dma_start3A_381 = arith.constant 0 : i32
      %dma_start3A_382 = arith.constant 0 : i32
      %dma_start3A_383 = tpu.memref_slice %arg6[%dma_start3A_380, %dma_start3A_381, %dma_start3A_382] : memref<6x128x128xf32, #tpu.memory_space<vmem>> -> memref<1x128x128xf32, #tpu.memory_space<vmem>>
      %dma_start3A_384 = tpu.memref_squeeze %dma_start3A_383 : memref<1x128x128xf32, #tpu.memory_space<vmem>> -> memref<128x128xf32, #tpu.memory_space<vmem>>
      %dma_start3A_385 = arith.constant 0 : i32
      %dma_start3A_386 = tpu.memref_slice %arg4[%multiple_of3A_379, %dma_start3A_385] : memref<100000x128xf32, #tpu.memory_space<hbm>> -> memref<128x128xf32, #tpu.memory_space<hbm>>
      %dma_start3A_387 = arith.constant 0 : i32
      %dma_start3A_388 = tpu.memref_slice %arg4[%multiple_of3A_379, %dma_start3A_387] : memref<100000x128xf32, #tpu.memory_space<hbm>> -> memref<128x128xf32, #tpu.memory_space<hbm>>
      %dma_start3A_389 = arith.constant 0 : i32
      %dma_start3A_390 = arith.constant 0 : i32
      %dma_start3A_391 = tpu.memref_slice %arg6[%dma_start3A_380, %dma_start3A_389, %dma_start3A_390] : memref<6x128x128xf32, #tpu.memory_space<vmem>> -> memref<1x128x128xf32, #tpu.memory_space<vmem>>
      %dma_start3A_392 = tpu.memref_squeeze %dma_start3A_391 : memref<1x128x128xf32, #tpu.memory_space<vmem>> -> memref<128x128xf32, #tpu.memory_space<vmem>>
      tpu.enqueue_dma source(%dma_start3A_392 : memref<128x128xf32, #tpu.memory_space<vmem>>) target(%dma_start3A_388 : memref<128x128xf32, #tpu.memory_space<hbm>>) target_semaphore(%arg19 : memref<!tpu.dma_semaphore, #tpu.memory_space<semaphore_mem>>)
    } else {
    }
    %gt3A_160 = arith.constant 13 : i32
    %gt3A_161 = arith.cmpi sgt, %select_n3A, %gt3A_160 : i32
    %convert_element_type3A_162 = arith.extui %gt3A_161 : i1 to i32
    %cond3A_163 = arith.constant 0 : i32
    %cond3A_164 = arith.cmpi ne, %convert_element_type3A_162, %cond3A_163 : i32
    scf.if %cond3A_164 {
      %add3A_353 = arith.constant 7 : i32
      %add3A_354 = arith.addi %add3A_6, %add3A_353 : i32
      %mul3A_355 = arith.constant 128 : i32
      %mul3A_356 = arith.muli %add3A_354, %mul3A_355 : i32
      %min3A_357 = arith.constant 99872 : i32
      %min3A_358 = arith.minsi %mul3A_356, %min3A_357 : i32
      %multiple_of3A_359 = tpu.assume_multiple %min3A_358, 8 : i32
      %dma_wait3A_360 = arith.constant 1 : i32
      %dma_wait3A_361 = arith.constant 0 : i32
      %dma_wait3A_362 = arith.constant 0 : i32
      %dma_wait3A_363 = tpu.memref_slice %arg6[%dma_wait3A_360, %dma_wait3A_361, %dma_wait3A_362] : memref<6x128x128xf32, #tpu.memory_space<vmem>> -> memref<1x128x128xf32, #tpu.memory_space<vmem>>
      %dma_wait3A_364 = tpu.memref_squeeze %dma_wait3A_363 : memref<1x128x128xf32, #tpu.memory_space<vmem>> -> memref<128x128xf32, #tpu.memory_space<vmem>>
      %dma_wait3A_365 = arith.constant 0 : i32
      %dma_wait3A_366 = tpu.memref_slice %arg4[%multiple_of3A_359, %dma_wait3A_365] : memref<100000x128xf32, #tpu.memory_space<hbm>> -> memref<128x128xf32, #tpu.memory_space<hbm>>
      %dma_wait3A_367 = arith.constant 0 : i32
      %dma_wait3A_368 = tpu.memref_slice %arg4[%multiple_of3A_359, %dma_wait3A_367] : memref<100000x128xf32, #tpu.memory_space<hbm>> -> memref<128x128xf32, #tpu.memory_space<hbm>>
      %dma_wait3A_369 = arith.constant 0 : i32
      %dma_wait3A_370 = arith.constant 0 : i32
      %dma_wait3A_371 = tpu.memref_slice %arg6[%dma_wait3A_360, %dma_wait3A_369, %dma_wait3A_370] : memref<6x128x128xf32, #tpu.memory_space<vmem>> -> memref<1x128x128xf32, #tpu.memory_space<vmem>>
      %dma_wait3A_372 = tpu.memref_squeeze %dma_wait3A_371 : memref<1x128x128xf32, #tpu.memory_space<vmem>> -> memref<128x128xf32, #tpu.memory_space<vmem>>
      tpu.wait_dma2 semaphore(%arg15 : memref<!tpu.dma_semaphore, #tpu.memory_space<semaphore_mem>>) src(%dma_wait3A_372 : memref<128x128xf32, #tpu.memory_space<vmem>>) dst(%dma_wait3A_368 : memref<128x128xf32, #tpu.memory_space<hbm>>)
      %add3A_373 = arith.constant 13 : i32
      %add3A_374 = arith.addi %add3A_6, %add3A_373 : i32
      %mul3A_375 = arith.constant 128 : i32
      %mul3A_376 = arith.muli %add3A_374, %mul3A_375 : i32
      %min3A_377 = arith.constant 99872 : i32
      %min3A_378 = arith.minsi %mul3A_376, %min3A_377 : i32
      %multiple_of3A_379 = tpu.assume_multiple %min3A_378, 8 : i32
      %sub3A_380 = arith.subi %multiple_of3A_379, %multiple_of3A : i32
      %multiple_of3A_381 = tpu.assume_multiple %sub3A_380, 8 : i32
      %add3A_382 = arith.constant 0 : i32
      %add3A_383 = arith.addi %multiple_of3A_381, %add3A_382 : i32
      %dma_start3A_384 = arith.constant 1 : i32
      %dma_start3A_385 = arith.constant 0 : i32
      %dma_start3A_386 = arith.constant 0 : i32
      %dma_start3A_387 = tpu.memref_slice %arg6[%dma_start3A_384, %dma_start3A_385, %dma_start3A_386] : memref<6x128x128xf32, #tpu.memory_space<vmem>> -> memref<1x128x128xf32, #tpu.memory_space<vmem>>
      %dma_start3A_388 = tpu.memref_squeeze %dma_start3A_387 : memref<1x128x128xf32, #tpu.memory_space<vmem>> -> memref<128x128xf32, #tpu.memory_space<vmem>>
      %dma_start3A_389 = tpu.memref_slice %arg5[%add3A_383] : memref<3200xi32, #tpu.memory_space<vmem>> -> memref<128xi32, #tpu.memory_space<vmem>>
      %dma_start3A_390 = arith.constant 0 : i32
      %dma_start3A_391 = arith.constant 0 : i32
      %dma_start3A_392 = tpu.memref_slice %arg7[%dma_start3A_390, %dma_start3A_391] : memref<1024x128xf32, #tpu.memory_space<vmem_shared>> -> memref<1024x128xf32, #tpu.memory_space<vmem_shared>>
      tpu.enqueue_indirect_dma source(%dma_start3A_392 : memref<1024x128xf32, #tpu.memory_space<vmem_shared>>) target(%dma_start3A_388 : memref<128x128xf32, #tpu.memory_space<vmem>>) offsets(%dma_start3A_389 : memref<128xi32, #tpu.memory_space<vmem>>) semaphore(%arg9 : memref<!tpu.dma_semaphore, #tpu.memory_space<semaphore_mem>>)
    } else {
    }
    %gt3A_165 = arith.constant 12 : i32
    %gt3A_166 = arith.cmpi sgt, %select_n3A, %gt3A_165 : i32
    %convert_element_type3A_167 = arith.extui %gt3A_166 : i1 to i32
    %cond3A_168 = arith.constant 0 : i32
    %cond3A_169 = arith.cmpi ne, %convert_element_type3A_167, %cond3A_168 : i32
    scf.if %cond3A_169 {
      %add3A_353 = arith.constant 12 : i32
      %add3A_354 = arith.addi %add3A_6, %add3A_353 : i32
      %mul3A_355 = arith.constant 128 : i32
      %mul3A_356 = arith.muli %add3A_354, %mul3A_355 : i32
      %min3A_357 = arith.constant 99872 : i32
      %min3A_358 = arith.minsi %mul3A_356, %min3A_357 : i32
      %multiple_of3A_359 = tpu.assume_multiple %min3A_358, 8 : i32
      %sub3A_360 = arith.subi %multiple_of3A_359, %multiple_of3A : i32
      %multiple_of3A_361 = tpu.assume_multiple %sub3A_360, 8 : i32
      %add3A_362 = arith.constant 0 : i32
      %add3A_363 = arith.addi %multiple_of3A_361, %add3A_362 : i32
      %dma_wait3A_364 = arith.constant 0 : i32
      %dma_wait3A_365 = arith.constant 0 : i32
      %dma_wait3A_366 = arith.constant 0 : i32
      %dma_wait3A_367 = tpu.memref_slice %arg6[%dma_wait3A_364, %dma_wait3A_365, %dma_wait3A_366] : memref<6x128x128xf32, #tpu.memory_space<vmem>> -> memref<1x128x128xf32, #tpu.memory_space<vmem>>
      %dma_wait3A_368 = tpu.memref_squeeze %dma_wait3A_367 : memref<1x128x128xf32, #tpu.memory_space<vmem>> -> memref<128x128xf32, #tpu.memory_space<vmem>>
      %dma_wait3A_369 = tpu.memref_slice %arg5[%add3A_363] : memref<3200xi32, #tpu.memory_space<vmem>> -> memref<128xi32, #tpu.memory_space<vmem>>
      %dma_wait3A_370 = arith.constant 0 : i32
      %dma_wait3A_371 = arith.constant 0 : i32
      %dma_wait3A_372 = tpu.memref_slice %arg7[%dma_wait3A_370, %dma_wait3A_371] : memref<1024x128xf32, #tpu.memory_space<vmem_shared>> -> memref<1024x128xf32, #tpu.memory_space<vmem_shared>>
      tpu.wait_indirect_dma semaphore(%arg8 : memref<!tpu.dma_semaphore, #tpu.memory_space<semaphore_mem>>) src(%dma_wait3A_372 : memref<1024x128xf32, #tpu.memory_space<vmem_shared>>) dst(%dma_wait3A_368 : memref<128x128xf32, #tpu.memory_space<vmem>>)
      %add3A_373 = arith.constant 12 : i32
      %add3A_374 = arith.addi %add3A_6, %add3A_373 : i32
      %mul3A_375 = arith.constant 128 : i32
      %mul3A_376 = arith.muli %add3A_374, %mul3A_375 : i32
      %min3A_377 = arith.constant 99872 : i32
      %min3A_378 = arith.minsi %mul3A_376, %min3A_377 : i32
      %multiple_of3A_379 = tpu.assume_multiple %min3A_378, 8 : i32
      %dma_start3A_380 = arith.constant 0 : i32
      %dma_start3A_381 = arith.constant 0 : i32
      %dma_start3A_382 = arith.constant 0 : i32
      %dma_start3A_383 = tpu.memref_slice %arg6[%dma_start3A_380, %dma_start3A_381, %dma_start3A_382] : memref<6x128x128xf32, #tpu.memory_space<vmem>> -> memref<1x128x128xf32, #tpu.memory_space<vmem>>
      %dma_start3A_384 = tpu.memref_squeeze %dma_start3A_383 : memref<1x128x128xf32, #tpu.memory_space<vmem>> -> memref<128x128xf32, #tpu.memory_space<vmem>>
      %dma_start3A_385 = arith.constant 0 : i32
      %dma_start3A_386 = tpu.memref_slice %arg4[%multiple_of3A_379, %dma_start3A_385] : memref<100000x128xf32, #tpu.memory_space<hbm>> -> memref<128x128xf32, #tpu.memory_space<hbm>>
      %dma_start3A_387 = arith.constant 0 : i32
      %dma_start3A_388 = tpu.memref_slice %arg4[%multiple_of3A_379, %dma_start3A_387] : memref<100000x128xf32, #tpu.memory_space<hbm>> -> memref<128x128xf32, #tpu.memory_space<hbm>>
      %dma_start3A_389 = arith.constant 0 : i32
      %dma_start3A_390 = arith.constant 0 : i32
      %dma_start3A_391 = tpu.memref_slice %arg6[%dma_start3A_380, %dma_start3A_389, %dma_start3A_390] : memref<6x128x128xf32, #tpu.memory_space<vmem>> -> memref<1x128x128xf32, #tpu.memory_space<vmem>>
      %dma_start3A_392 = tpu.memref_squeeze %dma_start3A_391 : memref<1x128x128xf32, #tpu.memory_space<vmem>> -> memref<128x128xf32, #tpu.memory_space<vmem>>
      tpu.enqueue_dma source(%dma_start3A_392 : memref<128x128xf32, #tpu.memory_space<vmem>>) target(%dma_start3A_388 : memref<128x128xf32, #tpu.memory_space<hbm>>) target_semaphore(%arg14 : memref<!tpu.dma_semaphore, #tpu.memory_space<semaphore_mem>>)
    } else {
    }
    %gt3A_170 = arith.constant 14 : i32
    %gt3A_171 = arith.cmpi sgt, %select_n3A, %gt3A_170 : i32
    %convert_element_type3A_172 = arith.extui %gt3A_171 : i1 to i32
    %cond3A_173 = arith.constant 0 : i32
    %cond3A_174 = arith.cmpi ne, %convert_element_type3A_172, %cond3A_173 : i32
    scf.if %cond3A_174 {
      %add3A_353 = arith.constant 8 : i32
      %add3A_354 = arith.addi %add3A_6, %add3A_353 : i32
      %mul3A_355 = arith.constant 128 : i32
      %mul3A_356 = arith.muli %add3A_354, %mul3A_355 : i32
      %min3A_357 = arith.constant 99872 : i32
      %min3A_358 = arith.minsi %mul3A_356, %min3A_357 : i32
      %multiple_of3A_359 = tpu.assume_multiple %min3A_358, 8 : i32
      %dma_wait3A_360 = arith.constant 2 : i32
      %dma_wait3A_361 = arith.constant 0 : i32
      %dma_wait3A_362 = arith.constant 0 : i32
      %dma_wait3A_363 = tpu.memref_slice %arg6[%dma_wait3A_360, %dma_wait3A_361, %dma_wait3A_362] : memref<6x128x128xf32, #tpu.memory_space<vmem>> -> memref<1x128x128xf32, #tpu.memory_space<vmem>>
      %dma_wait3A_364 = tpu.memref_squeeze %dma_wait3A_363 : memref<1x128x128xf32, #tpu.memory_space<vmem>> -> memref<128x128xf32, #tpu.memory_space<vmem>>
      %dma_wait3A_365 = arith.constant 0 : i32
      %dma_wait3A_366 = tpu.memref_slice %arg4[%multiple_of3A_359, %dma_wait3A_365] : memref<100000x128xf32, #tpu.memory_space<hbm>> -> memref<128x128xf32, #tpu.memory_space<hbm>>
      %dma_wait3A_367 = arith.constant 0 : i32
      %dma_wait3A_368 = tpu.memref_slice %arg4[%multiple_of3A_359, %dma_wait3A_367] : memref<100000x128xf32, #tpu.memory_space<hbm>> -> memref<128x128xf32, #tpu.memory_space<hbm>>
      %dma_wait3A_369 = arith.constant 0 : i32
      %dma_wait3A_370 = arith.constant 0 : i32
      %dma_wait3A_371 = tpu.memref_slice %arg6[%dma_wait3A_360, %dma_wait3A_369, %dma_wait3A_370] : memref<6x128x128xf32, #tpu.memory_space<vmem>> -> memref<1x128x128xf32, #tpu.memory_space<vmem>>
      %dma_wait3A_372 = tpu.memref_squeeze %dma_wait3A_371 : memref<1x128x128xf32, #tpu.memory_space<vmem>> -> memref<128x128xf32, #tpu.memory_space<vmem>>
      tpu.wait_dma2 semaphore(%arg16 : memref<!tpu.dma_semaphore, #tpu.memory_space<semaphore_mem>>) src(%dma_wait3A_372 : memref<128x128xf32, #tpu.memory_space<vmem>>) dst(%dma_wait3A_368 : memref<128x128xf32, #tpu.memory_space<hbm>>)
      %add3A_373 = arith.constant 14 : i32
      %add3A_374 = arith.addi %add3A_6, %add3A_373 : i32
      %mul3A_375 = arith.constant 128 : i32
      %mul3A_376 = arith.muli %add3A_374, %mul3A_375 : i32
      %min3A_377 = arith.constant 99872 : i32
      %min3A_378 = arith.minsi %mul3A_376, %min3A_377 : i32
      %multiple_of3A_379 = tpu.assume_multiple %min3A_378, 8 : i32
      %sub3A_380 = arith.subi %multiple_of3A_379, %multiple_of3A : i32
      %multiple_of3A_381 = tpu.assume_multiple %sub3A_380, 8 : i32
      %add3A_382 = arith.constant 0 : i32
      %add3A_383 = arith.addi %multiple_of3A_381, %add3A_382 : i32
      %dma_start3A_384 = arith.constant 2 : i32
      %dma_start3A_385 = arith.constant 0 : i32
      %dma_start3A_386 = arith.constant 0 : i32
      %dma_start3A_387 = tpu.memref_slice %arg6[%dma_start3A_384, %dma_start3A_385, %dma_start3A_386] : memref<6x128x128xf32, #tpu.memory_space<vmem>> -> memref<1x128x128xf32, #tpu.memory_space<vmem>>
      %dma_start3A_388 = tpu.memref_squeeze %dma_start3A_387 : memref<1x128x128xf32, #tpu.memory_space<vmem>> -> memref<128x128xf32, #tpu.memory_space<vmem>>
      %dma_start3A_389 = tpu.memref_slice %arg5[%add3A_383] : memref<3200xi32, #tpu.memory_space<vmem>> -> memref<128xi32, #tpu.memory_space<vmem>>
      %dma_start3A_390 = arith.constant 0 : i32
      %dma_start3A_391 = arith.constant 0 : i32
      %dma_start3A_392 = tpu.memref_slice %arg7[%dma_start3A_390, %dma_start3A_391] : memref<1024x128xf32, #tpu.memory_space<vmem_shared>> -> memref<1024x128xf32, #tpu.memory_space<vmem_shared>>
      tpu.enqueue_indirect_dma source(%dma_start3A_392 : memref<1024x128xf32, #tpu.memory_space<vmem_shared>>) target(%dma_start3A_388 : memref<128x128xf32, #tpu.memory_space<vmem>>) offsets(%dma_start3A_389 : memref<128xi32, #tpu.memory_space<vmem>>) semaphore(%arg10 : memref<!tpu.dma_semaphore, #tpu.memory_space<semaphore_mem>>)
    } else {
    }
    %gt3A_175 = arith.constant 13 : i32
    %gt3A_176 = arith.cmpi sgt, %select_n3A, %gt3A_175 : i32
    %convert_element_type3A_177 = arith.extui %gt3A_176 : i1 to i32
    %cond3A_178 = arith.constant 0 : i32
    %cond3A_179 = arith.cmpi ne, %convert_element_type3A_177, %cond3A_178 : i32
    scf.if %cond3A_179 {
      %add3A_353 = arith.constant 13 : i32
      %add3A_354 = arith.addi %add3A_6, %add3A_353 : i32
      %mul3A_355 = arith.constant 128 : i32
      %mul3A_356 = arith.muli %add3A_354, %mul3A_355 : i32
      %min3A_357 = arith.constant 99872 : i32
      %min3A_358 = arith.minsi %mul3A_356, %min3A_357 : i32
      %multiple_of3A_359 = tpu.assume_multiple %min3A_358, 8 : i32
      %sub3A_360 = arith.subi %multiple_of3A_359, %multiple_of3A : i32
      %multiple_of3A_361 = tpu.assume_multiple %sub3A_360, 8 : i32
      %add3A_362 = arith.constant 0 : i32
      %add3A_363 = arith.addi %multiple_of3A_361, %add3A_362 : i32
      %dma_wait3A_364 = arith.constant 1 : i32
      %dma_wait3A_365 = arith.constant 0 : i32
      %dma_wait3A_366 = arith.constant 0 : i32
      %dma_wait3A_367 = tpu.memref_slice %arg6[%dma_wait3A_364, %dma_wait3A_365, %dma_wait3A_366] : memref<6x128x128xf32, #tpu.memory_space<vmem>> -> memref<1x128x128xf32, #tpu.memory_space<vmem>>
      %dma_wait3A_368 = tpu.memref_squeeze %dma_wait3A_367 : memref<1x128x128xf32, #tpu.memory_space<vmem>> -> memref<128x128xf32, #tpu.memory_space<vmem>>
      %dma_wait3A_369 = tpu.memref_slice %arg5[%add3A_363] : memref<3200xi32, #tpu.memory_space<vmem>> -> memref<128xi32, #tpu.memory_space<vmem>>
      %dma_wait3A_370 = arith.constant 0 : i32
      %dma_wait3A_371 = arith.constant 0 : i32
      %dma_wait3A_372 = tpu.memref_slice %arg7[%dma_wait3A_370, %dma_wait3A_371] : memref<1024x128xf32, #tpu.memory_space<vmem_shared>> -> memref<1024x128xf32, #tpu.memory_space<vmem_shared>>
      tpu.wait_indirect_dma semaphore(%arg9 : memref<!tpu.dma_semaphore, #tpu.memory_space<semaphore_mem>>) src(%dma_wait3A_372 : memref<1024x128xf32, #tpu.memory_space<vmem_shared>>) dst(%dma_wait3A_368 : memref<128x128xf32, #tpu.memory_space<vmem>>)
      %add3A_373 = arith.constant 13 : i32
      %add3A_374 = arith.addi %add3A_6, %add3A_373 : i32
      %mul3A_375 = arith.constant 128 : i32
      %mul3A_376 = arith.muli %add3A_374, %mul3A_375 : i32
      %min3A_377 = arith.constant 99872 : i32
      %min3A_378 = arith.minsi %mul3A_376, %min3A_377 : i32
      %multiple_of3A_379 = tpu.assume_multiple %min3A_378, 8 : i32
      %dma_start3A_380 = arith.constant 1 : i32
      %dma_start3A_381 = arith.constant 0 : i32
      %dma_start3A_382 = arith.constant 0 : i32
      %dma_start3A_383 = tpu.memref_slice %arg6[%dma_start3A_380, %dma_start3A_381, %dma_start3A_382] : memref<6x128x128xf32, #tpu.memory_space<vmem>> -> memref<1x128x128xf32, #tpu.memory_space<vmem>>
      %dma_start3A_384 = tpu.memref_squeeze %dma_start3A_383 : memref<1x128x128xf32, #tpu.memory_space<vmem>> -> memref<128x128xf32, #tpu.memory_space<vmem>>
      %dma_start3A_385 = arith.constant 0 : i32
      %dma_start3A_386 = tpu.memref_slice %arg4[%multiple_of3A_379, %dma_start3A_385] : memref<100000x128xf32, #tpu.memory_space<hbm>> -> memref<128x128xf32, #tpu.memory_space<hbm>>
      %dma_start3A_387 = arith.constant 0 : i32
      %dma_start3A_388 = tpu.memref_slice %arg4[%multiple_of3A_379, %dma_start3A_387] : memref<100000x128xf32, #tpu.memory_space<hbm>> -> memref<128x128xf32, #tpu.memory_space<hbm>>
      %dma_start3A_389 = arith.constant 0 : i32
      %dma_start3A_390 = arith.constant 0 : i32
      %dma_start3A_391 = tpu.memref_slice %arg6[%dma_start3A_380, %dma_start3A_389, %dma_start3A_390] : memref<6x128x128xf32, #tpu.memory_space<vmem>> -> memref<1x128x128xf32, #tpu.memory_space<vmem>>
      %dma_start3A_392 = tpu.memref_squeeze %dma_start3A_391 : memref<1x128x128xf32, #tpu.memory_space<vmem>> -> memref<128x128xf32, #tpu.memory_space<vmem>>
      tpu.enqueue_dma source(%dma_start3A_392 : memref<128x128xf32, #tpu.memory_space<vmem>>) target(%dma_start3A_388 : memref<128x128xf32, #tpu.memory_space<hbm>>) target_semaphore(%arg15 : memref<!tpu.dma_semaphore, #tpu.memory_space<semaphore_mem>>)
    } else {
    }
    %gt3A_180 = arith.constant 15 : i32
    %gt3A_181 = arith.cmpi sgt, %select_n3A, %gt3A_180 : i32
    %convert_element_type3A_182 = arith.extui %gt3A_181 : i1 to i32
    %cond3A_183 = arith.constant 0 : i32
    %cond3A_184 = arith.cmpi ne, %convert_element_type3A_182, %cond3A_183 : i32
    scf.if %cond3A_184 {
      %add3A_353 = arith.constant 9 : i32
      %add3A_354 = arith.addi %add3A_6, %add3A_353 : i32
      %mul3A_355 = arith.constant 128 : i32
      %mul3A_356 = arith.muli %add3A_354, %mul3A_355 : i32
      %min3A_357 = arith.constant 99872 : i32
      %min3A_358 = arith.minsi %mul3A_356, %min3A_357 : i32
      %multiple_of3A_359 = tpu.assume_multiple %min3A_358, 8 : i32
      %dma_wait3A_360 = arith.constant 3 : i32
      %dma_wait3A_361 = arith.constant 0 : i32
      %dma_wait3A_362 = arith.constant 0 : i32
      %dma_wait3A_363 = tpu.memref_slice %arg6[%dma_wait3A_360, %dma_wait3A_361, %dma_wait3A_362] : memref<6x128x128xf32, #tpu.memory_space<vmem>> -> memref<1x128x128xf32, #tpu.memory_space<vmem>>
      %dma_wait3A_364 = tpu.memref_squeeze %dma_wait3A_363 : memref<1x128x128xf32, #tpu.memory_space<vmem>> -> memref<128x128xf32, #tpu.memory_space<vmem>>
      %dma_wait3A_365 = arith.constant 0 : i32
      %dma_wait3A_366 = tpu.memref_slice %arg4[%multiple_of3A_359, %dma_wait3A_365] : memref<100000x128xf32, #tpu.memory_space<hbm>> -> memref<128x128xf32, #tpu.memory_space<hbm>>
      %dma_wait3A_367 = arith.constant 0 : i32
      %dma_wait3A_368 = tpu.memref_slice %arg4[%multiple_of3A_359, %dma_wait3A_367] : memref<100000x128xf32, #tpu.memory_space<hbm>> -> memref<128x128xf32, #tpu.memory_space<hbm>>
      %dma_wait3A_369 = arith.constant 0 : i32
      %dma_wait3A_370 = arith.constant 0 : i32
      %dma_wait3A_371 = tpu.memref_slice %arg6[%dma_wait3A_360, %dma_wait3A_369, %dma_wait3A_370] : memref<6x128x128xf32, #tpu.memory_space<vmem>> -> memref<1x128x128xf32, #tpu.memory_space<vmem>>
      %dma_wait3A_372 = tpu.memref_squeeze %dma_wait3A_371 : memref<1x128x128xf32, #tpu.memory_space<vmem>> -> memref<128x128xf32, #tpu.memory_space<vmem>>
      tpu.wait_dma2 semaphore(%arg17 : memref<!tpu.dma_semaphore, #tpu.memory_space<semaphore_mem>>) src(%dma_wait3A_372 : memref<128x128xf32, #tpu.memory_space<vmem>>) dst(%dma_wait3A_368 : memref<128x128xf32, #tpu.memory_space<hbm>>)
      %add3A_373 = arith.constant 15 : i32
      %add3A_374 = arith.addi %add3A_6, %add3A_373 : i32
      %mul3A_375 = arith.constant 128 : i32
      %mul3A_376 = arith.muli %add3A_374, %mul3A_375 : i32
      %min3A_377 = arith.constant 99872 : i32
      %min3A_378 = arith.minsi %mul3A_376, %min3A_377 : i32
      %multiple_of3A_379 = tpu.assume_multiple %min3A_378, 8 : i32
      %sub3A_380 = arith.subi %multiple_of3A_379, %multiple_of3A : i32
      %multiple_of3A_381 = tpu.assume_multiple %sub3A_380, 8 : i32
      %add3A_382 = arith.constant 0 : i32
      %add3A_383 = arith.addi %multiple_of3A_381, %add3A_382 : i32
      %dma_start3A_384 = arith.constant 3 : i32
      %dma_start3A_385 = arith.constant 0 : i32
      %dma_start3A_386 = arith.constant 0 : i32
      %dma_start3A_387 = tpu.memref_slice %arg6[%dma_start3A_384, %dma_start3A_385, %dma_start3A_386] : memref<6x128x128xf32, #tpu.memory_space<vmem>> -> memref<1x128x128xf32, #tpu.memory_space<vmem>>
      %dma_start3A_388 = tpu.memref_squeeze %dma_start3A_387 : memref<1x128x128xf32, #tpu.memory_space<vmem>> -> memref<128x128xf32, #tpu.memory_space<vmem>>
      %dma_start3A_389 = tpu.memref_slice %arg5[%add3A_383] : memref<3200xi32, #tpu.memory_space<vmem>> -> memref<128xi32, #tpu.memory_space<vmem>>
      %dma_start3A_390 = arith.constant 0 : i32
      %dma_start3A_391 = arith.constant 0 : i32
      %dma_start3A_392 = tpu.memref_slice %arg7[%dma_start3A_390, %dma_start3A_391] : memref<1024x128xf32, #tpu.memory_space<vmem_shared>> -> memref<1024x128xf32, #tpu.memory_space<vmem_shared>>
      tpu.enqueue_indirect_dma source(%dma_start3A_392 : memref<1024x128xf32, #tpu.memory_space<vmem_shared>>) target(%dma_start3A_388 : memref<128x128xf32, #tpu.memory_space<vmem>>) offsets(%dma_start3A_389 : memref<128xi32, #tpu.memory_space<vmem>>) semaphore(%arg11 : memref<!tpu.dma_semaphore, #tpu.memory_space<semaphore_mem>>)
    } else {
    }
    %gt3A_185 = arith.constant 14 : i32
    %gt3A_186 = arith.cmpi sgt, %select_n3A, %gt3A_185 : i32
    %convert_element_type3A_187 = arith.extui %gt3A_186 : i1 to i32
    %cond3A_188 = arith.constant 0 : i32
    %cond3A_189 = arith.cmpi ne, %convert_element_type3A_187, %cond3A_188 : i32
    scf.if %cond3A_189 {
      %add3A_353 = arith.constant 14 : i32
      %add3A_354 = arith.addi %add3A_6, %add3A_353 : i32
      %mul3A_355 = arith.constant 128 : i32
      %mul3A_356 = arith.muli %add3A_354, %mul3A_355 : i32
      %min3A_357 = arith.constant 99872 : i32
      %min3A_358 = arith.minsi %mul3A_356, %min3A_357 : i32
      %multiple_of3A_359 = tpu.assume_multiple %min3A_358, 8 : i32
      %sub3A_360 = arith.subi %multiple_of3A_359, %multiple_of3A : i32
      %multiple_of3A_361 = tpu.assume_multiple %sub3A_360, 8 : i32
      %add3A_362 = arith.constant 0 : i32
      %add3A_363 = arith.addi %multiple_of3A_361, %add3A_362 : i32
      %dma_wait3A_364 = arith.constant 2 : i32
      %dma_wait3A_365 = arith.constant 0 : i32
      %dma_wait3A_366 = arith.constant 0 : i32
      %dma_wait3A_367 = tpu.memref_slice %arg6[%dma_wait3A_364, %dma_wait3A_365, %dma_wait3A_366] : memref<6x128x128xf32, #tpu.memory_space<vmem>> -> memref<1x128x128xf32, #tpu.memory_space<vmem>>
      %dma_wait3A_368 = tpu.memref_squeeze %dma_wait3A_367 : memref<1x128x128xf32, #tpu.memory_space<vmem>> -> memref<128x128xf32, #tpu.memory_space<vmem>>
      %dma_wait3A_369 = tpu.memref_slice %arg5[%add3A_363] : memref<3200xi32, #tpu.memory_space<vmem>> -> memref<128xi32, #tpu.memory_space<vmem>>
      %dma_wait3A_370 = arith.constant 0 : i32
      %dma_wait3A_371 = arith.constant 0 : i32
      %dma_wait3A_372 = tpu.memref_slice %arg7[%dma_wait3A_370, %dma_wait3A_371] : memref<1024x128xf32, #tpu.memory_space<vmem_shared>> -> memref<1024x128xf32, #tpu.memory_space<vmem_shared>>
      tpu.wait_indirect_dma semaphore(%arg10 : memref<!tpu.dma_semaphore, #tpu.memory_space<semaphore_mem>>) src(%dma_wait3A_372 : memref<1024x128xf32, #tpu.memory_space<vmem_shared>>) dst(%dma_wait3A_368 : memref<128x128xf32, #tpu.memory_space<vmem>>)
      %add3A_373 = arith.constant 14 : i32
      %add3A_374 = arith.addi %add3A_6, %add3A_373 : i32
      %mul3A_375 = arith.constant 128 : i32
      %mul3A_376 = arith.muli %add3A_374, %mul3A_375 : i32
      %min3A_377 = arith.constant 99872 : i32
      %min3A_378 = arith.minsi %mul3A_376, %min3A_377 : i32
      %multiple_of3A_379 = tpu.assume_multiple %min3A_378, 8 : i32
      %dma_start3A_380 = arith.constant 2 : i32
      %dma_start3A_381 = arith.constant 0 : i32
      %dma_start3A_382 = arith.constant 0 : i32
      %dma_start3A_383 = tpu.memref_slice %arg6[%dma_start3A_380, %dma_start3A_381, %dma_start3A_382] : memref<6x128x128xf32, #tpu.memory_space<vmem>> -> memref<1x128x128xf32, #tpu.memory_space<vmem>>
      %dma_start3A_384 = tpu.memref_squeeze %dma_start3A_383 : memref<1x128x128xf32, #tpu.memory_space<vmem>> -> memref<128x128xf32, #tpu.memory_space<vmem>>
      %dma_start3A_385 = arith.constant 0 : i32
      %dma_start3A_386 = tpu.memref_slice %arg4[%multiple_of3A_379, %dma_start3A_385] : memref<100000x128xf32, #tpu.memory_space<hbm>> -> memref<128x128xf32, #tpu.memory_space<hbm>>
      %dma_start3A_387 = arith.constant 0 : i32
      %dma_start3A_388 = tpu.memref_slice %arg4[%multiple_of3A_379, %dma_start3A_387] : memref<100000x128xf32, #tpu.memory_space<hbm>> -> memref<128x128xf32, #tpu.memory_space<hbm>>
      %dma_start3A_389 = arith.constant 0 : i32
      %dma_start3A_390 = arith.constant 0 : i32
      %dma_start3A_391 = tpu.memref_slice %arg6[%dma_start3A_380, %dma_start3A_389, %dma_start3A_390] : memref<6x128x128xf32, #tpu.memory_space<vmem>> -> memref<1x128x128xf32, #tpu.memory_space<vmem>>
      %dma_start3A_392 = tpu.memref_squeeze %dma_start3A_391 : memref<1x128x128xf32, #tpu.memory_space<vmem>> -> memref<128x128xf32, #tpu.memory_space<vmem>>
      tpu.enqueue_dma source(%dma_start3A_392 : memref<128x128xf32, #tpu.memory_space<vmem>>) target(%dma_start3A_388 : memref<128x128xf32, #tpu.memory_space<hbm>>) target_semaphore(%arg16 : memref<!tpu.dma_semaphore, #tpu.memory_space<semaphore_mem>>)
    } else {
    }
    %gt3A_190 = arith.constant 16 : i32
    %gt3A_191 = arith.cmpi sgt, %select_n3A, %gt3A_190 : i32
    %convert_element_type3A_192 = arith.extui %gt3A_191 : i1 to i32
    %cond3A_193 = arith.constant 0 : i32
    %cond3A_194 = arith.cmpi ne, %convert_element_type3A_192, %cond3A_193 : i32
    scf.if %cond3A_194 {
      %add3A_353 = arith.constant 10 : i32
      %add3A_354 = arith.addi %add3A_6, %add3A_353 : i32
      %mul3A_355 = arith.constant 128 : i32
      %mul3A_356 = arith.muli %add3A_354, %mul3A_355 : i32
      %min3A_357 = arith.constant 99872 : i32
      %min3A_358 = arith.minsi %mul3A_356, %min3A_357 : i32
      %multiple_of3A_359 = tpu.assume_multiple %min3A_358, 8 : i32
      %dma_wait3A_360 = arith.constant 4 : i32
      %dma_wait3A_361 = arith.constant 0 : i32
      %dma_wait3A_362 = arith.constant 0 : i32
      %dma_wait3A_363 = tpu.memref_slice %arg6[%dma_wait3A_360, %dma_wait3A_361, %dma_wait3A_362] : memref<6x128x128xf32, #tpu.memory_space<vmem>> -> memref<1x128x128xf32, #tpu.memory_space<vmem>>
      %dma_wait3A_364 = tpu.memref_squeeze %dma_wait3A_363 : memref<1x128x128xf32, #tpu.memory_space<vmem>> -> memref<128x128xf32, #tpu.memory_space<vmem>>
      %dma_wait3A_365 = arith.constant 0 : i32
      %dma_wait3A_366 = tpu.memref_slice %arg4[%multiple_of3A_359, %dma_wait3A_365] : memref<100000x128xf32, #tpu.memory_space<hbm>> -> memref<128x128xf32, #tpu.memory_space<hbm>>
      %dma_wait3A_367 = arith.constant 0 : i32
      %dma_wait3A_368 = tpu.memref_slice %arg4[%multiple_of3A_359, %dma_wait3A_367] : memref<100000x128xf32, #tpu.memory_space<hbm>> -> memref<128x128xf32, #tpu.memory_space<hbm>>
      %dma_wait3A_369 = arith.constant 0 : i32
      %dma_wait3A_370 = arith.constant 0 : i32
      %dma_wait3A_371 = tpu.memref_slice %arg6[%dma_wait3A_360, %dma_wait3A_369, %dma_wait3A_370] : memref<6x128x128xf32, #tpu.memory_space<vmem>> -> memref<1x128x128xf32, #tpu.memory_space<vmem>>
      %dma_wait3A_372 = tpu.memref_squeeze %dma_wait3A_371 : memref<1x128x128xf32, #tpu.memory_space<vmem>> -> memref<128x128xf32, #tpu.memory_space<vmem>>
      tpu.wait_dma2 semaphore(%arg18 : memref<!tpu.dma_semaphore, #tpu.memory_space<semaphore_mem>>) src(%dma_wait3A_372 : memref<128x128xf32, #tpu.memory_space<vmem>>) dst(%dma_wait3A_368 : memref<128x128xf32, #tpu.memory_space<hbm>>)
      %add3A_373 = arith.constant 16 : i32
      %add3A_374 = arith.addi %add3A_6, %add3A_373 : i32
      %mul3A_375 = arith.constant 128 : i32
      %mul3A_376 = arith.muli %add3A_374, %mul3A_375 : i32
      %min3A_377 = arith.constant 99872 : i32
      %min3A_378 = arith.minsi %mul3A_376, %min3A_377 : i32
      %multiple_of3A_379 = tpu.assume_multiple %min3A_378, 8 : i32
      %sub3A_380 = arith.subi %multiple_of3A_379, %multiple_of3A : i32
      %multiple_of3A_381 = tpu.assume_multiple %sub3A_380, 8 : i32
      %add3A_382 = arith.constant 0 : i32
      %add3A_383 = arith.addi %multiple_of3A_381, %add3A_382 : i32
      %dma_start3A_384 = arith.constant 4 : i32
      %dma_start3A_385 = arith.constant 0 : i32
      %dma_start3A_386 = arith.constant 0 : i32
      %dma_start3A_387 = tpu.memref_slice %arg6[%dma_start3A_384, %dma_start3A_385, %dma_start3A_386] : memref<6x128x128xf32, #tpu.memory_space<vmem>> -> memref<1x128x128xf32, #tpu.memory_space<vmem>>
      %dma_start3A_388 = tpu.memref_squeeze %dma_start3A_387 : memref<1x128x128xf32, #tpu.memory_space<vmem>> -> memref<128x128xf32, #tpu.memory_space<vmem>>
      %dma_start3A_389 = tpu.memref_slice %arg5[%add3A_383] : memref<3200xi32, #tpu.memory_space<vmem>> -> memref<128xi32, #tpu.memory_space<vmem>>
      %dma_start3A_390 = arith.constant 0 : i32
      %dma_start3A_391 = arith.constant 0 : i32
      %dma_start3A_392 = tpu.memref_slice %arg7[%dma_start3A_390, %dma_start3A_391] : memref<1024x128xf32, #tpu.memory_space<vmem_shared>> -> memref<1024x128xf32, #tpu.memory_space<vmem_shared>>
      tpu.enqueue_indirect_dma source(%dma_start3A_392 : memref<1024x128xf32, #tpu.memory_space<vmem_shared>>) target(%dma_start3A_388 : memref<128x128xf32, #tpu.memory_space<vmem>>) offsets(%dma_start3A_389 : memref<128xi32, #tpu.memory_space<vmem>>) semaphore(%arg12 : memref<!tpu.dma_semaphore, #tpu.memory_space<semaphore_mem>>)
    } else {
    }
    %gt3A_195 = arith.constant 15 : i32
    %gt3A_196 = arith.cmpi sgt, %select_n3A, %gt3A_195 : i32
    %convert_element_type3A_197 = arith.extui %gt3A_196 : i1 to i32
    %cond3A_198 = arith.constant 0 : i32
    %cond3A_199 = arith.cmpi ne, %convert_element_type3A_197, %cond3A_198 : i32
    scf.if %cond3A_199 {
      %add3A_353 = arith.constant 15 : i32
      %add3A_354 = arith.addi %add3A_6, %add3A_353 : i32
      %mul3A_355 = arith.constant 128 : i32
      %mul3A_356 = arith.muli %add3A_354, %mul3A_355 : i32
      %min3A_357 = arith.constant 99872 : i32
      %min3A_358 = arith.minsi %mul3A_356, %min3A_357 : i32
      %multiple_of3A_359 = tpu.assume_multiple %min3A_358, 8 : i32
      %sub3A_360 = arith.subi %multiple_of3A_359, %multiple_of3A : i32
      %multiple_of3A_361 = tpu.assume_multiple %sub3A_360, 8 : i32
      %add3A_362 = arith.constant 0 : i32
      %add3A_363 = arith.addi %multiple_of3A_361, %add3A_362 : i32
      %dma_wait3A_364 = arith.constant 3 : i32
      %dma_wait3A_365 = arith.constant 0 : i32
      %dma_wait3A_366 = arith.constant 0 : i32
      %dma_wait3A_367 = tpu.memref_slice %arg6[%dma_wait3A_364, %dma_wait3A_365, %dma_wait3A_366] : memref<6x128x128xf32, #tpu.memory_space<vmem>> -> memref<1x128x128xf32, #tpu.memory_space<vmem>>
      %dma_wait3A_368 = tpu.memref_squeeze %dma_wait3A_367 : memref<1x128x128xf32, #tpu.memory_space<vmem>> -> memref<128x128xf32, #tpu.memory_space<vmem>>
      %dma_wait3A_369 = tpu.memref_slice %arg5[%add3A_363] : memref<3200xi32, #tpu.memory_space<vmem>> -> memref<128xi32, #tpu.memory_space<vmem>>
      %dma_wait3A_370 = arith.constant 0 : i32
      %dma_wait3A_371 = arith.constant 0 : i32
      %dma_wait3A_372 = tpu.memref_slice %arg7[%dma_wait3A_370, %dma_wait3A_371] : memref<1024x128xf32, #tpu.memory_space<vmem_shared>> -> memref<1024x128xf32, #tpu.memory_space<vmem_shared>>
      tpu.wait_indirect_dma semaphore(%arg11 : memref<!tpu.dma_semaphore, #tpu.memory_space<semaphore_mem>>) src(%dma_wait3A_372 : memref<1024x128xf32, #tpu.memory_space<vmem_shared>>) dst(%dma_wait3A_368 : memref<128x128xf32, #tpu.memory_space<vmem>>)
      %add3A_373 = arith.constant 15 : i32
      %add3A_374 = arith.addi %add3A_6, %add3A_373 : i32
      %mul3A_375 = arith.constant 128 : i32
      %mul3A_376 = arith.muli %add3A_374, %mul3A_375 : i32
      %min3A_377 = arith.constant 99872 : i32
      %min3A_378 = arith.minsi %mul3A_376, %min3A_377 : i32
      %multiple_of3A_379 = tpu.assume_multiple %min3A_378, 8 : i32
      %dma_start3A_380 = arith.constant 3 : i32
      %dma_start3A_381 = arith.constant 0 : i32
      %dma_start3A_382 = arith.constant 0 : i32
      %dma_start3A_383 = tpu.memref_slice %arg6[%dma_start3A_380, %dma_start3A_381, %dma_start3A_382] : memref<6x128x128xf32, #tpu.memory_space<vmem>> -> memref<1x128x128xf32, #tpu.memory_space<vmem>>
      %dma_start3A_384 = tpu.memref_squeeze %dma_start3A_383 : memref<1x128x128xf32, #tpu.memory_space<vmem>> -> memref<128x128xf32, #tpu.memory_space<vmem>>
      %dma_start3A_385 = arith.constant 0 : i32
      %dma_start3A_386 = tpu.memref_slice %arg4[%multiple_of3A_379, %dma_start3A_385] : memref<100000x128xf32, #tpu.memory_space<hbm>> -> memref<128x128xf32, #tpu.memory_space<hbm>>
      %dma_start3A_387 = arith.constant 0 : i32
      %dma_start3A_388 = tpu.memref_slice %arg4[%multiple_of3A_379, %dma_start3A_387] : memref<100000x128xf32, #tpu.memory_space<hbm>> -> memref<128x128xf32, #tpu.memory_space<hbm>>
      %dma_start3A_389 = arith.constant 0 : i32
      %dma_start3A_390 = arith.constant 0 : i32
      %dma_start3A_391 = tpu.memref_slice %arg6[%dma_start3A_380, %dma_start3A_389, %dma_start3A_390] : memref<6x128x128xf32, #tpu.memory_space<vmem>> -> memref<1x128x128xf32, #tpu.memory_space<vmem>>
      %dma_start3A_392 = tpu.memref_squeeze %dma_start3A_391 : memref<1x128x128xf32, #tpu.memory_space<vmem>> -> memref<128x128xf32, #tpu.memory_space<vmem>>
      tpu.enqueue_dma source(%dma_start3A_392 : memref<128x128xf32, #tpu.memory_space<vmem>>) target(%dma_start3A_388 : memref<128x128xf32, #tpu.memory_space<hbm>>) target_semaphore(%arg17 : memref<!tpu.dma_semaphore, #tpu.memory_space<semaphore_mem>>)
    } else {
    }
    %gt3A_200 = arith.constant 17 : i32
    %gt3A_201 = arith.cmpi sgt, %select_n3A, %gt3A_200 : i32
    %convert_element_type3A_202 = arith.extui %gt3A_201 : i1 to i32
    %cond3A_203 = arith.constant 0 : i32
    %cond3A_204 = arith.cmpi ne, %convert_element_type3A_202, %cond3A_203 : i32
    scf.if %cond3A_204 {
      %add3A_353 = arith.constant 11 : i32
      %add3A_354 = arith.addi %add3A_6, %add3A_353 : i32
      %mul3A_355 = arith.constant 128 : i32
      %mul3A_356 = arith.muli %add3A_354, %mul3A_355 : i32
      %min3A_357 = arith.constant 99872 : i32
      %min3A_358 = arith.minsi %mul3A_356, %min3A_357 : i32
      %multiple_of3A_359 = tpu.assume_multiple %min3A_358, 8 : i32
      %dma_wait3A_360 = arith.constant 5 : i32
      %dma_wait3A_361 = arith.constant 0 : i32
      %dma_wait3A_362 = arith.constant 0 : i32
      %dma_wait3A_363 = tpu.memref_slice %arg6[%dma_wait3A_360, %dma_wait3A_361, %dma_wait3A_362] : memref<6x128x128xf32, #tpu.memory_space<vmem>> -> memref<1x128x128xf32, #tpu.memory_space<vmem>>
      %dma_wait3A_364 = tpu.memref_squeeze %dma_wait3A_363 : memref<1x128x128xf32, #tpu.memory_space<vmem>> -> memref<128x128xf32, #tpu.memory_space<vmem>>
      %dma_wait3A_365 = arith.constant 0 : i32
      %dma_wait3A_366 = tpu.memref_slice %arg4[%multiple_of3A_359, %dma_wait3A_365] : memref<100000x128xf32, #tpu.memory_space<hbm>> -> memref<128x128xf32, #tpu.memory_space<hbm>>
      %dma_wait3A_367 = arith.constant 0 : i32
      %dma_wait3A_368 = tpu.memref_slice %arg4[%multiple_of3A_359, %dma_wait3A_367] : memref<100000x128xf32, #tpu.memory_space<hbm>> -> memref<128x128xf32, #tpu.memory_space<hbm>>
      %dma_wait3A_369 = arith.constant 0 : i32
      %dma_wait3A_370 = arith.constant 0 : i32
      %dma_wait3A_371 = tpu.memref_slice %arg6[%dma_wait3A_360, %dma_wait3A_369, %dma_wait3A_370] : memref<6x128x128xf32, #tpu.memory_space<vmem>> -> memref<1x128x128xf32, #tpu.memory_space<vmem>>
      %dma_wait3A_372 = tpu.memref_squeeze %dma_wait3A_371 : memref<1x128x128xf32, #tpu.memory_space<vmem>> -> memref<128x128xf32, #tpu.memory_space<vmem>>
      tpu.wait_dma2 semaphore(%arg19 : memref<!tpu.dma_semaphore, #tpu.memory_space<semaphore_mem>>) src(%dma_wait3A_372 : memref<128x128xf32, #tpu.memory_space<vmem>>) dst(%dma_wait3A_368 : memref<128x128xf32, #tpu.memory_space<hbm>>)
      %add3A_373 = arith.constant 17 : i32
      %add3A_374 = arith.addi %add3A_6, %add3A_373 : i32
      %mul3A_375 = arith.constant 128 : i32
      %mul3A_376 = arith.muli %add3A_374, %mul3A_375 : i32
      %min3A_377 = arith.constant 99872 : i32
      %min3A_378 = arith.minsi %mul3A_376, %min3A_377 : i32
      %multiple_of3A_379 = tpu.assume_multiple %min3A_378, 8 : i32
      %sub3A_380 = arith.subi %multiple_of3A_379, %multiple_of3A : i32
      %multiple_of3A_381 = tpu.assume_multiple %sub3A_380, 8 : i32
      %add3A_382 = arith.constant 0 : i32
      %add3A_383 = arith.addi %multiple_of3A_381, %add3A_382 : i32
      %dma_start3A_384 = arith.constant 5 : i32
      %dma_start3A_385 = arith.constant 0 : i32
      %dma_start3A_386 = arith.constant 0 : i32
      %dma_start3A_387 = tpu.memref_slice %arg6[%dma_start3A_384, %dma_start3A_385, %dma_start3A_386] : memref<6x128x128xf32, #tpu.memory_space<vmem>> -> memref<1x128x128xf32, #tpu.memory_space<vmem>>
      %dma_start3A_388 = tpu.memref_squeeze %dma_start3A_387 : memref<1x128x128xf32, #tpu.memory_space<vmem>> -> memref<128x128xf32, #tpu.memory_space<vmem>>
      %dma_start3A_389 = tpu.memref_slice %arg5[%add3A_383] : memref<3200xi32, #tpu.memory_space<vmem>> -> memref<128xi32, #tpu.memory_space<vmem>>
      %dma_start3A_390 = arith.constant 0 : i32
      %dma_start3A_391 = arith.constant 0 : i32
      %dma_start3A_392 = tpu.memref_slice %arg7[%dma_start3A_390, %dma_start3A_391] : memref<1024x128xf32, #tpu.memory_space<vmem_shared>> -> memref<1024x128xf32, #tpu.memory_space<vmem_shared>>
      tpu.enqueue_indirect_dma source(%dma_start3A_392 : memref<1024x128xf32, #tpu.memory_space<vmem_shared>>) target(%dma_start3A_388 : memref<128x128xf32, #tpu.memory_space<vmem>>) offsets(%dma_start3A_389 : memref<128xi32, #tpu.memory_space<vmem>>) semaphore(%arg13 : memref<!tpu.dma_semaphore, #tpu.memory_space<semaphore_mem>>)
    } else {
    }
    %gt3A_205 = arith.constant 16 : i32
    %gt3A_206 = arith.cmpi sgt, %select_n3A, %gt3A_205 : i32
    %convert_element_type3A_207 = arith.extui %gt3A_206 : i1 to i32
    %cond3A_208 = arith.constant 0 : i32
    %cond3A_209 = arith.cmpi ne, %convert_element_type3A_207, %cond3A_208 : i32
    scf.if %cond3A_209 {
      %add3A_353 = arith.constant 16 : i32
      %add3A_354 = arith.addi %add3A_6, %add3A_353 : i32
      %mul3A_355 = arith.constant 128 : i32
      %mul3A_356 = arith.muli %add3A_354, %mul3A_355 : i32
      %min3A_357 = arith.constant 99872 : i32
      %min3A_358 = arith.minsi %mul3A_356, %min3A_357 : i32
      %multiple_of3A_359 = tpu.assume_multiple %min3A_358, 8 : i32
      %sub3A_360 = arith.subi %multiple_of3A_359, %multiple_of3A : i32
      %multiple_of3A_361 = tpu.assume_multiple %sub3A_360, 8 : i32
      %add3A_362 = arith.constant 0 : i32
      %add3A_363 = arith.addi %multiple_of3A_361, %add3A_362 : i32
      %dma_wait3A_364 = arith.constant 4 : i32
      %dma_wait3A_365 = arith.constant 0 : i32
      %dma_wait3A_366 = arith.constant 0 : i32
      %dma_wait3A_367 = tpu.memref_slice %arg6[%dma_wait3A_364, %dma_wait3A_365, %dma_wait3A_366] : memref<6x128x128xf32, #tpu.memory_space<vmem>> -> memref<1x128x128xf32, #tpu.memory_space<vmem>>
      %dma_wait3A_368 = tpu.memref_squeeze %dma_wait3A_367 : memref<1x128x128xf32, #tpu.memory_space<vmem>> -> memref<128x128xf32, #tpu.memory_space<vmem>>
      %dma_wait3A_369 = tpu.memref_slice %arg5[%add3A_363] : memref<3200xi32, #tpu.memory_space<vmem>> -> memref<128xi32, #tpu.memory_space<vmem>>
      %dma_wait3A_370 = arith.constant 0 : i32
      %dma_wait3A_371 = arith.constant 0 : i32
      %dma_wait3A_372 = tpu.memref_slice %arg7[%dma_wait3A_370, %dma_wait3A_371] : memref<1024x128xf32, #tpu.memory_space<vmem_shared>> -> memref<1024x128xf32, #tpu.memory_space<vmem_shared>>
      tpu.wait_indirect_dma semaphore(%arg12 : memref<!tpu.dma_semaphore, #tpu.memory_space<semaphore_mem>>) src(%dma_wait3A_372 : memref<1024x128xf32, #tpu.memory_space<vmem_shared>>) dst(%dma_wait3A_368 : memref<128x128xf32, #tpu.memory_space<vmem>>)
      %add3A_373 = arith.constant 16 : i32
      %add3A_374 = arith.addi %add3A_6, %add3A_373 : i32
      %mul3A_375 = arith.constant 128 : i32
      %mul3A_376 = arith.muli %add3A_374, %mul3A_375 : i32
      %min3A_377 = arith.constant 99872 : i32
      %min3A_378 = arith.minsi %mul3A_376, %min3A_377 : i32
      %multiple_of3A_379 = tpu.assume_multiple %min3A_378, 8 : i32
      %dma_start3A_380 = arith.constant 4 : i32
      %dma_start3A_381 = arith.constant 0 : i32
      %dma_start3A_382 = arith.constant 0 : i32
      %dma_start3A_383 = tpu.memref_slice %arg6[%dma_start3A_380, %dma_start3A_381, %dma_start3A_382] : memref<6x128x128xf32, #tpu.memory_space<vmem>> -> memref<1x128x128xf32, #tpu.memory_space<vmem>>
      %dma_start3A_384 = tpu.memref_squeeze %dma_start3A_383 : memref<1x128x128xf32, #tpu.memory_space<vmem>> -> memref<128x128xf32, #tpu.memory_space<vmem>>
      %dma_start3A_385 = arith.constant 0 : i32
      %dma_start3A_386 = tpu.memref_slice %arg4[%multiple_of3A_379, %dma_start3A_385] : memref<100000x128xf32, #tpu.memory_space<hbm>> -> memref<128x128xf32, #tpu.memory_space<hbm>>
      %dma_start3A_387 = arith.constant 0 : i32
      %dma_start3A_388 = tpu.memref_slice %arg4[%multiple_of3A_379, %dma_start3A_387] : memref<100000x128xf32, #tpu.memory_space<hbm>> -> memref<128x128xf32, #tpu.memory_space<hbm>>
      %dma_start3A_389 = arith.constant 0 : i32
      %dma_start3A_390 = arith.constant 0 : i32
      %dma_start3A_391 = tpu.memref_slice %arg6[%dma_start3A_380, %dma_start3A_389, %dma_start3A_390] : memref<6x128x128xf32, #tpu.memory_space<vmem>> -> memref<1x128x128xf32, #tpu.memory_space<vmem>>
      %dma_start3A_392 = tpu.memref_squeeze %dma_start3A_391 : memref<1x128x128xf32, #tpu.memory_space<vmem>> -> memref<128x128xf32, #tpu.memory_space<vmem>>
      tpu.enqueue_dma source(%dma_start3A_392 : memref<128x128xf32, #tpu.memory_space<vmem>>) target(%dma_start3A_388 : memref<128x128xf32, #tpu.memory_space<hbm>>) target_semaphore(%arg18 : memref<!tpu.dma_semaphore, #tpu.memory_space<semaphore_mem>>)
    } else {
    }
    %gt3A_210 = arith.constant 18 : i32
    %gt3A_211 = arith.cmpi sgt, %select_n3A, %gt3A_210 : i32
    %convert_element_type3A_212 = arith.extui %gt3A_211 : i1 to i32
    %cond3A_213 = arith.constant 0 : i32
    %cond3A_214 = arith.cmpi ne, %convert_element_type3A_212, %cond3A_213 : i32
    scf.if %cond3A_214 {
      %add3A_353 = arith.constant 12 : i32
      %add3A_354 = arith.addi %add3A_6, %add3A_353 : i32
      %mul3A_355 = arith.constant 128 : i32
      %mul3A_356 = arith.muli %add3A_354, %mul3A_355 : i32
      %min3A_357 = arith.constant 99872 : i32
      %min3A_358 = arith.minsi %mul3A_356, %min3A_357 : i32
      %multiple_of3A_359 = tpu.assume_multiple %min3A_358, 8 : i32
      %dma_wait3A_360 = arith.constant 0 : i32
      %dma_wait3A_361 = arith.constant 0 : i32
      %dma_wait3A_362 = arith.constant 0 : i32
      %dma_wait3A_363 = tpu.memref_slice %arg6[%dma_wait3A_360, %dma_wait3A_361, %dma_wait3A_362] : memref<6x128x128xf32, #tpu.memory_space<vmem>> -> memref<1x128x128xf32, #tpu.memory_space<vmem>>
      %dma_wait3A_364 = tpu.memref_squeeze %dma_wait3A_363 : memref<1x128x128xf32, #tpu.memory_space<vmem>> -> memref<128x128xf32, #tpu.memory_space<vmem>>
      %dma_wait3A_365 = arith.constant 0 : i32
      %dma_wait3A_366 = tpu.memref_slice %arg4[%multiple_of3A_359, %dma_wait3A_365] : memref<100000x128xf32, #tpu.memory_space<hbm>> -> memref<128x128xf32, #tpu.memory_space<hbm>>
      %dma_wait3A_367 = arith.constant 0 : i32
      %dma_wait3A_368 = tpu.memref_slice %arg4[%multiple_of3A_359, %dma_wait3A_367] : memref<100000x128xf32, #tpu.memory_space<hbm>> -> memref<128x128xf32, #tpu.memory_space<hbm>>
      %dma_wait3A_369 = arith.constant 0 : i32
      %dma_wait3A_370 = arith.constant 0 : i32
      %dma_wait3A_371 = tpu.memref_slice %arg6[%dma_wait3A_360, %dma_wait3A_369, %dma_wait3A_370] : memref<6x128x128xf32, #tpu.memory_space<vmem>> -> memref<1x128x128xf32, #tpu.memory_space<vmem>>
      %dma_wait3A_372 = tpu.memref_squeeze %dma_wait3A_371 : memref<1x128x128xf32, #tpu.memory_space<vmem>> -> memref<128x128xf32, #tpu.memory_space<vmem>>
      tpu.wait_dma2 semaphore(%arg14 : memref<!tpu.dma_semaphore, #tpu.memory_space<semaphore_mem>>) src(%dma_wait3A_372 : memref<128x128xf32, #tpu.memory_space<vmem>>) dst(%dma_wait3A_368 : memref<128x128xf32, #tpu.memory_space<hbm>>)
      %add3A_373 = arith.constant 18 : i32
      %add3A_374 = arith.addi %add3A_6, %add3A_373 : i32
      %mul3A_375 = arith.constant 128 : i32
      %mul3A_376 = arith.muli %add3A_374, %mul3A_375 : i32
      %min3A_377 = arith.constant 99872 : i32
      %min3A_378 = arith.minsi %mul3A_376, %min3A_377 : i32
      %multiple_of3A_379 = tpu.assume_multiple %min3A_378, 8 : i32
      %sub3A_380 = arith.subi %multiple_of3A_379, %multiple_of3A : i32
      %multiple_of3A_381 = tpu.assume_multiple %sub3A_380, 8 : i32
      %add3A_382 = arith.constant 0 : i32
      %add3A_383 = arith.addi %multiple_of3A_381, %add3A_382 : i32
      %dma_start3A_384 = arith.constant 0 : i32
      %dma_start3A_385 = arith.constant 0 : i32
      %dma_start3A_386 = arith.constant 0 : i32
      %dma_start3A_387 = tpu.memref_slice %arg6[%dma_start3A_384, %dma_start3A_385, %dma_start3A_386] : memref<6x128x128xf32, #tpu.memory_space<vmem>> -> memref<1x128x128xf32, #tpu.memory_space<vmem>>
      %dma_start3A_388 = tpu.memref_squeeze %dma_start3A_387 : memref<1x128x128xf32, #tpu.memory_space<vmem>> -> memref<128x128xf32, #tpu.memory_space<vmem>>
      %dma_start3A_389 = tpu.memref_slice %arg5[%add3A_383] : memref<3200xi32, #tpu.memory_space<vmem>> -> memref<128xi32, #tpu.memory_space<vmem>>
      %dma_start3A_390 = arith.constant 0 : i32
      %dma_start3A_391 = arith.constant 0 : i32
      %dma_start3A_392 = tpu.memref_slice %arg7[%dma_start3A_390, %dma_start3A_391] : memref<1024x128xf32, #tpu.memory_space<vmem_shared>> -> memref<1024x128xf32, #tpu.memory_space<vmem_shared>>
      tpu.enqueue_indirect_dma source(%dma_start3A_392 : memref<1024x128xf32, #tpu.memory_space<vmem_shared>>) target(%dma_start3A_388 : memref<128x128xf32, #tpu.memory_space<vmem>>) offsets(%dma_start3A_389 : memref<128xi32, #tpu.memory_space<vmem>>) semaphore(%arg8 : memref<!tpu.dma_semaphore, #tpu.memory_space<semaphore_mem>>)
    } else {
    }
    %gt3A_215 = arith.constant 17 : i32
    %gt3A_216 = arith.cmpi sgt, %select_n3A, %gt3A_215 : i32
    %convert_element_type3A_217 = arith.extui %gt3A_216 : i1 to i32
    %cond3A_218 = arith.constant 0 : i32
    %cond3A_219 = arith.cmpi ne, %convert_element_type3A_217, %cond3A_218 : i32
    scf.if %cond3A_219 {
      %add3A_353 = arith.constant 17 : i32
      %add3A_354 = arith.addi %add3A_6, %add3A_353 : i32
      %mul3A_355 = arith.constant 128 : i32
      %mul3A_356 = arith.muli %add3A_354, %mul3A_355 : i32
      %min3A_357 = arith.constant 99872 : i32
      %min3A_358 = arith.minsi %mul3A_356, %min3A_357 : i32
      %multiple_of3A_359 = tpu.assume_multiple %min3A_358, 8 : i32
      %sub3A_360 = arith.subi %multiple_of3A_359, %multiple_of3A : i32
      %multiple_of3A_361 = tpu.assume_multiple %sub3A_360, 8 : i32
      %add3A_362 = arith.constant 0 : i32
      %add3A_363 = arith.addi %multiple_of3A_361, %add3A_362 : i32
      %dma_wait3A_364 = arith.constant 5 : i32
      %dma_wait3A_365 = arith.constant 0 : i32
      %dma_wait3A_366 = arith.constant 0 : i32
      %dma_wait3A_367 = tpu.memref_slice %arg6[%dma_wait3A_364, %dma_wait3A_365, %dma_wait3A_366] : memref<6x128x128xf32, #tpu.memory_space<vmem>> -> memref<1x128x128xf32, #tpu.memory_space<vmem>>
      %dma_wait3A_368 = tpu.memref_squeeze %dma_wait3A_367 : memref<1x128x128xf32, #tpu.memory_space<vmem>> -> memref<128x128xf32, #tpu.memory_space<vmem>>
      %dma_wait3A_369 = tpu.memref_slice %arg5[%add3A_363] : memref<3200xi32, #tpu.memory_space<vmem>> -> memref<128xi32, #tpu.memory_space<vmem>>
      %dma_wait3A_370 = arith.constant 0 : i32
      %dma_wait3A_371 = arith.constant 0 : i32
      %dma_wait3A_372 = tpu.memref_slice %arg7[%dma_wait3A_370, %dma_wait3A_371] : memref<1024x128xf32, #tpu.memory_space<vmem_shared>> -> memref<1024x128xf32, #tpu.memory_space<vmem_shared>>
      tpu.wait_indirect_dma semaphore(%arg13 : memref<!tpu.dma_semaphore, #tpu.memory_space<semaphore_mem>>) src(%dma_wait3A_372 : memref<1024x128xf32, #tpu.memory_space<vmem_shared>>) dst(%dma_wait3A_368 : memref<128x128xf32, #tpu.memory_space<vmem>>)
      %add3A_373 = arith.constant 17 : i32
      %add3A_374 = arith.addi %add3A_6, %add3A_373 : i32
      %mul3A_375 = arith.constant 128 : i32
      %mul3A_376 = arith.muli %add3A_374, %mul3A_375 : i32
      %min3A_377 = arith.constant 99872 : i32
      %min3A_378 = arith.minsi %mul3A_376, %min3A_377 : i32
      %multiple_of3A_379 = tpu.assume_multiple %min3A_378, 8 : i32
      %dma_start3A_380 = arith.constant 5 : i32
      %dma_start3A_381 = arith.constant 0 : i32
      %dma_start3A_382 = arith.constant 0 : i32
      %dma_start3A_383 = tpu.memref_slice %arg6[%dma_start3A_380, %dma_start3A_381, %dma_start3A_382] : memref<6x128x128xf32, #tpu.memory_space<vmem>> -> memref<1x128x128xf32, #tpu.memory_space<vmem>>
      %dma_start3A_384 = tpu.memref_squeeze %dma_start3A_383 : memref<1x128x128xf32, #tpu.memory_space<vmem>> -> memref<128x128xf32, #tpu.memory_space<vmem>>
      %dma_start3A_385 = arith.constant 0 : i32
      %dma_start3A_386 = tpu.memref_slice %arg4[%multiple_of3A_379, %dma_start3A_385] : memref<100000x128xf32, #tpu.memory_space<hbm>> -> memref<128x128xf32, #tpu.memory_space<hbm>>
      %dma_start3A_387 = arith.constant 0 : i32
      %dma_start3A_388 = tpu.memref_slice %arg4[%multiple_of3A_379, %dma_start3A_387] : memref<100000x128xf32, #tpu.memory_space<hbm>> -> memref<128x128xf32, #tpu.memory_space<hbm>>
      %dma_start3A_389 = arith.constant 0 : i32
      %dma_start3A_390 = arith.constant 0 : i32
      %dma_start3A_391 = tpu.memref_slice %arg6[%dma_start3A_380, %dma_start3A_389, %dma_start3A_390] : memref<6x128x128xf32, #tpu.memory_space<vmem>> -> memref<1x128x128xf32, #tpu.memory_space<vmem>>
      %dma_start3A_392 = tpu.memref_squeeze %dma_start3A_391 : memref<1x128x128xf32, #tpu.memory_space<vmem>> -> memref<128x128xf32, #tpu.memory_space<vmem>>
      tpu.enqueue_dma source(%dma_start3A_392 : memref<128x128xf32, #tpu.memory_space<vmem>>) target(%dma_start3A_388 : memref<128x128xf32, #tpu.memory_space<hbm>>) target_semaphore(%arg19 : memref<!tpu.dma_semaphore, #tpu.memory_space<semaphore_mem>>)
    } else {
    }
    %gt3A_220 = arith.constant 19 : i32
    %gt3A_221 = arith.cmpi sgt, %select_n3A, %gt3A_220 : i32
    %convert_element_type3A_222 = arith.extui %gt3A_221 : i1 to i32
    %cond3A_223 = arith.constant 0 : i32
    %cond3A_224 = arith.cmpi ne, %convert_element_type3A_222, %cond3A_223 : i32
    scf.if %cond3A_224 {
      %add3A_353 = arith.constant 13 : i32
      %add3A_354 = arith.addi %add3A_6, %add3A_353 : i32
      %mul3A_355 = arith.constant 128 : i32
      %mul3A_356 = arith.muli %add3A_354, %mul3A_355 : i32
      %min3A_357 = arith.constant 99872 : i32
      %min3A_358 = arith.minsi %mul3A_356, %min3A_357 : i32
      %multiple_of3A_359 = tpu.assume_multiple %min3A_358, 8 : i32
      %dma_wait3A_360 = arith.constant 1 : i32
      %dma_wait3A_361 = arith.constant 0 : i32
      %dma_wait3A_362 = arith.constant 0 : i32
      %dma_wait3A_363 = tpu.memref_slice %arg6[%dma_wait3A_360, %dma_wait3A_361, %dma_wait3A_362] : memref<6x128x128xf32, #tpu.memory_space<vmem>> -> memref<1x128x128xf32, #tpu.memory_space<vmem>>
      %dma_wait3A_364 = tpu.memref_squeeze %dma_wait3A_363 : memref<1x128x128xf32, #tpu.memory_space<vmem>> -> memref<128x128xf32, #tpu.memory_space<vmem>>
      %dma_wait3A_365 = arith.constant 0 : i32
      %dma_wait3A_366 = tpu.memref_slice %arg4[%multiple_of3A_359, %dma_wait3A_365] : memref<100000x128xf32, #tpu.memory_space<hbm>> -> memref<128x128xf32, #tpu.memory_space<hbm>>
      %dma_wait3A_367 = arith.constant 0 : i32
      %dma_wait3A_368 = tpu.memref_slice %arg4[%multiple_of3A_359, %dma_wait3A_367] : memref<100000x128xf32, #tpu.memory_space<hbm>> -> memref<128x128xf32, #tpu.memory_space<hbm>>
      %dma_wait3A_369 = arith.constant 0 : i32
      %dma_wait3A_370 = arith.constant 0 : i32
      %dma_wait3A_371 = tpu.memref_slice %arg6[%dma_wait3A_360, %dma_wait3A_369, %dma_wait3A_370] : memref<6x128x128xf32, #tpu.memory_space<vmem>> -> memref<1x128x128xf32, #tpu.memory_space<vmem>>
      %dma_wait3A_372 = tpu.memref_squeeze %dma_wait3A_371 : memref<1x128x128xf32, #tpu.memory_space<vmem>> -> memref<128x128xf32, #tpu.memory_space<vmem>>
      tpu.wait_dma2 semaphore(%arg15 : memref<!tpu.dma_semaphore, #tpu.memory_space<semaphore_mem>>) src(%dma_wait3A_372 : memref<128x128xf32, #tpu.memory_space<vmem>>) dst(%dma_wait3A_368 : memref<128x128xf32, #tpu.memory_space<hbm>>)
      %add3A_373 = arith.constant 19 : i32
      %add3A_374 = arith.addi %add3A_6, %add3A_373 : i32
      %mul3A_375 = arith.constant 128 : i32
      %mul3A_376 = arith.muli %add3A_374, %mul3A_375 : i32
      %min3A_377 = arith.constant 99872 : i32
      %min3A_378 = arith.minsi %mul3A_376, %min3A_377 : i32
      %multiple_of3A_379 = tpu.assume_multiple %min3A_378, 8 : i32
      %sub3A_380 = arith.subi %multiple_of3A_379, %multiple_of3A : i32
      %multiple_of3A_381 = tpu.assume_multiple %sub3A_380, 8 : i32
      %add3A_382 = arith.constant 0 : i32
      %add3A_383 = arith.addi %multiple_of3A_381, %add3A_382 : i32
      %dma_start3A_384 = arith.constant 1 : i32
      %dma_start3A_385 = arith.constant 0 : i32
      %dma_start3A_386 = arith.constant 0 : i32
      %dma_start3A_387 = tpu.memref_slice %arg6[%dma_start3A_384, %dma_start3A_385, %dma_start3A_386] : memref<6x128x128xf32, #tpu.memory_space<vmem>> -> memref<1x128x128xf32, #tpu.memory_space<vmem>>
      %dma_start3A_388 = tpu.memref_squeeze %dma_start3A_387 : memref<1x128x128xf32, #tpu.memory_space<vmem>> -> memref<128x128xf32, #tpu.memory_space<vmem>>
      %dma_start3A_389 = tpu.memref_slice %arg5[%add3A_383] : memref<3200xi32, #tpu.memory_space<vmem>> -> memref<128xi32, #tpu.memory_space<vmem>>
      %dma_start3A_390 = arith.constant 0 : i32
      %dma_start3A_391 = arith.constant 0 : i32
      %dma_start3A_392 = tpu.memref_slice %arg7[%dma_start3A_390, %dma_start3A_391] : memref<1024x128xf32, #tpu.memory_space<vmem_shared>> -> memref<1024x128xf32, #tpu.memory_space<vmem_shared>>
      tpu.enqueue_indirect_dma source(%dma_start3A_392 : memref<1024x128xf32, #tpu.memory_space<vmem_shared>>) target(%dma_start3A_388 : memref<128x128xf32, #tpu.memory_space<vmem>>) offsets(%dma_start3A_389 : memref<128xi32, #tpu.memory_space<vmem>>) semaphore(%arg9 : memref<!tpu.dma_semaphore, #tpu.memory_space<semaphore_mem>>)
    } else {
    }
    %gt3A_225 = arith.constant 18 : i32
    %gt3A_226 = arith.cmpi sgt, %select_n3A, %gt3A_225 : i32
    %convert_element_type3A_227 = arith.extui %gt3A_226 : i1 to i32
    %cond3A_228 = arith.constant 0 : i32
    %cond3A_229 = arith.cmpi ne, %convert_element_type3A_227, %cond3A_228 : i32
    scf.if %cond3A_229 {
      %add3A_353 = arith.constant 18 : i32
      %add3A_354 = arith.addi %add3A_6, %add3A_353 : i32
      %mul3A_355 = arith.constant 128 : i32
      %mul3A_356 = arith.muli %add3A_354, %mul3A_355 : i32
      %min3A_357 = arith.constant 99872 : i32
      %min3A_358 = arith.minsi %mul3A_356, %min3A_357 : i32
      %multiple_of3A_359 = tpu.assume_multiple %min3A_358, 8 : i32
      %sub3A_360 = arith.subi %multiple_of3A_359, %multiple_of3A : i32
      %multiple_of3A_361 = tpu.assume_multiple %sub3A_360, 8 : i32
      %add3A_362 = arith.constant 0 : i32
      %add3A_363 = arith.addi %multiple_of3A_361, %add3A_362 : i32
      %dma_wait3A_364 = arith.constant 0 : i32
      %dma_wait3A_365 = arith.constant 0 : i32
      %dma_wait3A_366 = arith.constant 0 : i32
      %dma_wait3A_367 = tpu.memref_slice %arg6[%dma_wait3A_364, %dma_wait3A_365, %dma_wait3A_366] : memref<6x128x128xf32, #tpu.memory_space<vmem>> -> memref<1x128x128xf32, #tpu.memory_space<vmem>>
      %dma_wait3A_368 = tpu.memref_squeeze %dma_wait3A_367 : memref<1x128x128xf32, #tpu.memory_space<vmem>> -> memref<128x128xf32, #tpu.memory_space<vmem>>
      %dma_wait3A_369 = tpu.memref_slice %arg5[%add3A_363] : memref<3200xi32, #tpu.memory_space<vmem>> -> memref<128xi32, #tpu.memory_space<vmem>>
      %dma_wait3A_370 = arith.constant 0 : i32
      %dma_wait3A_371 = arith.constant 0 : i32
      %dma_wait3A_372 = tpu.memref_slice %arg7[%dma_wait3A_370, %dma_wait3A_371] : memref<1024x128xf32, #tpu.memory_space<vmem_shared>> -> memref<1024x128xf32, #tpu.memory_space<vmem_shared>>
      tpu.wait_indirect_dma semaphore(%arg8 : memref<!tpu.dma_semaphore, #tpu.memory_space<semaphore_mem>>) src(%dma_wait3A_372 : memref<1024x128xf32, #tpu.memory_space<vmem_shared>>) dst(%dma_wait3A_368 : memref<128x128xf32, #tpu.memory_space<vmem>>)
      %add3A_373 = arith.constant 18 : i32
      %add3A_374 = arith.addi %add3A_6, %add3A_373 : i32
      %mul3A_375 = arith.constant 128 : i32
      %mul3A_376 = arith.muli %add3A_374, %mul3A_375 : i32
      %min3A_377 = arith.constant 99872 : i32
      %min3A_378 = arith.minsi %mul3A_376, %min3A_377 : i32
      %multiple_of3A_379 = tpu.assume_multiple %min3A_378, 8 : i32
      %dma_start3A_380 = arith.constant 0 : i32
      %dma_start3A_381 = arith.constant 0 : i32
      %dma_start3A_382 = arith.constant 0 : i32
      %dma_start3A_383 = tpu.memref_slice %arg6[%dma_start3A_380, %dma_start3A_381, %dma_start3A_382] : memref<6x128x128xf32, #tpu.memory_space<vmem>> -> memref<1x128x128xf32, #tpu.memory_space<vmem>>
      %dma_start3A_384 = tpu.memref_squeeze %dma_start3A_383 : memref<1x128x128xf32, #tpu.memory_space<vmem>> -> memref<128x128xf32, #tpu.memory_space<vmem>>
      %dma_start3A_385 = arith.constant 0 : i32
      %dma_start3A_386 = tpu.memref_slice %arg4[%multiple_of3A_379, %dma_start3A_385] : memref<100000x128xf32, #tpu.memory_space<hbm>> -> memref<128x128xf32, #tpu.memory_space<hbm>>
      %dma_start3A_387 = arith.constant 0 : i32
      %dma_start3A_388 = tpu.memref_slice %arg4[%multiple_of3A_379, %dma_start3A_387] : memref<100000x128xf32, #tpu.memory_space<hbm>> -> memref<128x128xf32, #tpu.memory_space<hbm>>
      %dma_start3A_389 = arith.constant 0 : i32
      %dma_start3A_390 = arith.constant 0 : i32
      %dma_start3A_391 = tpu.memref_slice %arg6[%dma_start3A_380, %dma_start3A_389, %dma_start3A_390] : memref<6x128x128xf32, #tpu.memory_space<vmem>> -> memref<1x128x128xf32, #tpu.memory_space<vmem>>
      %dma_start3A_392 = tpu.memref_squeeze %dma_start3A_391 : memref<1x128x128xf32, #tpu.memory_space<vmem>> -> memref<128x128xf32, #tpu.memory_space<vmem>>
      tpu.enqueue_dma source(%dma_start3A_392 : memref<128x128xf32, #tpu.memory_space<vmem>>) target(%dma_start3A_388 : memref<128x128xf32, #tpu.memory_space<hbm>>) target_semaphore(%arg14 : memref<!tpu.dma_semaphore, #tpu.memory_space<semaphore_mem>>)
    } else {
    }
    %gt3A_230 = arith.constant 20 : i32
    %gt3A_231 = arith.cmpi sgt, %select_n3A, %gt3A_230 : i32
    %convert_element_type3A_232 = arith.extui %gt3A_231 : i1 to i32
    %cond3A_233 = arith.constant 0 : i32
    %cond3A_234 = arith.cmpi ne, %convert_element_type3A_232, %cond3A_233 : i32
    scf.if %cond3A_234 {
      %add3A_353 = arith.constant 14 : i32
      %add3A_354 = arith.addi %add3A_6, %add3A_353 : i32
      %mul3A_355 = arith.constant 128 : i32
      %mul3A_356 = arith.muli %add3A_354, %mul3A_355 : i32
      %min3A_357 = arith.constant 99872 : i32
      %min3A_358 = arith.minsi %mul3A_356, %min3A_357 : i32
      %multiple_of3A_359 = tpu.assume_multiple %min3A_358, 8 : i32
      %dma_wait3A_360 = arith.constant 2 : i32
      %dma_wait3A_361 = arith.constant 0 : i32
      %dma_wait3A_362 = arith.constant 0 : i32
      %dma_wait3A_363 = tpu.memref_slice %arg6[%dma_wait3A_360, %dma_wait3A_361, %dma_wait3A_362] : memref<6x128x128xf32, #tpu.memory_space<vmem>> -> memref<1x128x128xf32, #tpu.memory_space<vmem>>
      %dma_wait3A_364 = tpu.memref_squeeze %dma_wait3A_363 : memref<1x128x128xf32, #tpu.memory_space<vmem>> -> memref<128x128xf32, #tpu.memory_space<vmem>>
      %dma_wait3A_365 = arith.constant 0 : i32
      %dma_wait3A_366 = tpu.memref_slice %arg4[%multiple_of3A_359, %dma_wait3A_365] : memref<100000x128xf32, #tpu.memory_space<hbm>> -> memref<128x128xf32, #tpu.memory_space<hbm>>
      %dma_wait3A_367 = arith.constant 0 : i32
      %dma_wait3A_368 = tpu.memref_slice %arg4[%multiple_of3A_359, %dma_wait3A_367] : memref<100000x128xf32, #tpu.memory_space<hbm>> -> memref<128x128xf32, #tpu.memory_space<hbm>>
      %dma_wait3A_369 = arith.constant 0 : i32
      %dma_wait3A_370 = arith.constant 0 : i32
      %dma_wait3A_371 = tpu.memref_slice %arg6[%dma_wait3A_360, %dma_wait3A_369, %dma_wait3A_370] : memref<6x128x128xf32, #tpu.memory_space<vmem>> -> memref<1x128x128xf32, #tpu.memory_space<vmem>>
      %dma_wait3A_372 = tpu.memref_squeeze %dma_wait3A_371 : memref<1x128x128xf32, #tpu.memory_space<vmem>> -> memref<128x128xf32, #tpu.memory_space<vmem>>
      tpu.wait_dma2 semaphore(%arg16 : memref<!tpu.dma_semaphore, #tpu.memory_space<semaphore_mem>>) src(%dma_wait3A_372 : memref<128x128xf32, #tpu.memory_space<vmem>>) dst(%dma_wait3A_368 : memref<128x128xf32, #tpu.memory_space<hbm>>)
      %add3A_373 = arith.constant 20 : i32
      %add3A_374 = arith.addi %add3A_6, %add3A_373 : i32
      %mul3A_375 = arith.constant 128 : i32
      %mul3A_376 = arith.muli %add3A_374, %mul3A_375 : i32
      %min3A_377 = arith.constant 99872 : i32
      %min3A_378 = arith.minsi %mul3A_376, %min3A_377 : i32
      %multiple_of3A_379 = tpu.assume_multiple %min3A_378, 8 : i32
      %sub3A_380 = arith.subi %multiple_of3A_379, %multiple_of3A : i32
      %multiple_of3A_381 = tpu.assume_multiple %sub3A_380, 8 : i32
      %add3A_382 = arith.constant 0 : i32
      %add3A_383 = arith.addi %multiple_of3A_381, %add3A_382 : i32
      %dma_start3A_384 = arith.constant 2 : i32
      %dma_start3A_385 = arith.constant 0 : i32
      %dma_start3A_386 = arith.constant 0 : i32
      %dma_start3A_387 = tpu.memref_slice %arg6[%dma_start3A_384, %dma_start3A_385, %dma_start3A_386] : memref<6x128x128xf32, #tpu.memory_space<vmem>> -> memref<1x128x128xf32, #tpu.memory_space<vmem>>
      %dma_start3A_388 = tpu.memref_squeeze %dma_start3A_387 : memref<1x128x128xf32, #tpu.memory_space<vmem>> -> memref<128x128xf32, #tpu.memory_space<vmem>>
      %dma_start3A_389 = tpu.memref_slice %arg5[%add3A_383] : memref<3200xi32, #tpu.memory_space<vmem>> -> memref<128xi32, #tpu.memory_space<vmem>>
      %dma_start3A_390 = arith.constant 0 : i32
      %dma_start3A_391 = arith.constant 0 : i32
      %dma_start3A_392 = tpu.memref_slice %arg7[%dma_start3A_390, %dma_start3A_391] : memref<1024x128xf32, #tpu.memory_space<vmem_shared>> -> memref<1024x128xf32, #tpu.memory_space<vmem_shared>>
      tpu.enqueue_indirect_dma source(%dma_start3A_392 : memref<1024x128xf32, #tpu.memory_space<vmem_shared>>) target(%dma_start3A_388 : memref<128x128xf32, #tpu.memory_space<vmem>>) offsets(%dma_start3A_389 : memref<128xi32, #tpu.memory_space<vmem>>) semaphore(%arg10 : memref<!tpu.dma_semaphore, #tpu.memory_space<semaphore_mem>>)
    } else {
    }
    %gt3A_235 = arith.constant 19 : i32
    %gt3A_236 = arith.cmpi sgt, %select_n3A, %gt3A_235 : i32
    %convert_element_type3A_237 = arith.extui %gt3A_236 : i1 to i32
    %cond3A_238 = arith.constant 0 : i32
    %cond3A_239 = arith.cmpi ne, %convert_element_type3A_237, %cond3A_238 : i32
    scf.if %cond3A_239 {
      %add3A_353 = arith.constant 19 : i32
      %add3A_354 = arith.addi %add3A_6, %add3A_353 : i32
      %mul3A_355 = arith.constant 128 : i32
      %mul3A_356 = arith.muli %add3A_354, %mul3A_355 : i32
      %min3A_357 = arith.constant 99872 : i32
      %min3A_358 = arith.minsi %mul3A_356, %min3A_357 : i32
      %multiple_of3A_359 = tpu.assume_multiple %min3A_358, 8 : i32
      %sub3A_360 = arith.subi %multiple_of3A_359, %multiple_of3A : i32
      %multiple_of3A_361 = tpu.assume_multiple %sub3A_360, 8 : i32
      %add3A_362 = arith.constant 0 : i32
      %add3A_363 = arith.addi %multiple_of3A_361, %add3A_362 : i32
      %dma_wait3A_364 = arith.constant 1 : i32
      %dma_wait3A_365 = arith.constant 0 : i32
      %dma_wait3A_366 = arith.constant 0 : i32
      %dma_wait3A_367 = tpu.memref_slice %arg6[%dma_wait3A_364, %dma_wait3A_365, %dma_wait3A_366] : memref<6x128x128xf32, #tpu.memory_space<vmem>> -> memref<1x128x128xf32, #tpu.memory_space<vmem>>
      %dma_wait3A_368 = tpu.memref_squeeze %dma_wait3A_367 : memref<1x128x128xf32, #tpu.memory_space<vmem>> -> memref<128x128xf32, #tpu.memory_space<vmem>>
      %dma_wait3A_369 = tpu.memref_slice %arg5[%add3A_363] : memref<3200xi32, #tpu.memory_space<vmem>> -> memref<128xi32, #tpu.memory_space<vmem>>
      %dma_wait3A_370 = arith.constant 0 : i32
      %dma_wait3A_371 = arith.constant 0 : i32
      %dma_wait3A_372 = tpu.memref_slice %arg7[%dma_wait3A_370, %dma_wait3A_371] : memref<1024x128xf32, #tpu.memory_space<vmem_shared>> -> memref<1024x128xf32, #tpu.memory_space<vmem_shared>>
      tpu.wait_indirect_dma semaphore(%arg9 : memref<!tpu.dma_semaphore, #tpu.memory_space<semaphore_mem>>) src(%dma_wait3A_372 : memref<1024x128xf32, #tpu.memory_space<vmem_shared>>) dst(%dma_wait3A_368 : memref<128x128xf32, #tpu.memory_space<vmem>>)
      %add3A_373 = arith.constant 19 : i32
      %add3A_374 = arith.addi %add3A_6, %add3A_373 : i32
      %mul3A_375 = arith.constant 128 : i32
      %mul3A_376 = arith.muli %add3A_374, %mul3A_375 : i32
      %min3A_377 = arith.constant 99872 : i32
      %min3A_378 = arith.minsi %mul3A_376, %min3A_377 : i32
      %multiple_of3A_379 = tpu.assume_multiple %min3A_378, 8 : i32
      %dma_start3A_380 = arith.constant 1 : i32
      %dma_start3A_381 = arith.constant 0 : i32
      %dma_start3A_382 = arith.constant 0 : i32
      %dma_start3A_383 = tpu.memref_slice %arg6[%dma_start3A_380, %dma_start3A_381, %dma_start3A_382] : memref<6x128x128xf32, #tpu.memory_space<vmem>> -> memref<1x128x128xf32, #tpu.memory_space<vmem>>
      %dma_start3A_384 = tpu.memref_squeeze %dma_start3A_383 : memref<1x128x128xf32, #tpu.memory_space<vmem>> -> memref<128x128xf32, #tpu.memory_space<vmem>>
      %dma_start3A_385 = arith.constant 0 : i32
      %dma_start3A_386 = tpu.memref_slice %arg4[%multiple_of3A_379, %dma_start3A_385] : memref<100000x128xf32, #tpu.memory_space<hbm>> -> memref<128x128xf32, #tpu.memory_space<hbm>>
      %dma_start3A_387 = arith.constant 0 : i32
      %dma_start3A_388 = tpu.memref_slice %arg4[%multiple_of3A_379, %dma_start3A_387] : memref<100000x128xf32, #tpu.memory_space<hbm>> -> memref<128x128xf32, #tpu.memory_space<hbm>>
      %dma_start3A_389 = arith.constant 0 : i32
      %dma_start3A_390 = arith.constant 0 : i32
      %dma_start3A_391 = tpu.memref_slice %arg6[%dma_start3A_380, %dma_start3A_389, %dma_start3A_390] : memref<6x128x128xf32, #tpu.memory_space<vmem>> -> memref<1x128x128xf32, #tpu.memory_space<vmem>>
      %dma_start3A_392 = tpu.memref_squeeze %dma_start3A_391 : memref<1x128x128xf32, #tpu.memory_space<vmem>> -> memref<128x128xf32, #tpu.memory_space<vmem>>
      tpu.enqueue_dma source(%dma_start3A_392 : memref<128x128xf32, #tpu.memory_space<vmem>>) target(%dma_start3A_388 : memref<128x128xf32, #tpu.memory_space<hbm>>) target_semaphore(%arg15 : memref<!tpu.dma_semaphore, #tpu.memory_space<semaphore_mem>>)
    } else {
    }
    %gt3A_240 = arith.constant 21 : i32
    %gt3A_241 = arith.cmpi sgt, %select_n3A, %gt3A_240 : i32
    %convert_element_type3A_242 = arith.extui %gt3A_241 : i1 to i32
    %cond3A_243 = arith.constant 0 : i32
    %cond3A_244 = arith.cmpi ne, %convert_element_type3A_242, %cond3A_243 : i32
    scf.if %cond3A_244 {
      %add3A_353 = arith.constant 15 : i32
      %add3A_354 = arith.addi %add3A_6, %add3A_353 : i32
      %mul3A_355 = arith.constant 128 : i32
      %mul3A_356 = arith.muli %add3A_354, %mul3A_355 : i32
      %min3A_357 = arith.constant 99872 : i32
      %min3A_358 = arith.minsi %mul3A_356, %min3A_357 : i32
      %multiple_of3A_359 = tpu.assume_multiple %min3A_358, 8 : i32
      %dma_wait3A_360 = arith.constant 3 : i32
      %dma_wait3A_361 = arith.constant 0 : i32
      %dma_wait3A_362 = arith.constant 0 : i32
      %dma_wait3A_363 = tpu.memref_slice %arg6[%dma_wait3A_360, %dma_wait3A_361, %dma_wait3A_362] : memref<6x128x128xf32, #tpu.memory_space<vmem>> -> memref<1x128x128xf32, #tpu.memory_space<vmem>>
      %dma_wait3A_364 = tpu.memref_squeeze %dma_wait3A_363 : memref<1x128x128xf32, #tpu.memory_space<vmem>> -> memref<128x128xf32, #tpu.memory_space<vmem>>
      %dma_wait3A_365 = arith.constant 0 : i32
      %dma_wait3A_366 = tpu.memref_slice %arg4[%multiple_of3A_359, %dma_wait3A_365] : memref<100000x128xf32, #tpu.memory_space<hbm>> -> memref<128x128xf32, #tpu.memory_space<hbm>>
      %dma_wait3A_367 = arith.constant 0 : i32
      %dma_wait3A_368 = tpu.memref_slice %arg4[%multiple_of3A_359, %dma_wait3A_367] : memref<100000x128xf32, #tpu.memory_space<hbm>> -> memref<128x128xf32, #tpu.memory_space<hbm>>
      %dma_wait3A_369 = arith.constant 0 : i32
      %dma_wait3A_370 = arith.constant 0 : i32
      %dma_wait3A_371 = tpu.memref_slice %arg6[%dma_wait3A_360, %dma_wait3A_369, %dma_wait3A_370] : memref<6x128x128xf32, #tpu.memory_space<vmem>> -> memref<1x128x128xf32, #tpu.memory_space<vmem>>
      %dma_wait3A_372 = tpu.memref_squeeze %dma_wait3A_371 : memref<1x128x128xf32, #tpu.memory_space<vmem>> -> memref<128x128xf32, #tpu.memory_space<vmem>>
      tpu.wait_dma2 semaphore(%arg17 : memref<!tpu.dma_semaphore, #tpu.memory_space<semaphore_mem>>) src(%dma_wait3A_372 : memref<128x128xf32, #tpu.memory_space<vmem>>) dst(%dma_wait3A_368 : memref<128x128xf32, #tpu.memory_space<hbm>>)
      %add3A_373 = arith.constant 21 : i32
      %add3A_374 = arith.addi %add3A_6, %add3A_373 : i32
      %mul3A_375 = arith.constant 128 : i32
      %mul3A_376 = arith.muli %add3A_374, %mul3A_375 : i32
      %min3A_377 = arith.constant 99872 : i32
      %min3A_378 = arith.minsi %mul3A_376, %min3A_377 : i32
      %multiple_of3A_379 = tpu.assume_multiple %min3A_378, 8 : i32
      %sub3A_380 = arith.subi %multiple_of3A_379, %multiple_of3A : i32
      %multiple_of3A_381 = tpu.assume_multiple %sub3A_380, 8 : i32
      %add3A_382 = arith.constant 0 : i32
      %add3A_383 = arith.addi %multiple_of3A_381, %add3A_382 : i32
      %dma_start3A_384 = arith.constant 3 : i32
      %dma_start3A_385 = arith.constant 0 : i32
      %dma_start3A_386 = arith.constant 0 : i32
      %dma_start3A_387 = tpu.memref_slice %arg6[%dma_start3A_384, %dma_start3A_385, %dma_start3A_386] : memref<6x128x128xf32, #tpu.memory_space<vmem>> -> memref<1x128x128xf32, #tpu.memory_space<vmem>>
      %dma_start3A_388 = tpu.memref_squeeze %dma_start3A_387 : memref<1x128x128xf32, #tpu.memory_space<vmem>> -> memref<128x128xf32, #tpu.memory_space<vmem>>
      %dma_start3A_389 = tpu.memref_slice %arg5[%add3A_383] : memref<3200xi32, #tpu.memory_space<vmem>> -> memref<128xi32, #tpu.memory_space<vmem>>
      %dma_start3A_390 = arith.constant 0 : i32
      %dma_start3A_391 = arith.constant 0 : i32
      %dma_start3A_392 = tpu.memref_slice %arg7[%dma_start3A_390, %dma_start3A_391] : memref<1024x128xf32, #tpu.memory_space<vmem_shared>> -> memref<1024x128xf32, #tpu.memory_space<vmem_shared>>
      tpu.enqueue_indirect_dma source(%dma_start3A_392 : memref<1024x128xf32, #tpu.memory_space<vmem_shared>>) target(%dma_start3A_388 : memref<128x128xf32, #tpu.memory_space<vmem>>) offsets(%dma_start3A_389 : memref<128xi32, #tpu.memory_space<vmem>>) semaphore(%arg11 : memref<!tpu.dma_semaphore, #tpu.memory_space<semaphore_mem>>)
    } else {
    }
    %gt3A_245 = arith.constant 20 : i32
    %gt3A_246 = arith.cmpi sgt, %select_n3A, %gt3A_245 : i32
    %convert_element_type3A_247 = arith.extui %gt3A_246 : i1 to i32
    %cond3A_248 = arith.constant 0 : i32
    %cond3A_249 = arith.cmpi ne, %convert_element_type3A_247, %cond3A_248 : i32
    scf.if %cond3A_249 {
      %add3A_353 = arith.constant 20 : i32
      %add3A_354 = arith.addi %add3A_6, %add3A_353 : i32
      %mul3A_355 = arith.constant 128 : i32
      %mul3A_356 = arith.muli %add3A_354, %mul3A_355 : i32
      %min3A_357 = arith.constant 99872 : i32
      %min3A_358 = arith.minsi %mul3A_356, %min3A_357 : i32
      %multiple_of3A_359 = tpu.assume_multiple %min3A_358, 8 : i32
      %sub3A_360 = arith.subi %multiple_of3A_359, %multiple_of3A : i32
      %multiple_of3A_361 = tpu.assume_multiple %sub3A_360, 8 : i32
      %add3A_362 = arith.constant 0 : i32
      %add3A_363 = arith.addi %multiple_of3A_361, %add3A_362 : i32
      %dma_wait3A_364 = arith.constant 2 : i32
      %dma_wait3A_365 = arith.constant 0 : i32
      %dma_wait3A_366 = arith.constant 0 : i32
      %dma_wait3A_367 = tpu.memref_slice %arg6[%dma_wait3A_364, %dma_wait3A_365, %dma_wait3A_366] : memref<6x128x128xf32, #tpu.memory_space<vmem>> -> memref<1x128x128xf32, #tpu.memory_space<vmem>>
      %dma_wait3A_368 = tpu.memref_squeeze %dma_wait3A_367 : memref<1x128x128xf32, #tpu.memory_space<vmem>> -> memref<128x128xf32, #tpu.memory_space<vmem>>
      %dma_wait3A_369 = tpu.memref_slice %arg5[%add3A_363] : memref<3200xi32, #tpu.memory_space<vmem>> -> memref<128xi32, #tpu.memory_space<vmem>>
      %dma_wait3A_370 = arith.constant 0 : i32
      %dma_wait3A_371 = arith.constant 0 : i32
      %dma_wait3A_372 = tpu.memref_slice %arg7[%dma_wait3A_370, %dma_wait3A_371] : memref<1024x128xf32, #tpu.memory_space<vmem_shared>> -> memref<1024x128xf32, #tpu.memory_space<vmem_shared>>
      tpu.wait_indirect_dma semaphore(%arg10 : memref<!tpu.dma_semaphore, #tpu.memory_space<semaphore_mem>>) src(%dma_wait3A_372 : memref<1024x128xf32, #tpu.memory_space<vmem_shared>>) dst(%dma_wait3A_368 : memref<128x128xf32, #tpu.memory_space<vmem>>)
      %add3A_373 = arith.constant 20 : i32
      %add3A_374 = arith.addi %add3A_6, %add3A_373 : i32
      %mul3A_375 = arith.constant 128 : i32
      %mul3A_376 = arith.muli %add3A_374, %mul3A_375 : i32
      %min3A_377 = arith.constant 99872 : i32
      %min3A_378 = arith.minsi %mul3A_376, %min3A_377 : i32
      %multiple_of3A_379 = tpu.assume_multiple %min3A_378, 8 : i32
      %dma_start3A_380 = arith.constant 2 : i32
      %dma_start3A_381 = arith.constant 0 : i32
      %dma_start3A_382 = arith.constant 0 : i32
      %dma_start3A_383 = tpu.memref_slice %arg6[%dma_start3A_380, %dma_start3A_381, %dma_start3A_382] : memref<6x128x128xf32, #tpu.memory_space<vmem>> -> memref<1x128x128xf32, #tpu.memory_space<vmem>>
      %dma_start3A_384 = tpu.memref_squeeze %dma_start3A_383 : memref<1x128x128xf32, #tpu.memory_space<vmem>> -> memref<128x128xf32, #tpu.memory_space<vmem>>
      %dma_start3A_385 = arith.constant 0 : i32
      %dma_start3A_386 = tpu.memref_slice %arg4[%multiple_of3A_379, %dma_start3A_385] : memref<100000x128xf32, #tpu.memory_space<hbm>> -> memref<128x128xf32, #tpu.memory_space<hbm>>
      %dma_start3A_387 = arith.constant 0 : i32
      %dma_start3A_388 = tpu.memref_slice %arg4[%multiple_of3A_379, %dma_start3A_387] : memref<100000x128xf32, #tpu.memory_space<hbm>> -> memref<128x128xf32, #tpu.memory_space<hbm>>
      %dma_start3A_389 = arith.constant 0 : i32
      %dma_start3A_390 = arith.constant 0 : i32
      %dma_start3A_391 = tpu.memref_slice %arg6[%dma_start3A_380, %dma_start3A_389, %dma_start3A_390] : memref<6x128x128xf32, #tpu.memory_space<vmem>> -> memref<1x128x128xf32, #tpu.memory_space<vmem>>
      %dma_start3A_392 = tpu.memref_squeeze %dma_start3A_391 : memref<1x128x128xf32, #tpu.memory_space<vmem>> -> memref<128x128xf32, #tpu.memory_space<vmem>>
      tpu.enqueue_dma source(%dma_start3A_392 : memref<128x128xf32, #tpu.memory_space<vmem>>) target(%dma_start3A_388 : memref<128x128xf32, #tpu.memory_space<hbm>>) target_semaphore(%arg16 : memref<!tpu.dma_semaphore, #tpu.memory_space<semaphore_mem>>)
    } else {
    }
    %gt3A_250 = arith.constant 22 : i32
    %gt3A_251 = arith.cmpi sgt, %select_n3A, %gt3A_250 : i32
    %convert_element_type3A_252 = arith.extui %gt3A_251 : i1 to i32
    %cond3A_253 = arith.constant 0 : i32
    %cond3A_254 = arith.cmpi ne, %convert_element_type3A_252, %cond3A_253 : i32
    scf.if %cond3A_254 {
      %add3A_353 = arith.constant 16 : i32
      %add3A_354 = arith.addi %add3A_6, %add3A_353 : i32
      %mul3A_355 = arith.constant 128 : i32
      %mul3A_356 = arith.muli %add3A_354, %mul3A_355 : i32
      %min3A_357 = arith.constant 99872 : i32
      %min3A_358 = arith.minsi %mul3A_356, %min3A_357 : i32
      %multiple_of3A_359 = tpu.assume_multiple %min3A_358, 8 : i32
      %dma_wait3A_360 = arith.constant 4 : i32
      %dma_wait3A_361 = arith.constant 0 : i32
      %dma_wait3A_362 = arith.constant 0 : i32
      %dma_wait3A_363 = tpu.memref_slice %arg6[%dma_wait3A_360, %dma_wait3A_361, %dma_wait3A_362] : memref<6x128x128xf32, #tpu.memory_space<vmem>> -> memref<1x128x128xf32, #tpu.memory_space<vmem>>
      %dma_wait3A_364 = tpu.memref_squeeze %dma_wait3A_363 : memref<1x128x128xf32, #tpu.memory_space<vmem>> -> memref<128x128xf32, #tpu.memory_space<vmem>>
      %dma_wait3A_365 = arith.constant 0 : i32
      %dma_wait3A_366 = tpu.memref_slice %arg4[%multiple_of3A_359, %dma_wait3A_365] : memref<100000x128xf32, #tpu.memory_space<hbm>> -> memref<128x128xf32, #tpu.memory_space<hbm>>
      %dma_wait3A_367 = arith.constant 0 : i32
      %dma_wait3A_368 = tpu.memref_slice %arg4[%multiple_of3A_359, %dma_wait3A_367] : memref<100000x128xf32, #tpu.memory_space<hbm>> -> memref<128x128xf32, #tpu.memory_space<hbm>>
      %dma_wait3A_369 = arith.constant 0 : i32
      %dma_wait3A_370 = arith.constant 0 : i32
      %dma_wait3A_371 = tpu.memref_slice %arg6[%dma_wait3A_360, %dma_wait3A_369, %dma_wait3A_370] : memref<6x128x128xf32, #tpu.memory_space<vmem>> -> memref<1x128x128xf32, #tpu.memory_space<vmem>>
      %dma_wait3A_372 = tpu.memref_squeeze %dma_wait3A_371 : memref<1x128x128xf32, #tpu.memory_space<vmem>> -> memref<128x128xf32, #tpu.memory_space<vmem>>
      tpu.wait_dma2 semaphore(%arg18 : memref<!tpu.dma_semaphore, #tpu.memory_space<semaphore_mem>>) src(%dma_wait3A_372 : memref<128x128xf32, #tpu.memory_space<vmem>>) dst(%dma_wait3A_368 : memref<128x128xf32, #tpu.memory_space<hbm>>)
      %add3A_373 = arith.constant 22 : i32
      %add3A_374 = arith.addi %add3A_6, %add3A_373 : i32
      %mul3A_375 = arith.constant 128 : i32
      %mul3A_376 = arith.muli %add3A_374, %mul3A_375 : i32
      %min3A_377 = arith.constant 99872 : i32
      %min3A_378 = arith.minsi %mul3A_376, %min3A_377 : i32
      %multiple_of3A_379 = tpu.assume_multiple %min3A_378, 8 : i32
      %sub3A_380 = arith.subi %multiple_of3A_379, %multiple_of3A : i32
      %multiple_of3A_381 = tpu.assume_multiple %sub3A_380, 8 : i32
      %add3A_382 = arith.constant 0 : i32
      %add3A_383 = arith.addi %multiple_of3A_381, %add3A_382 : i32
      %dma_start3A_384 = arith.constant 4 : i32
      %dma_start3A_385 = arith.constant 0 : i32
      %dma_start3A_386 = arith.constant 0 : i32
      %dma_start3A_387 = tpu.memref_slice %arg6[%dma_start3A_384, %dma_start3A_385, %dma_start3A_386] : memref<6x128x128xf32, #tpu.memory_space<vmem>> -> memref<1x128x128xf32, #tpu.memory_space<vmem>>
      %dma_start3A_388 = tpu.memref_squeeze %dma_start3A_387 : memref<1x128x128xf32, #tpu.memory_space<vmem>> -> memref<128x128xf32, #tpu.memory_space<vmem>>
      %dma_start3A_389 = tpu.memref_slice %arg5[%add3A_383] : memref<3200xi32, #tpu.memory_space<vmem>> -> memref<128xi32, #tpu.memory_space<vmem>>
      %dma_start3A_390 = arith.constant 0 : i32
      %dma_start3A_391 = arith.constant 0 : i32
      %dma_start3A_392 = tpu.memref_slice %arg7[%dma_start3A_390, %dma_start3A_391] : memref<1024x128xf32, #tpu.memory_space<vmem_shared>> -> memref<1024x128xf32, #tpu.memory_space<vmem_shared>>
      tpu.enqueue_indirect_dma source(%dma_start3A_392 : memref<1024x128xf32, #tpu.memory_space<vmem_shared>>) target(%dma_start3A_388 : memref<128x128xf32, #tpu.memory_space<vmem>>) offsets(%dma_start3A_389 : memref<128xi32, #tpu.memory_space<vmem>>) semaphore(%arg12 : memref<!tpu.dma_semaphore, #tpu.memory_space<semaphore_mem>>)
    } else {
    }
    %gt3A_255 = arith.constant 21 : i32
    %gt3A_256 = arith.cmpi sgt, %select_n3A, %gt3A_255 : i32
    %convert_element_type3A_257 = arith.extui %gt3A_256 : i1 to i32
    %cond3A_258 = arith.constant 0 : i32
    %cond3A_259 = arith.cmpi ne, %convert_element_type3A_257, %cond3A_258 : i32
    scf.if %cond3A_259 {
      %add3A_353 = arith.constant 21 : i32
      %add3A_354 = arith.addi %add3A_6, %add3A_353 : i32
      %mul3A_355 = arith.constant 128 : i32
      %mul3A_356 = arith.muli %add3A_354, %mul3A_355 : i32
      %min3A_357 = arith.constant 99872 : i32
      %min3A_358 = arith.minsi %mul3A_356, %min3A_357 : i32
      %multiple_of3A_359 = tpu.assume_multiple %min3A_358, 8 : i32
      %sub3A_360 = arith.subi %multiple_of3A_359, %multiple_of3A : i32
      %multiple_of3A_361 = tpu.assume_multiple %sub3A_360, 8 : i32
      %add3A_362 = arith.constant 0 : i32
      %add3A_363 = arith.addi %multiple_of3A_361, %add3A_362 : i32
      %dma_wait3A_364 = arith.constant 3 : i32
      %dma_wait3A_365 = arith.constant 0 : i32
      %dma_wait3A_366 = arith.constant 0 : i32
      %dma_wait3A_367 = tpu.memref_slice %arg6[%dma_wait3A_364, %dma_wait3A_365, %dma_wait3A_366] : memref<6x128x128xf32, #tpu.memory_space<vmem>> -> memref<1x128x128xf32, #tpu.memory_space<vmem>>
      %dma_wait3A_368 = tpu.memref_squeeze %dma_wait3A_367 : memref<1x128x128xf32, #tpu.memory_space<vmem>> -> memref<128x128xf32, #tpu.memory_space<vmem>>
      %dma_wait3A_369 = tpu.memref_slice %arg5[%add3A_363] : memref<3200xi32, #tpu.memory_space<vmem>> -> memref<128xi32, #tpu.memory_space<vmem>>
      %dma_wait3A_370 = arith.constant 0 : i32
      %dma_wait3A_371 = arith.constant 0 : i32
      %dma_wait3A_372 = tpu.memref_slice %arg7[%dma_wait3A_370, %dma_wait3A_371] : memref<1024x128xf32, #tpu.memory_space<vmem_shared>> -> memref<1024x128xf32, #tpu.memory_space<vmem_shared>>
      tpu.wait_indirect_dma semaphore(%arg11 : memref<!tpu.dma_semaphore, #tpu.memory_space<semaphore_mem>>) src(%dma_wait3A_372 : memref<1024x128xf32, #tpu.memory_space<vmem_shared>>) dst(%dma_wait3A_368 : memref<128x128xf32, #tpu.memory_space<vmem>>)
      %add3A_373 = arith.constant 21 : i32
      %add3A_374 = arith.addi %add3A_6, %add3A_373 : i32
      %mul3A_375 = arith.constant 128 : i32
      %mul3A_376 = arith.muli %add3A_374, %mul3A_375 : i32
      %min3A_377 = arith.constant 99872 : i32
      %min3A_378 = arith.minsi %mul3A_376, %min3A_377 : i32
      %multiple_of3A_379 = tpu.assume_multiple %min3A_378, 8 : i32
      %dma_start3A_380 = arith.constant 3 : i32
      %dma_start3A_381 = arith.constant 0 : i32
      %dma_start3A_382 = arith.constant 0 : i32
      %dma_start3A_383 = tpu.memref_slice %arg6[%dma_start3A_380, %dma_start3A_381, %dma_start3A_382] : memref<6x128x128xf32, #tpu.memory_space<vmem>> -> memref<1x128x128xf32, #tpu.memory_space<vmem>>
      %dma_start3A_384 = tpu.memref_squeeze %dma_start3A_383 : memref<1x128x128xf32, #tpu.memory_space<vmem>> -> memref<128x128xf32, #tpu.memory_space<vmem>>
      %dma_start3A_385 = arith.constant 0 : i32
      %dma_start3A_386 = tpu.memref_slice %arg4[%multiple_of3A_379, %dma_start3A_385] : memref<100000x128xf32, #tpu.memory_space<hbm>> -> memref<128x128xf32, #tpu.memory_space<hbm>>
      %dma_start3A_387 = arith.constant 0 : i32
      %dma_start3A_388 = tpu.memref_slice %arg4[%multiple_of3A_379, %dma_start3A_387] : memref<100000x128xf32, #tpu.memory_space<hbm>> -> memref<128x128xf32, #tpu.memory_space<hbm>>
      %dma_start3A_389 = arith.constant 0 : i32
      %dma_start3A_390 = arith.constant 0 : i32
      %dma_start3A_391 = tpu.memref_slice %arg6[%dma_start3A_380, %dma_start3A_389, %dma_start3A_390] : memref<6x128x128xf32, #tpu.memory_space<vmem>> -> memref<1x128x128xf32, #tpu.memory_space<vmem>>
      %dma_start3A_392 = tpu.memref_squeeze %dma_start3A_391 : memref<1x128x128xf32, #tpu.memory_space<vmem>> -> memref<128x128xf32, #tpu.memory_space<vmem>>
      tpu.enqueue_dma source(%dma_start3A_392 : memref<128x128xf32, #tpu.memory_space<vmem>>) target(%dma_start3A_388 : memref<128x128xf32, #tpu.memory_space<hbm>>) target_semaphore(%arg17 : memref<!tpu.dma_semaphore, #tpu.memory_space<semaphore_mem>>)
    } else {
    }
    %gt3A_260 = arith.constant 23 : i32
    %gt3A_261 = arith.cmpi sgt, %select_n3A, %gt3A_260 : i32
    %convert_element_type3A_262 = arith.extui %gt3A_261 : i1 to i32
    %cond3A_263 = arith.constant 0 : i32
    %cond3A_264 = arith.cmpi ne, %convert_element_type3A_262, %cond3A_263 : i32
    scf.if %cond3A_264 {
      %add3A_353 = arith.constant 17 : i32
      %add3A_354 = arith.addi %add3A_6, %add3A_353 : i32
      %mul3A_355 = arith.constant 128 : i32
      %mul3A_356 = arith.muli %add3A_354, %mul3A_355 : i32
      %min3A_357 = arith.constant 99872 : i32
      %min3A_358 = arith.minsi %mul3A_356, %min3A_357 : i32
      %multiple_of3A_359 = tpu.assume_multiple %min3A_358, 8 : i32
      %dma_wait3A_360 = arith.constant 5 : i32
      %dma_wait3A_361 = arith.constant 0 : i32
      %dma_wait3A_362 = arith.constant 0 : i32
      %dma_wait3A_363 = tpu.memref_slice %arg6[%dma_wait3A_360, %dma_wait3A_361, %dma_wait3A_362] : memref<6x128x128xf32, #tpu.memory_space<vmem>> -> memref<1x128x128xf32, #tpu.memory_space<vmem>>
      %dma_wait3A_364 = tpu.memref_squeeze %dma_wait3A_363 : memref<1x128x128xf32, #tpu.memory_space<vmem>> -> memref<128x128xf32, #tpu.memory_space<vmem>>
      %dma_wait3A_365 = arith.constant 0 : i32
      %dma_wait3A_366 = tpu.memref_slice %arg4[%multiple_of3A_359, %dma_wait3A_365] : memref<100000x128xf32, #tpu.memory_space<hbm>> -> memref<128x128xf32, #tpu.memory_space<hbm>>
      %dma_wait3A_367 = arith.constant 0 : i32
      %dma_wait3A_368 = tpu.memref_slice %arg4[%multiple_of3A_359, %dma_wait3A_367] : memref<100000x128xf32, #tpu.memory_space<hbm>> -> memref<128x128xf32, #tpu.memory_space<hbm>>
      %dma_wait3A_369 = arith.constant 0 : i32
      %dma_wait3A_370 = arith.constant 0 : i32
      %dma_wait3A_371 = tpu.memref_slice %arg6[%dma_wait3A_360, %dma_wait3A_369, %dma_wait3A_370] : memref<6x128x128xf32, #tpu.memory_space<vmem>> -> memref<1x128x128xf32, #tpu.memory_space<vmem>>
      %dma_wait3A_372 = tpu.memref_squeeze %dma_wait3A_371 : memref<1x128x128xf32, #tpu.memory_space<vmem>> -> memref<128x128xf32, #tpu.memory_space<vmem>>
      tpu.wait_dma2 semaphore(%arg19 : memref<!tpu.dma_semaphore, #tpu.memory_space<semaphore_mem>>) src(%dma_wait3A_372 : memref<128x128xf32, #tpu.memory_space<vmem>>) dst(%dma_wait3A_368 : memref<128x128xf32, #tpu.memory_space<hbm>>)
      %add3A_373 = arith.constant 23 : i32
      %add3A_374 = arith.addi %add3A_6, %add3A_373 : i32
      %mul3A_375 = arith.constant 128 : i32
      %mul3A_376 = arith.muli %add3A_374, %mul3A_375 : i32
      %min3A_377 = arith.constant 99872 : i32
      %min3A_378 = arith.minsi %mul3A_376, %min3A_377 : i32
      %multiple_of3A_379 = tpu.assume_multiple %min3A_378, 8 : i32
      %sub3A_380 = arith.subi %multiple_of3A_379, %multiple_of3A : i32
      %multiple_of3A_381 = tpu.assume_multiple %sub3A_380, 8 : i32
      %add3A_382 = arith.constant 0 : i32
      %add3A_383 = arith.addi %multiple_of3A_381, %add3A_382 : i32
      %dma_start3A_384 = arith.constant 5 : i32
      %dma_start3A_385 = arith.constant 0 : i32
      %dma_start3A_386 = arith.constant 0 : i32
      %dma_start3A_387 = tpu.memref_slice %arg6[%dma_start3A_384, %dma_start3A_385, %dma_start3A_386] : memref<6x128x128xf32, #tpu.memory_space<vmem>> -> memref<1x128x128xf32, #tpu.memory_space<vmem>>
      %dma_start3A_388 = tpu.memref_squeeze %dma_start3A_387 : memref<1x128x128xf32, #tpu.memory_space<vmem>> -> memref<128x128xf32, #tpu.memory_space<vmem>>
      %dma_start3A_389 = tpu.memref_slice %arg5[%add3A_383] : memref<3200xi32, #tpu.memory_space<vmem>> -> memref<128xi32, #tpu.memory_space<vmem>>
      %dma_start3A_390 = arith.constant 0 : i32
      %dma_start3A_391 = arith.constant 0 : i32
      %dma_start3A_392 = tpu.memref_slice %arg7[%dma_start3A_390, %dma_start3A_391] : memref<1024x128xf32, #tpu.memory_space<vmem_shared>> -> memref<1024x128xf32, #tpu.memory_space<vmem_shared>>
      tpu.enqueue_indirect_dma source(%dma_start3A_392 : memref<1024x128xf32, #tpu.memory_space<vmem_shared>>) target(%dma_start3A_388 : memref<128x128xf32, #tpu.memory_space<vmem>>) offsets(%dma_start3A_389 : memref<128xi32, #tpu.memory_space<vmem>>) semaphore(%arg13 : memref<!tpu.dma_semaphore, #tpu.memory_space<semaphore_mem>>)
    } else {
    }
    %gt3A_265 = arith.constant 22 : i32
    %gt3A_266 = arith.cmpi sgt, %select_n3A, %gt3A_265 : i32
    %convert_element_type3A_267 = arith.extui %gt3A_266 : i1 to i32
    %cond3A_268 = arith.constant 0 : i32
    %cond3A_269 = arith.cmpi ne, %convert_element_type3A_267, %cond3A_268 : i32
    scf.if %cond3A_269 {
      %add3A_353 = arith.constant 22 : i32
      %add3A_354 = arith.addi %add3A_6, %add3A_353 : i32
      %mul3A_355 = arith.constant 128 : i32
      %mul3A_356 = arith.muli %add3A_354, %mul3A_355 : i32
      %min3A_357 = arith.constant 99872 : i32
      %min3A_358 = arith.minsi %mul3A_356, %min3A_357 : i32
      %multiple_of3A_359 = tpu.assume_multiple %min3A_358, 8 : i32
      %sub3A_360 = arith.subi %multiple_of3A_359, %multiple_of3A : i32
      %multiple_of3A_361 = tpu.assume_multiple %sub3A_360, 8 : i32
      %add3A_362 = arith.constant 0 : i32
      %add3A_363 = arith.addi %multiple_of3A_361, %add3A_362 : i32
      %dma_wait3A_364 = arith.constant 4 : i32
      %dma_wait3A_365 = arith.constant 0 : i32
      %dma_wait3A_366 = arith.constant 0 : i32
      %dma_wait3A_367 = tpu.memref_slice %arg6[%dma_wait3A_364, %dma_wait3A_365, %dma_wait3A_366] : memref<6x128x128xf32, #tpu.memory_space<vmem>> -> memref<1x128x128xf32, #tpu.memory_space<vmem>>
      %dma_wait3A_368 = tpu.memref_squeeze %dma_wait3A_367 : memref<1x128x128xf32, #tpu.memory_space<vmem>> -> memref<128x128xf32, #tpu.memory_space<vmem>>
      %dma_wait3A_369 = tpu.memref_slice %arg5[%add3A_363] : memref<3200xi32, #tpu.memory_space<vmem>> -> memref<128xi32, #tpu.memory_space<vmem>>
      %dma_wait3A_370 = arith.constant 0 : i32
      %dma_wait3A_371 = arith.constant 0 : i32
      %dma_wait3A_372 = tpu.memref_slice %arg7[%dma_wait3A_370, %dma_wait3A_371] : memref<1024x128xf32, #tpu.memory_space<vmem_shared>> -> memref<1024x128xf32, #tpu.memory_space<vmem_shared>>
      tpu.wait_indirect_dma semaphore(%arg12 : memref<!tpu.dma_semaphore, #tpu.memory_space<semaphore_mem>>) src(%dma_wait3A_372 : memref<1024x128xf32, #tpu.memory_space<vmem_shared>>) dst(%dma_wait3A_368 : memref<128x128xf32, #tpu.memory_space<vmem>>)
      %add3A_373 = arith.constant 22 : i32
      %add3A_374 = arith.addi %add3A_6, %add3A_373 : i32
      %mul3A_375 = arith.constant 128 : i32
      %mul3A_376 = arith.muli %add3A_374, %mul3A_375 : i32
      %min3A_377 = arith.constant 99872 : i32
      %min3A_378 = arith.minsi %mul3A_376, %min3A_377 : i32
      %multiple_of3A_379 = tpu.assume_multiple %min3A_378, 8 : i32
      %dma_start3A_380 = arith.constant 4 : i32
      %dma_start3A_381 = arith.constant 0 : i32
      %dma_start3A_382 = arith.constant 0 : i32
      %dma_start3A_383 = tpu.memref_slice %arg6[%dma_start3A_380, %dma_start3A_381, %dma_start3A_382] : memref<6x128x128xf32, #tpu.memory_space<vmem>> -> memref<1x128x128xf32, #tpu.memory_space<vmem>>
      %dma_start3A_384 = tpu.memref_squeeze %dma_start3A_383 : memref<1x128x128xf32, #tpu.memory_space<vmem>> -> memref<128x128xf32, #tpu.memory_space<vmem>>
      %dma_start3A_385 = arith.constant 0 : i32
      %dma_start3A_386 = tpu.memref_slice %arg4[%multiple_of3A_379, %dma_start3A_385] : memref<100000x128xf32, #tpu.memory_space<hbm>> -> memref<128x128xf32, #tpu.memory_space<hbm>>
      %dma_start3A_387 = arith.constant 0 : i32
      %dma_start3A_388 = tpu.memref_slice %arg4[%multiple_of3A_379, %dma_start3A_387] : memref<100000x128xf32, #tpu.memory_space<hbm>> -> memref<128x128xf32, #tpu.memory_space<hbm>>
      %dma_start3A_389 = arith.constant 0 : i32
      %dma_start3A_390 = arith.constant 0 : i32
      %dma_start3A_391 = tpu.memref_slice %arg6[%dma_start3A_380, %dma_start3A_389, %dma_start3A_390] : memref<6x128x128xf32, #tpu.memory_space<vmem>> -> memref<1x128x128xf32, #tpu.memory_space<vmem>>
      %dma_start3A_392 = tpu.memref_squeeze %dma_start3A_391 : memref<1x128x128xf32, #tpu.memory_space<vmem>> -> memref<128x128xf32, #tpu.memory_space<vmem>>
      tpu.enqueue_dma source(%dma_start3A_392 : memref<128x128xf32, #tpu.memory_space<vmem>>) target(%dma_start3A_388 : memref<128x128xf32, #tpu.memory_space<hbm>>) target_semaphore(%arg18 : memref<!tpu.dma_semaphore, #tpu.memory_space<semaphore_mem>>)
    } else {
    }
    %gt3A_270 = arith.constant 24 : i32
    %gt3A_271 = arith.cmpi sgt, %select_n3A, %gt3A_270 : i32
    %convert_element_type3A_272 = arith.extui %gt3A_271 : i1 to i32
    %cond3A_273 = arith.constant 0 : i32
    %cond3A_274 = arith.cmpi ne, %convert_element_type3A_272, %cond3A_273 : i32
    scf.if %cond3A_274 {
      %add3A_353 = arith.constant 18 : i32
      %add3A_354 = arith.addi %add3A_6, %add3A_353 : i32
      %mul3A_355 = arith.constant 128 : i32
      %mul3A_356 = arith.muli %add3A_354, %mul3A_355 : i32
      %min3A_357 = arith.constant 99872 : i32
      %min3A_358 = arith.minsi %mul3A_356, %min3A_357 : i32
      %multiple_of3A_359 = tpu.assume_multiple %min3A_358, 8 : i32
      %dma_wait3A_360 = arith.constant 0 : i32
      %dma_wait3A_361 = arith.constant 0 : i32
      %dma_wait3A_362 = arith.constant 0 : i32
      %dma_wait3A_363 = tpu.memref_slice %arg6[%dma_wait3A_360, %dma_wait3A_361, %dma_wait3A_362] : memref<6x128x128xf32, #tpu.memory_space<vmem>> -> memref<1x128x128xf32, #tpu.memory_space<vmem>>
      %dma_wait3A_364 = tpu.memref_squeeze %dma_wait3A_363 : memref<1x128x128xf32, #tpu.memory_space<vmem>> -> memref<128x128xf32, #tpu.memory_space<vmem>>
      %dma_wait3A_365 = arith.constant 0 : i32
      %dma_wait3A_366 = tpu.memref_slice %arg4[%multiple_of3A_359, %dma_wait3A_365] : memref<100000x128xf32, #tpu.memory_space<hbm>> -> memref<128x128xf32, #tpu.memory_space<hbm>>
      %dma_wait3A_367 = arith.constant 0 : i32
      %dma_wait3A_368 = tpu.memref_slice %arg4[%multiple_of3A_359, %dma_wait3A_367] : memref<100000x128xf32, #tpu.memory_space<hbm>> -> memref<128x128xf32, #tpu.memory_space<hbm>>
      %dma_wait3A_369 = arith.constant 0 : i32
      %dma_wait3A_370 = arith.constant 0 : i32
      %dma_wait3A_371 = tpu.memref_slice %arg6[%dma_wait3A_360, %dma_wait3A_369, %dma_wait3A_370] : memref<6x128x128xf32, #tpu.memory_space<vmem>> -> memref<1x128x128xf32, #tpu.memory_space<vmem>>
      %dma_wait3A_372 = tpu.memref_squeeze %dma_wait3A_371 : memref<1x128x128xf32, #tpu.memory_space<vmem>> -> memref<128x128xf32, #tpu.memory_space<vmem>>
      tpu.wait_dma2 semaphore(%arg14 : memref<!tpu.dma_semaphore, #tpu.memory_space<semaphore_mem>>) src(%dma_wait3A_372 : memref<128x128xf32, #tpu.memory_space<vmem>>) dst(%dma_wait3A_368 : memref<128x128xf32, #tpu.memory_space<hbm>>)
      %add3A_373 = arith.constant 24 : i32
      %add3A_374 = arith.addi %add3A_6, %add3A_373 : i32
      %mul3A_375 = arith.constant 128 : i32
      %mul3A_376 = arith.muli %add3A_374, %mul3A_375 : i32
      %min3A_377 = arith.constant 99872 : i32
      %min3A_378 = arith.minsi %mul3A_376, %min3A_377 : i32
      %multiple_of3A_379 = tpu.assume_multiple %min3A_378, 8 : i32
      %sub3A_380 = arith.subi %multiple_of3A_379, %multiple_of3A : i32
      %multiple_of3A_381 = tpu.assume_multiple %sub3A_380, 8 : i32
      %add3A_382 = arith.constant 0 : i32
      %add3A_383 = arith.addi %multiple_of3A_381, %add3A_382 : i32
      %dma_start3A_384 = arith.constant 0 : i32
      %dma_start3A_385 = arith.constant 0 : i32
      %dma_start3A_386 = arith.constant 0 : i32
      %dma_start3A_387 = tpu.memref_slice %arg6[%dma_start3A_384, %dma_start3A_385, %dma_start3A_386] : memref<6x128x128xf32, #tpu.memory_space<vmem>> -> memref<1x128x128xf32, #tpu.memory_space<vmem>>
      %dma_start3A_388 = tpu.memref_squeeze %dma_start3A_387 : memref<1x128x128xf32, #tpu.memory_space<vmem>> -> memref<128x128xf32, #tpu.memory_space<vmem>>
      %dma_start3A_389 = tpu.memref_slice %arg5[%add3A_383] : memref<3200xi32, #tpu.memory_space<vmem>> -> memref<128xi32, #tpu.memory_space<vmem>>
      %dma_start3A_390 = arith.constant 0 : i32
      %dma_start3A_391 = arith.constant 0 : i32
      %dma_start3A_392 = tpu.memref_slice %arg7[%dma_start3A_390, %dma_start3A_391] : memref<1024x128xf32, #tpu.memory_space<vmem_shared>> -> memref<1024x128xf32, #tpu.memory_space<vmem_shared>>
      tpu.enqueue_indirect_dma source(%dma_start3A_392 : memref<1024x128xf32, #tpu.memory_space<vmem_shared>>) target(%dma_start3A_388 : memref<128x128xf32, #tpu.memory_space<vmem>>) offsets(%dma_start3A_389 : memref<128xi32, #tpu.memory_space<vmem>>) semaphore(%arg8 : memref<!tpu.dma_semaphore, #tpu.memory_space<semaphore_mem>>)
    } else {
    }
    %gt3A_275 = arith.constant 23 : i32
    %gt3A_276 = arith.cmpi sgt, %select_n3A, %gt3A_275 : i32
    %convert_element_type3A_277 = arith.extui %gt3A_276 : i1 to i32
    %cond3A_278 = arith.constant 0 : i32
    %cond3A_279 = arith.cmpi ne, %convert_element_type3A_277, %cond3A_278 : i32
    scf.if %cond3A_279 {
      %add3A_353 = arith.constant 23 : i32
      %add3A_354 = arith.addi %add3A_6, %add3A_353 : i32
      %mul3A_355 = arith.constant 128 : i32
      %mul3A_356 = arith.muli %add3A_354, %mul3A_355 : i32
      %min3A_357 = arith.constant 99872 : i32
      %min3A_358 = arith.minsi %mul3A_356, %min3A_357 : i32
      %multiple_of3A_359 = tpu.assume_multiple %min3A_358, 8 : i32
      %sub3A_360 = arith.subi %multiple_of3A_359, %multiple_of3A : i32
      %multiple_of3A_361 = tpu.assume_multiple %sub3A_360, 8 : i32
      %add3A_362 = arith.constant 0 : i32
      %add3A_363 = arith.addi %multiple_of3A_361, %add3A_362 : i32
      %dma_wait3A_364 = arith.constant 5 : i32
      %dma_wait3A_365 = arith.constant 0 : i32
      %dma_wait3A_366 = arith.constant 0 : i32
      %dma_wait3A_367 = tpu.memref_slice %arg6[%dma_wait3A_364, %dma_wait3A_365, %dma_wait3A_366] : memref<6x128x128xf32, #tpu.memory_space<vmem>> -> memref<1x128x128xf32, #tpu.memory_space<vmem>>
      %dma_wait3A_368 = tpu.memref_squeeze %dma_wait3A_367 : memref<1x128x128xf32, #tpu.memory_space<vmem>> -> memref<128x128xf32, #tpu.memory_space<vmem>>
      %dma_wait3A_369 = tpu.memref_slice %arg5[%add3A_363] : memref<3200xi32, #tpu.memory_space<vmem>> -> memref<128xi32, #tpu.memory_space<vmem>>
      %dma_wait3A_370 = arith.constant 0 : i32
      %dma_wait3A_371 = arith.constant 0 : i32
      %dma_wait3A_372 = tpu.memref_slice %arg7[%dma_wait3A_370, %dma_wait3A_371] : memref<1024x128xf32, #tpu.memory_space<vmem_shared>> -> memref<1024x128xf32, #tpu.memory_space<vmem_shared>>
      tpu.wait_indirect_dma semaphore(%arg13 : memref<!tpu.dma_semaphore, #tpu.memory_space<semaphore_mem>>) src(%dma_wait3A_372 : memref<1024x128xf32, #tpu.memory_space<vmem_shared>>) dst(%dma_wait3A_368 : memref<128x128xf32, #tpu.memory_space<vmem>>)
      %add3A_373 = arith.constant 23 : i32
      %add3A_374 = arith.addi %add3A_6, %add3A_373 : i32
      %mul3A_375 = arith.constant 128 : i32
      %mul3A_376 = arith.muli %add3A_374, %mul3A_375 : i32
      %min3A_377 = arith.constant 99872 : i32
      %min3A_378 = arith.minsi %mul3A_376, %min3A_377 : i32
      %multiple_of3A_379 = tpu.assume_multiple %min3A_378, 8 : i32
      %dma_start3A_380 = arith.constant 5 : i32
      %dma_start3A_381 = arith.constant 0 : i32
      %dma_start3A_382 = arith.constant 0 : i32
      %dma_start3A_383 = tpu.memref_slice %arg6[%dma_start3A_380, %dma_start3A_381, %dma_start3A_382] : memref<6x128x128xf32, #tpu.memory_space<vmem>> -> memref<1x128x128xf32, #tpu.memory_space<vmem>>
      %dma_start3A_384 = tpu.memref_squeeze %dma_start3A_383 : memref<1x128x128xf32, #tpu.memory_space<vmem>> -> memref<128x128xf32, #tpu.memory_space<vmem>>
      %dma_start3A_385 = arith.constant 0 : i32
      %dma_start3A_386 = tpu.memref_slice %arg4[%multiple_of3A_379, %dma_start3A_385] : memref<100000x128xf32, #tpu.memory_space<hbm>> -> memref<128x128xf32, #tpu.memory_space<hbm>>
      %dma_start3A_387 = arith.constant 0 : i32
      %dma_start3A_388 = tpu.memref_slice %arg4[%multiple_of3A_379, %dma_start3A_387] : memref<100000x128xf32, #tpu.memory_space<hbm>> -> memref<128x128xf32, #tpu.memory_space<hbm>>
      %dma_start3A_389 = arith.constant 0 : i32
      %dma_start3A_390 = arith.constant 0 : i32
      %dma_start3A_391 = tpu.memref_slice %arg6[%dma_start3A_380, %dma_start3A_389, %dma_start3A_390] : memref<6x128x128xf32, #tpu.memory_space<vmem>> -> memref<1x128x128xf32, #tpu.memory_space<vmem>>
      %dma_start3A_392 = tpu.memref_squeeze %dma_start3A_391 : memref<1x128x128xf32, #tpu.memory_space<vmem>> -> memref<128x128xf32, #tpu.memory_space<vmem>>
      tpu.enqueue_dma source(%dma_start3A_392 : memref<128x128xf32, #tpu.memory_space<vmem>>) target(%dma_start3A_388 : memref<128x128xf32, #tpu.memory_space<hbm>>) target_semaphore(%arg19 : memref<!tpu.dma_semaphore, #tpu.memory_space<semaphore_mem>>)
    } else {
    }
    %gt3A_280 = arith.constant 24 : i32
    %gt3A_281 = arith.cmpi sgt, %select_n3A, %gt3A_280 : i32
    %convert_element_type3A_282 = arith.extui %gt3A_281 : i1 to i32
    %cond3A_283 = arith.constant 0 : i32
    %cond3A_284 = arith.cmpi ne, %convert_element_type3A_282, %cond3A_283 : i32
    scf.if %cond3A_284 {
      %add3A_353 = arith.constant 24 : i32
      %add3A_354 = arith.addi %add3A_6, %add3A_353 : i32
      %mul3A_355 = arith.constant 128 : i32
      %mul3A_356 = arith.muli %add3A_354, %mul3A_355 : i32
      %min3A_357 = arith.constant 99872 : i32
      %min3A_358 = arith.minsi %mul3A_356, %min3A_357 : i32
      %multiple_of3A_359 = tpu.assume_multiple %min3A_358, 8 : i32
      %sub3A_360 = arith.subi %multiple_of3A_359, %multiple_of3A : i32
      %multiple_of3A_361 = tpu.assume_multiple %sub3A_360, 8 : i32
      %add3A_362 = arith.constant 0 : i32
      %add3A_363 = arith.addi %multiple_of3A_361, %add3A_362 : i32
      %dma_wait3A_364 = arith.constant 0 : i32
      %dma_wait3A_365 = arith.constant 0 : i32
      %dma_wait3A_366 = arith.constant 0 : i32
      %dma_wait3A_367 = tpu.memref_slice %arg6[%dma_wait3A_364, %dma_wait3A_365, %dma_wait3A_366] : memref<6x128x128xf32, #tpu.memory_space<vmem>> -> memref<1x128x128xf32, #tpu.memory_space<vmem>>
      %dma_wait3A_368 = tpu.memref_squeeze %dma_wait3A_367 : memref<1x128x128xf32, #tpu.memory_space<vmem>> -> memref<128x128xf32, #tpu.memory_space<vmem>>
      %dma_wait3A_369 = tpu.memref_slice %arg5[%add3A_363] : memref<3200xi32, #tpu.memory_space<vmem>> -> memref<128xi32, #tpu.memory_space<vmem>>
      %dma_wait3A_370 = arith.constant 0 : i32
      %dma_wait3A_371 = arith.constant 0 : i32
      %dma_wait3A_372 = tpu.memref_slice %arg7[%dma_wait3A_370, %dma_wait3A_371] : memref<1024x128xf32, #tpu.memory_space<vmem_shared>> -> memref<1024x128xf32, #tpu.memory_space<vmem_shared>>
      tpu.wait_indirect_dma semaphore(%arg8 : memref<!tpu.dma_semaphore, #tpu.memory_space<semaphore_mem>>) src(%dma_wait3A_372 : memref<1024x128xf32, #tpu.memory_space<vmem_shared>>) dst(%dma_wait3A_368 : memref<128x128xf32, #tpu.memory_space<vmem>>)
      %add3A_373 = arith.constant 24 : i32
      %add3A_374 = arith.addi %add3A_6, %add3A_373 : i32
      %mul3A_375 = arith.constant 128 : i32
      %mul3A_376 = arith.muli %add3A_374, %mul3A_375 : i32
      %min3A_377 = arith.constant 99872 : i32
      %min3A_378 = arith.minsi %mul3A_376, %min3A_377 : i32
      %multiple_of3A_379 = tpu.assume_multiple %min3A_378, 8 : i32
      %dma_start3A_380 = arith.constant 0 : i32
      %dma_start3A_381 = arith.constant 0 : i32
      %dma_start3A_382 = arith.constant 0 : i32
      %dma_start3A_383 = tpu.memref_slice %arg6[%dma_start3A_380, %dma_start3A_381, %dma_start3A_382] : memref<6x128x128xf32, #tpu.memory_space<vmem>> -> memref<1x128x128xf32, #tpu.memory_space<vmem>>
      %dma_start3A_384 = tpu.memref_squeeze %dma_start3A_383 : memref<1x128x128xf32, #tpu.memory_space<vmem>> -> memref<128x128xf32, #tpu.memory_space<vmem>>
      %dma_start3A_385 = arith.constant 0 : i32
      %dma_start3A_386 = tpu.memref_slice %arg4[%multiple_of3A_379, %dma_start3A_385] : memref<100000x128xf32, #tpu.memory_space<hbm>> -> memref<128x128xf32, #tpu.memory_space<hbm>>
      %dma_start3A_387 = arith.constant 0 : i32
      %dma_start3A_388 = tpu.memref_slice %arg4[%multiple_of3A_379, %dma_start3A_387] : memref<100000x128xf32, #tpu.memory_space<hbm>> -> memref<128x128xf32, #tpu.memory_space<hbm>>
      %dma_start3A_389 = arith.constant 0 : i32
      %dma_start3A_390 = arith.constant 0 : i32
      %dma_start3A_391 = tpu.memref_slice %arg6[%dma_start3A_380, %dma_start3A_389, %dma_start3A_390] : memref<6x128x128xf32, #tpu.memory_space<vmem>> -> memref<1x128x128xf32, #tpu.memory_space<vmem>>
      %dma_start3A_392 = tpu.memref_squeeze %dma_start3A_391 : memref<1x128x128xf32, #tpu.memory_space<vmem>> -> memref<128x128xf32, #tpu.memory_space<vmem>>
      tpu.enqueue_dma source(%dma_start3A_392 : memref<128x128xf32, #tpu.memory_space<vmem>>) target(%dma_start3A_388 : memref<128x128xf32, #tpu.memory_space<hbm>>) target_semaphore(%arg14 : memref<!tpu.dma_semaphore, #tpu.memory_space<semaphore_mem>>)
    } else {
    }
    %sub3A_285 = arith.constant 6 : i32
    %sub3A_286 = arith.subi %select_n3A, %sub3A_285 : i32
    %le3A = arith.constant 18 : i32
    %le3A_287 = arith.cmpi sle, %sub3A_286, %le3A : i32
    %gt3A_288 = arith.constant 18 : i32
    %gt3A_289 = arith.cmpi sgt, %select_n3A, %gt3A_288 : i32
    %and3A = arith.andi %le3A_287, %gt3A_289 : i1
    %convert_element_type3A_290 = arith.extui %and3A : i1 to i32
    %cond3A_291 = arith.constant 0 : i32
    %cond3A_292 = arith.cmpi ne, %convert_element_type3A_290, %cond3A_291 : i32
    scf.if %cond3A_292 {
      %add3A_353 = arith.constant 18 : i32
      %add3A_354 = arith.addi %add3A_6, %add3A_353 : i32
      %mul3A_355 = arith.constant 128 : i32
      %mul3A_356 = arith.muli %add3A_354, %mul3A_355 : i32
      %min3A_357 = arith.constant 99872 : i32
      %min3A_358 = arith.minsi %mul3A_356, %min3A_357 : i32
      %multiple_of3A_359 = tpu.assume_multiple %min3A_358, 8 : i32
      %dma_wait3A_360 = arith.constant 0 : i32
      %dma_wait3A_361 = arith.constant 0 : i32
      %dma_wait3A_362 = arith.constant 0 : i32
      %dma_wait3A_363 = tpu.memref_slice %arg6[%dma_wait3A_360, %dma_wait3A_361, %dma_wait3A_362] : memref<6x128x128xf32, #tpu.memory_space<vmem>> -> memref<1x128x128xf32, #tpu.memory_space<vmem>>
      %dma_wait3A_364 = tpu.memref_squeeze %dma_wait3A_363 : memref<1x128x128xf32, #tpu.memory_space<vmem>> -> memref<128x128xf32, #tpu.memory_space<vmem>>
      %dma_wait3A_365 = arith.constant 0 : i32
      %dma_wait3A_366 = tpu.memref_slice %arg4[%multiple_of3A_359, %dma_wait3A_365] : memref<100000x128xf32, #tpu.memory_space<hbm>> -> memref<128x128xf32, #tpu.memory_space<hbm>>
      %dma_wait3A_367 = arith.constant 0 : i32
      %dma_wait3A_368 = tpu.memref_slice %arg4[%multiple_of3A_359, %dma_wait3A_367] : memref<100000x128xf32, #tpu.memory_space<hbm>> -> memref<128x128xf32, #tpu.memory_space<hbm>>
      %dma_wait3A_369 = arith.constant 0 : i32
      %dma_wait3A_370 = arith.constant 0 : i32
      %dma_wait3A_371 = tpu.memref_slice %arg6[%dma_wait3A_360, %dma_wait3A_369, %dma_wait3A_370] : memref<6x128x128xf32, #tpu.memory_space<vmem>> -> memref<1x128x128xf32, #tpu.memory_space<vmem>>
      %dma_wait3A_372 = tpu.memref_squeeze %dma_wait3A_371 : memref<1x128x128xf32, #tpu.memory_space<vmem>> -> memref<128x128xf32, #tpu.memory_space<vmem>>
      tpu.wait_dma2 semaphore(%arg14 : memref<!tpu.dma_semaphore, #tpu.memory_space<semaphore_mem>>) src(%dma_wait3A_372 : memref<128x128xf32, #tpu.memory_space<vmem>>) dst(%dma_wait3A_368 : memref<128x128xf32, #tpu.memory_space<hbm>>)
    } else {
    }
    %sub3A_293 = arith.constant 6 : i32
    %sub3A_294 = arith.subi %select_n3A, %sub3A_293 : i32
    %le3A_295 = arith.constant 19 : i32
    %le3A_296 = arith.cmpi sle, %sub3A_294, %le3A_295 : i32
    %gt3A_297 = arith.constant 19 : i32
    %gt3A_298 = arith.cmpi sgt, %select_n3A, %gt3A_297 : i32
    %and3A_299 = arith.andi %le3A_296, %gt3A_298 : i1
    %convert_element_type3A_300 = arith.extui %and3A_299 : i1 to i32
    %cond3A_301 = arith.constant 0 : i32
    %cond3A_302 = arith.cmpi ne, %convert_element_type3A_300, %cond3A_301 : i32
    scf.if %cond3A_302 {
      %add3A_353 = arith.constant 19 : i32
      %add3A_354 = arith.addi %add3A_6, %add3A_353 : i32
      %mul3A_355 = arith.constant 128 : i32
      %mul3A_356 = arith.muli %add3A_354, %mul3A_355 : i32
      %min3A_357 = arith.constant 99872 : i32
      %min3A_358 = arith.minsi %mul3A_356, %min3A_357 : i32
      %multiple_of3A_359 = tpu.assume_multiple %min3A_358, 8 : i32
      %dma_wait3A_360 = arith.constant 1 : i32
      %dma_wait3A_361 = arith.constant 0 : i32
      %dma_wait3A_362 = arith.constant 0 : i32
      %dma_wait3A_363 = tpu.memref_slice %arg6[%dma_wait3A_360, %dma_wait3A_361, %dma_wait3A_362] : memref<6x128x128xf32, #tpu.memory_space<vmem>> -> memref<1x128x128xf32, #tpu.memory_space<vmem>>
      %dma_wait3A_364 = tpu.memref_squeeze %dma_wait3A_363 : memref<1x128x128xf32, #tpu.memory_space<vmem>> -> memref<128x128xf32, #tpu.memory_space<vmem>>
      %dma_wait3A_365 = arith.constant 0 : i32
      %dma_wait3A_366 = tpu.memref_slice %arg4[%multiple_of3A_359, %dma_wait3A_365] : memref<100000x128xf32, #tpu.memory_space<hbm>> -> memref<128x128xf32, #tpu.memory_space<hbm>>
      %dma_wait3A_367 = arith.constant 0 : i32
      %dma_wait3A_368 = tpu.memref_slice %arg4[%multiple_of3A_359, %dma_wait3A_367] : memref<100000x128xf32, #tpu.memory_space<hbm>> -> memref<128x128xf32, #tpu.memory_space<hbm>>
      %dma_wait3A_369 = arith.constant 0 : i32
      %dma_wait3A_370 = arith.constant 0 : i32
      %dma_wait3A_371 = tpu.memref_slice %arg6[%dma_wait3A_360, %dma_wait3A_369, %dma_wait3A_370] : memref<6x128x128xf32, #tpu.memory_space<vmem>> -> memref<1x128x128xf32, #tpu.memory_space<vmem>>
      %dma_wait3A_372 = tpu.memref_squeeze %dma_wait3A_371 : memref<1x128x128xf32, #tpu.memory_space<vmem>> -> memref<128x128xf32, #tpu.memory_space<vmem>>
      tpu.wait_dma2 semaphore(%arg15 : memref<!tpu.dma_semaphore, #tpu.memory_space<semaphore_mem>>) src(%dma_wait3A_372 : memref<128x128xf32, #tpu.memory_space<vmem>>) dst(%dma_wait3A_368 : memref<128x128xf32, #tpu.memory_space<hbm>>)
    } else {
    }
    %sub3A_303 = arith.constant 6 : i32
    %sub3A_304 = arith.subi %select_n3A, %sub3A_303 : i32
    %le3A_305 = arith.constant 20 : i32
    %le3A_306 = arith.cmpi sle, %sub3A_304, %le3A_305 : i32
    %gt3A_307 = arith.constant 20 : i32
    %gt3A_308 = arith.cmpi sgt, %select_n3A, %gt3A_307 : i32
    %and3A_309 = arith.andi %le3A_306, %gt3A_308 : i1
    %convert_element_type3A_310 = arith.extui %and3A_309 : i1 to i32
    %cond3A_311 = arith.constant 0 : i32
    %cond3A_312 = arith.cmpi ne, %convert_element_type3A_310, %cond3A_311 : i32
    scf.if %cond3A_312 {
      %add3A_353 = arith.constant 20 : i32
      %add3A_354 = arith.addi %add3A_6, %add3A_353 : i32
      %mul3A_355 = arith.constant 128 : i32
      %mul3A_356 = arith.muli %add3A_354, %mul3A_355 : i32
      %min3A_357 = arith.constant 99872 : i32
      %min3A_358 = arith.minsi %mul3A_356, %min3A_357 : i32
      %multiple_of3A_359 = tpu.assume_multiple %min3A_358, 8 : i32
      %dma_wait3A_360 = arith.constant 2 : i32
      %dma_wait3A_361 = arith.constant 0 : i32
      %dma_wait3A_362 = arith.constant 0 : i32
      %dma_wait3A_363 = tpu.memref_slice %arg6[%dma_wait3A_360, %dma_wait3A_361, %dma_wait3A_362] : memref<6x128x128xf32, #tpu.memory_space<vmem>> -> memref<1x128x128xf32, #tpu.memory_space<vmem>>
      %dma_wait3A_364 = tpu.memref_squeeze %dma_wait3A_363 : memref<1x128x128xf32, #tpu.memory_space<vmem>> -> memref<128x128xf32, #tpu.memory_space<vmem>>
      %dma_wait3A_365 = arith.constant 0 : i32
      %dma_wait3A_366 = tpu.memref_slice %arg4[%multiple_of3A_359, %dma_wait3A_365] : memref<100000x128xf32, #tpu.memory_space<hbm>> -> memref<128x128xf32, #tpu.memory_space<hbm>>
      %dma_wait3A_367 = arith.constant 0 : i32
      %dma_wait3A_368 = tpu.memref_slice %arg4[%multiple_of3A_359, %dma_wait3A_367] : memref<100000x128xf32, #tpu.memory_space<hbm>> -> memref<128x128xf32, #tpu.memory_space<hbm>>
      %dma_wait3A_369 = arith.constant 0 : i32
      %dma_wait3A_370 = arith.constant 0 : i32
      %dma_wait3A_371 = tpu.memref_slice %arg6[%dma_wait3A_360, %dma_wait3A_369, %dma_wait3A_370] : memref<6x128x128xf32, #tpu.memory_space<vmem>> -> memref<1x128x128xf32, #tpu.memory_space<vmem>>
      %dma_wait3A_372 = tpu.memref_squeeze %dma_wait3A_371 : memref<1x128x128xf32, #tpu.memory_space<vmem>> -> memref<128x128xf32, #tpu.memory_space<vmem>>
      tpu.wait_dma2 semaphore(%arg16 : memref<!tpu.dma_semaphore, #tpu.memory_space<semaphore_mem>>) src(%dma_wait3A_372 : memref<128x128xf32, #tpu.memory_space<vmem>>) dst(%dma_wait3A_368 : memref<128x128xf32, #tpu.memory_space<hbm>>)
    } else {
    }
    %sub3A_313 = arith.constant 6 : i32
    %sub3A_314 = arith.subi %select_n3A, %sub3A_313 : i32
    %le3A_315 = arith.constant 21 : i32
    %le3A_316 = arith.cmpi sle, %sub3A_314, %le3A_315 : i32
    %gt3A_317 = arith.constant 21 : i32
    %gt3A_318 = arith.cmpi sgt, %select_n3A, %gt3A_317 : i32
    %and3A_319 = arith.andi %le3A_316, %gt3A_318 : i1
    %convert_element_type3A_320 = arith.extui %and3A_319 : i1 to i32
    %cond3A_321 = arith.constant 0 : i32
    %cond3A_322 = arith.cmpi ne, %convert_element_type3A_320, %cond3A_321 : i32
    scf.if %cond3A_322 {
      %add3A_353 = arith.constant 21 : i32
      %add3A_354 = arith.addi %add3A_6, %add3A_353 : i32
      %mul3A_355 = arith.constant 128 : i32
      %mul3A_356 = arith.muli %add3A_354, %mul3A_355 : i32
      %min3A_357 = arith.constant 99872 : i32
      %min3A_358 = arith.minsi %mul3A_356, %min3A_357 : i32
      %multiple_of3A_359 = tpu.assume_multiple %min3A_358, 8 : i32
      %dma_wait3A_360 = arith.constant 3 : i32
      %dma_wait3A_361 = arith.constant 0 : i32
      %dma_wait3A_362 = arith.constant 0 : i32
      %dma_wait3A_363 = tpu.memref_slice %arg6[%dma_wait3A_360, %dma_wait3A_361, %dma_wait3A_362] : memref<6x128x128xf32, #tpu.memory_space<vmem>> -> memref<1x128x128xf32, #tpu.memory_space<vmem>>
      %dma_wait3A_364 = tpu.memref_squeeze %dma_wait3A_363 : memref<1x128x128xf32, #tpu.memory_space<vmem>> -> memref<128x128xf32, #tpu.memory_space<vmem>>
      %dma_wait3A_365 = arith.constant 0 : i32
      %dma_wait3A_366 = tpu.memref_slice %arg4[%multiple_of3A_359, %dma_wait3A_365] : memref<100000x128xf32, #tpu.memory_space<hbm>> -> memref<128x128xf32, #tpu.memory_space<hbm>>
      %dma_wait3A_367 = arith.constant 0 : i32
      %dma_wait3A_368 = tpu.memref_slice %arg4[%multiple_of3A_359, %dma_wait3A_367] : memref<100000x128xf32, #tpu.memory_space<hbm>> -> memref<128x128xf32, #tpu.memory_space<hbm>>
      %dma_wait3A_369 = arith.constant 0 : i32
      %dma_wait3A_370 = arith.constant 0 : i32
      %dma_wait3A_371 = tpu.memref_slice %arg6[%dma_wait3A_360, %dma_wait3A_369, %dma_wait3A_370] : memref<6x128x128xf32, #tpu.memory_space<vmem>> -> memref<1x128x128xf32, #tpu.memory_space<vmem>>
      %dma_wait3A_372 = tpu.memref_squeeze %dma_wait3A_371 : memref<1x128x128xf32, #tpu.memory_space<vmem>> -> memref<128x128xf32, #tpu.memory_space<vmem>>
      tpu.wait_dma2 semaphore(%arg17 : memref<!tpu.dma_semaphore, #tpu.memory_space<semaphore_mem>>) src(%dma_wait3A_372 : memref<128x128xf32, #tpu.memory_space<vmem>>) dst(%dma_wait3A_368 : memref<128x128xf32, #tpu.memory_space<hbm>>)
    } else {
    }
    %sub3A_323 = arith.constant 6 : i32
    %sub3A_324 = arith.subi %select_n3A, %sub3A_323 : i32
    %le3A_325 = arith.constant 22 : i32
    %le3A_326 = arith.cmpi sle, %sub3A_324, %le3A_325 : i32
    %gt3A_327 = arith.constant 22 : i32
    %gt3A_328 = arith.cmpi sgt, %select_n3A, %gt3A_327 : i32
    %and3A_329 = arith.andi %le3A_326, %gt3A_328 : i1
    %convert_element_type3A_330 = arith.extui %and3A_329 : i1 to i32
    %cond3A_331 = arith.constant 0 : i32
    %cond3A_332 = arith.cmpi ne, %convert_element_type3A_330, %cond3A_331 : i32
    scf.if %cond3A_332 {
      %add3A_353 = arith.constant 22 : i32
      %add3A_354 = arith.addi %add3A_6, %add3A_353 : i32
      %mul3A_355 = arith.constant 128 : i32
      %mul3A_356 = arith.muli %add3A_354, %mul3A_355 : i32
      %min3A_357 = arith.constant 99872 : i32
      %min3A_358 = arith.minsi %mul3A_356, %min3A_357 : i32
      %multiple_of3A_359 = tpu.assume_multiple %min3A_358, 8 : i32
      %dma_wait3A_360 = arith.constant 4 : i32
      %dma_wait3A_361 = arith.constant 0 : i32
      %dma_wait3A_362 = arith.constant 0 : i32
      %dma_wait3A_363 = tpu.memref_slice %arg6[%dma_wait3A_360, %dma_wait3A_361, %dma_wait3A_362] : memref<6x128x128xf32, #tpu.memory_space<vmem>> -> memref<1x128x128xf32, #tpu.memory_space<vmem>>
      %dma_wait3A_364 = tpu.memref_squeeze %dma_wait3A_363 : memref<1x128x128xf32, #tpu.memory_space<vmem>> -> memref<128x128xf32, #tpu.memory_space<vmem>>
      %dma_wait3A_365 = arith.constant 0 : i32
      %dma_wait3A_366 = tpu.memref_slice %arg4[%multiple_of3A_359, %dma_wait3A_365] : memref<100000x128xf32, #tpu.memory_space<hbm>> -> memref<128x128xf32, #tpu.memory_space<hbm>>
      %dma_wait3A_367 = arith.constant 0 : i32
      %dma_wait3A_368 = tpu.memref_slice %arg4[%multiple_of3A_359, %dma_wait3A_367] : memref<100000x128xf32, #tpu.memory_space<hbm>> -> memref<128x128xf32, #tpu.memory_space<hbm>>
      %dma_wait3A_369 = arith.constant 0 : i32
      %dma_wait3A_370 = arith.constant 0 : i32
      %dma_wait3A_371 = tpu.memref_slice %arg6[%dma_wait3A_360, %dma_wait3A_369, %dma_wait3A_370] : memref<6x128x128xf32, #tpu.memory_space<vmem>> -> memref<1x128x128xf32, #tpu.memory_space<vmem>>
      %dma_wait3A_372 = tpu.memref_squeeze %dma_wait3A_371 : memref<1x128x128xf32, #tpu.memory_space<vmem>> -> memref<128x128xf32, #tpu.memory_space<vmem>>
      tpu.wait_dma2 semaphore(%arg18 : memref<!tpu.dma_semaphore, #tpu.memory_space<semaphore_mem>>) src(%dma_wait3A_372 : memref<128x128xf32, #tpu.memory_space<vmem>>) dst(%dma_wait3A_368 : memref<128x128xf32, #tpu.memory_space<hbm>>)
    } else {
    }
    %sub3A_333 = arith.constant 6 : i32
    %sub3A_334 = arith.subi %select_n3A, %sub3A_333 : i32
    %le3A_335 = arith.constant 23 : i32
    %le3A_336 = arith.cmpi sle, %sub3A_334, %le3A_335 : i32
    %gt3A_337 = arith.constant 23 : i32
    %gt3A_338 = arith.cmpi sgt, %select_n3A, %gt3A_337 : i32
    %and3A_339 = arith.andi %le3A_336, %gt3A_338 : i1
    %convert_element_type3A_340 = arith.extui %and3A_339 : i1 to i32
    %cond3A_341 = arith.constant 0 : i32
    %cond3A_342 = arith.cmpi ne, %convert_element_type3A_340, %cond3A_341 : i32
    scf.if %cond3A_342 {
      %add3A_353 = arith.constant 23 : i32
      %add3A_354 = arith.addi %add3A_6, %add3A_353 : i32
      %mul3A_355 = arith.constant 128 : i32
      %mul3A_356 = arith.muli %add3A_354, %mul3A_355 : i32
      %min3A_357 = arith.constant 99872 : i32
      %min3A_358 = arith.minsi %mul3A_356, %min3A_357 : i32
      %multiple_of3A_359 = tpu.assume_multiple %min3A_358, 8 : i32
      %dma_wait3A_360 = arith.constant 5 : i32
      %dma_wait3A_361 = arith.constant 0 : i32
      %dma_wait3A_362 = arith.constant 0 : i32
      %dma_wait3A_363 = tpu.memref_slice %arg6[%dma_wait3A_360, %dma_wait3A_361, %dma_wait3A_362] : memref<6x128x128xf32, #tpu.memory_space<vmem>> -> memref<1x128x128xf32, #tpu.memory_space<vmem>>
      %dma_wait3A_364 = tpu.memref_squeeze %dma_wait3A_363 : memref<1x128x128xf32, #tpu.memory_space<vmem>> -> memref<128x128xf32, #tpu.memory_space<vmem>>
      %dma_wait3A_365 = arith.constant 0 : i32
      %dma_wait3A_366 = tpu.memref_slice %arg4[%multiple_of3A_359, %dma_wait3A_365] : memref<100000x128xf32, #tpu.memory_space<hbm>> -> memref<128x128xf32, #tpu.memory_space<hbm>>
      %dma_wait3A_367 = arith.constant 0 : i32
      %dma_wait3A_368 = tpu.memref_slice %arg4[%multiple_of3A_359, %dma_wait3A_367] : memref<100000x128xf32, #tpu.memory_space<hbm>> -> memref<128x128xf32, #tpu.memory_space<hbm>>
      %dma_wait3A_369 = arith.constant 0 : i32
      %dma_wait3A_370 = arith.constant 0 : i32
      %dma_wait3A_371 = tpu.memref_slice %arg6[%dma_wait3A_360, %dma_wait3A_369, %dma_wait3A_370] : memref<6x128x128xf32, #tpu.memory_space<vmem>> -> memref<1x128x128xf32, #tpu.memory_space<vmem>>
      %dma_wait3A_372 = tpu.memref_squeeze %dma_wait3A_371 : memref<1x128x128xf32, #tpu.memory_space<vmem>> -> memref<128x128xf32, #tpu.memory_space<vmem>>
      tpu.wait_dma2 semaphore(%arg19 : memref<!tpu.dma_semaphore, #tpu.memory_space<semaphore_mem>>) src(%dma_wait3A_372 : memref<128x128xf32, #tpu.memory_space<vmem>>) dst(%dma_wait3A_368 : memref<128x128xf32, #tpu.memory_space<hbm>>)
    } else {
    }
    %sub3A_343 = arith.constant 6 : i32
    %sub3A_344 = arith.subi %select_n3A, %sub3A_343 : i32
    %le3A_345 = arith.constant 24 : i32
    %le3A_346 = arith.cmpi sle, %sub3A_344, %le3A_345 : i32
    %gt3A_347 = arith.constant 24 : i32
    %gt3A_348 = arith.cmpi sgt, %select_n3A, %gt3A_347 : i32
    %and3A_349 = arith.andi %le3A_346, %gt3A_348 : i1
    %convert_element_type3A_350 = arith.extui %and3A_349 : i1 to i32
    %cond3A_351 = arith.constant 0 : i32
    %cond3A_352 = arith.cmpi ne, %convert_element_type3A_350, %cond3A_351 : i32
    scf.if %cond3A_352 {
      %add3A_353 = arith.constant 24 : i32
      %add3A_354 = arith.addi %add3A_6, %add3A_353 : i32
      %mul3A_355 = arith.constant 128 : i32
      %mul3A_356 = arith.muli %add3A_354, %mul3A_355 : i32
      %min3A_357 = arith.constant 99872 : i32
      %min3A_358 = arith.minsi %mul3A_356, %min3A_357 : i32
      %multiple_of3A_359 = tpu.assume_multiple %min3A_358, 8 : i32
      %dma_wait3A_360 = arith.constant 0 : i32
      %dma_wait3A_361 = arith.constant 0 : i32
      %dma_wait3A_362 = arith.constant 0 : i32
      %dma_wait3A_363 = tpu.memref_slice %arg6[%dma_wait3A_360, %dma_wait3A_361, %dma_wait3A_362] : memref<6x128x128xf32, #tpu.memory_space<vmem>> -> memref<1x128x128xf32, #tpu.memory_space<vmem>>
      %dma_wait3A_364 = tpu.memref_squeeze %dma_wait3A_363 : memref<1x128x128xf32, #tpu.memory_space<vmem>> -> memref<128x128xf32, #tpu.memory_space<vmem>>
      %dma_wait3A_365 = arith.constant 0 : i32
      %dma_wait3A_366 = tpu.memref_slice %arg4[%multiple_of3A_359, %dma_wait3A_365] : memref<100000x128xf32, #tpu.memory_space<hbm>> -> memref<128x128xf32, #tpu.memory_space<hbm>>
      %dma_wait3A_367 = arith.constant 0 : i32
      %dma_wait3A_368 = tpu.memref_slice %arg4[%multiple_of3A_359, %dma_wait3A_367] : memref<100000x128xf32, #tpu.memory_space<hbm>> -> memref<128x128xf32, #tpu.memory_space<hbm>>
      %dma_wait3A_369 = arith.constant 0 : i32
      %dma_wait3A_370 = arith.constant 0 : i32
      %dma_wait3A_371 = tpu.memref_slice %arg6[%dma_wait3A_360, %dma_wait3A_369, %dma_wait3A_370] : memref<6x128x128xf32, #tpu.memory_space<vmem>> -> memref<1x128x128xf32, #tpu.memory_space<vmem>>
      %dma_wait3A_372 = tpu.memref_squeeze %dma_wait3A_371 : memref<1x128x128xf32, #tpu.memory_space<vmem>> -> memref<128x128xf32, #tpu.memory_space<vmem>>
      tpu.wait_dma2 semaphore(%arg14 : memref<!tpu.dma_semaphore, #tpu.memory_space<semaphore_mem>>) src(%dma_wait3A_372 : memref<128x128xf32, #tpu.memory_space<vmem>>) dst(%dma_wait3A_368 : memref<128x128xf32, #tpu.memory_space<hbm>>)
    } else {
    }
    return
  }
}

</mosaic_0001>

<sc_bundles>
// kernel: kernel.3.cloned.1.call-start
scs
__scs_entry_jumppad:
0x0: {  	(pc) =	sbr.rel $0x88, $3  }
0x1: {  	(tag) =	ssettag $0x0;
	lr =	simm.s32 $0x1  }
0x2: {  	[smem:$0x3F9F] =	sst lr;
	_ =	strace $0xD0000000  }
0x3: {  	_ = 	snop  }
0x4: {  	_ = 	snop  }
0x5: {  	_ = 	snop  }
0x6: {  	_ = 	snop  }
0x7: {  	_ = 	snop  }
__scs_overlays_trampoline_lowered:
0x8: {  	[smem:$0x3FAE] =	sst s0  }
0x9: {  	[smem:$0x3FAF] =	sst s1  }
0xa: {  	[smem:$0x3FB0] =	sst s2  }
0xb: {  	[smem:$0x3FB1] =	sst s3  }
0xc: {  	[smem:$0x3FB2] =	sst s4  }
0xd: {  	[smem:$0x3FB3] =	sst s5  }
0xe: {  	[smem:$0x3FB4] =	sst s6  }
0xf: {  	[smem:$0x3FB5] =	sst s7  }
0x10: {  	[smem:$0x3FB6] =	sst s8  }
0x11: {  	[smem:$0x3FB7] =	sst s9;
	s0 =	simm.s32 @!p0 $0x0  }
0x12: {  	s1 =	sld [smem:$0x3F9D];
	s0 =	simm.s32 @p0 $0x1  }
0x13: {  	[smem:$0x3FB8] =	sst s0;
	s0 =	simm.s32 @!p1 $0x0  }
0x14: {  	s2 =	sld [smem:$0x3F9C];
	s0 =	simm.s32 @p1 $0x1  }
0x15: {  	[smem:$0x3FB9] =	sst s0;
	s0 =	simm.s32 @!p2 $0x0  }
0x16: {  	s3 =	sld [smem:$0x3FDB];
	s0 =	simm.s32 @p2 $0x1  }
0x17: {  	s4 =	simm.s32 $0x1BF5;
	[smem:$0x3FBB] =	sst s0  }
0x18: {  	s0 =	sld [smem:$0x3F9E];
	_ =	swait.ge [sflag:s4], $0x0  }
0x19: {  	s7 =	sld [smem:$0x3F9F]  }
0x1a: {  	s8 =	sadd.s32 $0xFFFFE003, lr  }
0x1b: {  	s9 =	sadd.s32 $0xFFFFFEF7, lr;
	s5 =	simm.s32 $0xFFFFFFFF;
	p2 =	slt.u32 s8, $0xFFFFF086  }
0x1c: {  	p1 =	slt.u32 s9, $0xF7A;
	s5 =	simm.s32 @!p2 $0x0  }
0x1d: {  	s5 =	simm.s32 @p1 $0x1;
	p0 =	seq.s32 s7, s2  }
0x1e: {  	s7 =	smul.u32 @!p0 $0xF7A, s2;
	p2 =	seq.s32 @!p0 s5, $0x0  }
0x1f: {  	s9 =	smul.u32 $0xF7A, s1;
	s8 =	simm.s32 @!p0 $0x1BF5;
	p2 =	por !p2, p0  }
0x20: {  	[sflag:s8] =	ssyncset.s32 @!p0 $0xFFFFF086;
	s6 =	sadd.s32 @!p0 s3, s7;
	s7 =	simm.s32 @!p0 $0x108  }
0x21: {  	s3 =	sadd.s32 s3, s9;
	s6 =	sadd.s32 @!p0 $0x88, s6;
	s7 =	simm.s32 @p2 $0x1082  }
0x22: {  	[simem:s7], [sflag:s8] =	dma.local @!p0 [hbm:s6], $0xF7A  }
0x23: {  	s9 =	sor.u32 $0xD0000000, s2;
	s6 =	simm.s32 $0x108;
	_ =	swait.ge @!p0 [sflag:s8], $0x0  }
0x24: {  	s3 =	sadd.s32 $0x88, s3;
	s6 =	simm.s32 @!p1 $0x1082;
	[sflag:s4] =	ssyncset.s32 $0xFFFFF086  }
0x25: {  	[simem:s6], [sflag:s4] =	dma.local [hbm:s3], $0xF7A  }
0x26: {  	[smem:$0x3F9F] =	sst s1;
	(tag) =	ssettag s2;
	_ =	strace s9  }
0x27: {  	s1 =	sld [smem:$0x3FAF]  }
0x28: {  	s2 =	sld [smem:$0x3FB0]  }
0x29: {  	s4 =	sld [smem:$0x3FB2]  }
0x2a: {  	p0 =	seq.s32 s5, $0x0;
	s5 =	sld [smem:$0x3FB3]  }
0x2b: {  	s6 =	sld [smem:$0x3FB4]  }
0x2c: {  	s7 =	sld [smem:$0x3FB5]  }
0x2d: {  	s3 =	simm.s32 $0x108;
	s8 =	sld [smem:$0x3FB6]  }
0x2e: {  	s3 =	simm.s32 @!p0 $0x1082;
	s9 =	sld [smem:$0x3FB7]  }
0x2f: {  	lr =	sadd.s32 s0, s3;
	s0 =	sld [smem:$0x3FAE]  }
0x30: {  	s3 =	sld [smem:$0x3FB1]  }
0x31: {  	[smem:$0x3FBA] =	sst s10  }
0x32: {  	s10 =	sld [smem:$0x3FB8];
	_ =	sdelay $0x3  }
0x33: {  	p0 =	seq.s32 s10, $0x1;
	s10 =	sld [smem:$0x3FBA];
	_ =	sdelay $0x3  }
0x34: {  	[smem:$0x3FBA] =	sst s10  }
0x35: {  	s10 =	sld [smem:$0x3FB9];
	_ =	sdelay $0x3  }
0x36: {  	p1 =	seq.s32 s10, $0x1;
	s10 =	sld [smem:$0x3FBA];
	_ =	sdelay $0x3  }
0x37: {  	[smem:$0x3FBA] =	sst s10  }
0x38: {  	s10 =	sld [smem:$0x3FBB]  }
0x39: {  	_ = 	snop;
	(pc) =	sbr.ind lr, $3  }
0x3a: {  	_ = 	snop  }
0x3b: {  	_ = 	snop  }
0x3c: {  	p2 =	seq.s32 s10, $0x1;
	s10 =	sld [smem:$0x3FBA]  }
0x3d: {  	_ =	shalt  }
0x3e: {  	_ =	shalt  }
0x3f: {  	_ =	shalt  }
0x40: {  	_ =	shalt  }
0x41: {  	_ =	shalt  }
0x42: {  	_ =	shalt  }
0x43: {  	_ =	shalt  }
0x44: {  	_ =	shalt  }
0x45: {  	_ =	shalt  }
0x46: {  	_ =	shalt  }
0x47: {  	_ =	shalt  }
0x48: {  	_ =	shalt  }
0x49: {  	_ =	shalt  }
0x4a: {  	_ =	shalt  }
0x4b: {  	_ =	shalt  }
0x4c: {  	_ =	shalt  }
0x4d: {  	_ =	shalt  }
0x4e: {  	_ =	shalt  }
0x4f: {  	_ =	shalt  }
0x50: {  	_ =	shalt  }
0x51: {  	_ =	shalt  }
0x52: {  	_ =	shalt  }
0x53: {  	_ =	shalt  }
0x54: {  	_ =	shalt  }
0x55: {  	_ =	shalt  }
0x56: {  	_ =	shalt  }
0x57: {  	_ =	shalt  }
0x58: {  	_ =	shalt  }
0x59: {  	_ =	shalt  }
0x5a: {  	_ =	shalt  }
0x5b: {  	_ =	shalt  }
0x5c: {  	_ =	shalt  }
0x5d: {  	_ =	shalt  }
0x5e: {  	_ =	shalt  }
0x5f: {  	_ =	shalt  }
0x60: {  	_ =	shalt  }
0x61: {  	_ =	shalt  }
0x62: {  	_ =	shalt  }
0x63: {  	_ =	shalt  }
0x64: {  	_ =	shalt  }
0x65: {  	_ =	shalt  }
0x66: {  	_ =	shalt  }
0x67: {  	_ =	shalt  }
0x68: {  	_ =	shalt  }
0x69: {  	_ =	shalt  }
0x6a: {  	_ =	shalt  }
0x6b: {  	_ =	shalt  }
0x6c: {  	_ =	shalt  }
0x6d: {  	_ =	shalt  }
0x6e: {  	_ =	shalt  }
0x6f: {  	_ =	shalt  }
0x70: {  	_ =	shalt  }
0x71: {  	_ =	shalt  }
0x72: {  	_ =	shalt  }
0x73: {  	_ =	shalt  }
0x74: {  	_ =	shalt  }
0x75: {  	_ =	shalt  }
0x76: {  	_ =	shalt  }
0x77: {  	_ =	shalt  }
0x78: {  	_ =	shalt  }
0x79: {  	_ =	shalt  }
0x7a: {  	_ =	shalt  }
0x7b: {  	_ =	shalt  }
0x7c: {  	_ =	shalt  }
0x7d: {  	_ =	shalt  }
0x7e: {  	_ =	shalt  }
0x7f: {  	_ =	shalt  }
0x80: {  	_ =	shalt  }
0x81: {  	_ =	shalt  }
0x82: {  	_ =	shalt  }
0x83: {  	_ =	shalt  }
0x84: {  	_ =	shalt  }
0x85: {  	_ =	shalt  }
0x86: {  	_ =	shalt  }
0x87: {  	_ =	shalt  }
.Lfunc_end0:
.L_simem_size_0:
called_computation_lowered:
.L_overlay_start_0:
0x88: {  	s2 =	sld [smem:$0x3FD9]  }
0x89: {  	s3 =	sld [smem:$0x3FFE];
	_ =	sdelay $0x1  }
0x8a: {  	s1 =	srdreg.scid  }
0x8b: {  	s0 =	sand.u32 $0x1, s1  }
0x8c: {  	s18 =	sshll.u32 s0, $0xA;
	s2 =	sadd.s32 s3, s2  }
0x8d: {  	s2 =	sadd.s32 s2, s18  }
0x8e: {  	[smem:$0x3FC6] =	sst s2  }
0x8f: {  	_ = 	snop  }
0x90: {  	s2 =	sld [smem:$0x3FC9]  }
0x91: {  	s19 =	sld [smem:$0x3FC8]  }
0x92: {  	s4 =	sld [smem:$0x3FD0];
	(tm) =	ssettm $0x1  }
0x93: {  	s5 =	sld [smem:$0x3FFB];
	_ =	sdelay $0x3  }
0x94: {  	_ =	strace s5  }
0x95: {  	s5 =	sld [smem:$0x3FFC];
	_ =	sdelay $0x3  }
0x96: {  	_ =	strace s5  }
0x97: {  	s5 =	sld [smem:$0x3FFD];
	_ =	sdelay $0x3  }
0x98: {  	_ =	strace s5  }
0x99: {  	_ =	strace $0x8FFFFFFF  }
0x9a: {  	s20 =	sld [smem:$0x3FDB];
	_ =	sdelay $0x1  }
0x9b: {  	s6 =	simm.s32 $_scs_section_size  }
0x9c: {  	s7 =	simm.s32 $_size__tile_overlayer_lowered;
	s8 =	simm.s32 $_tile_overlayer_lowered  }
0x9d: {  	s23 =	simm.s32 $0x1BFF;
	s22 =	sshll.u32 s8, $0x1;
	s5 =	sadd.s32 s6, s20  }
0x9e: {  	s9 =	simm.s32 $0x0;
	s21 =	sshll.u32 s7, $0x1;
	s7 =	sadd.s32 s22, s5  }
0x9f: {  	[timem:s9], [sflag:s23] =	dma.local [hbm:s7], s21  }
0xa0: {  	_ =	swait.ge [sflag:s23], s21  }
0xa1: {  	s6 =	ssub.s32 $0x0, s21;
	[sflag:s23] =	ssyncset.done $0x0  }
0xa2: {  	[sflag:s23] =	ssyncadd.s32 s6;
	_ =	sdelay $0x1  }
0xa3: {  	s24 =	simm.s32 $0x1B8B  }
0xa4: {  	_ =	swait.ge [sflag:s24], $0x1  }
0xa5: {  	[sflag:s24] =	ssyncset.done $0x0  }
0xa6: {  	s25 =	simm.s32 $0x1B8E;
	[sflag:s24] =	ssyncadd.s32 $0xFFFFFFFF  }
0xa7: {  	s26 =	simm.s32 $execute0_lowered;
	[smem:$0x3FD2] =	sst s25  }
0xa8: {  	s6 =	sshll.u32 s26, $0x1;
	_ =	strace $0x80000046;
	[dreg:$0x1] =	wrdreg $0xFFFFFFFF  }
0xa9: {  	s28 =	simm.s32 $_size_execute0_lowered;
	s5 =	sadd.s32 s5, s6;
	[dreg:$0x0] =	wrdreg $0x0  }
0xaa: {  	s6 =	sshll.u32 s28, $0x1;
	[dreg:$0x2] =	wrdreg s5  }
0xab: {  	[dreg:$0x3] =	wrdreg s6  }
0xac: {  	[dreg:$0x4] =	wrdreg $0xC0  }
0xad: {  	_ =	task [dreg:s9], $0x5FFFF  }
0xae: {  	[dreg:$0x1] =	wrdreg $0xFFFFFFFF  }
0xaf: {  	[dreg:$0x0] =	wrdreg $0x60  }
0xb0: {  	[dreg:$0x2] =	wrdreg s2  }
0xb1: {  	[dreg:$0x3] =	wrdreg s19  }
0xb2: {  	[dreg:$0x4] =	wrdreg s4  }
0xb3: {  	[dreg:$0x5] =	wrdreg $0x18C800  }
0xb4: {  	[dreg:$0x6] =	wrdreg $0x9  }
0xb5: {  	_ =	task.clear_ibuf [dreg:s9], $0x7FFFF;
	_ =	strace $0x90000046  }
0xb6: {  	s29 =	simm.s32 $0x9;
	_ =	strace $0x80000048  }
0xb7: {  	_ =	swait.ge [sflag:s29], $0x1  }
0xb8: {  	[sflag:s29] =	ssyncadd.s32 $0xFFFFFFFF  }
0xb9: {  	_ =	strace $0x90000048  }
0xba: {  	_ =	sfence  }
0xbb: {  	s30 =	sld [smem:$0x0];
	_ =	sdelay $0x2  }
0xbc: {  	s31 =	sshll.u32 s1, $0xD;
	s1 =	sshrl.u32 s1, $0x2  }
0xbd: {  	s3 =	sand.u32 $0x4000, s31;
	s1 =	sadd.s32 s1, s30  }
0xbe: {  	s0 =	sor.u32 s3, s0;
	s1 =	sshll.u32 s1, $0x11  }
0xbf: {  	s0 =	sor.u32 s1, s0  }
0xc0: {  	s0 =	sadd.s32 $0x8F2B, s0  }
0xc1: {  	[sflag:s0] =	ssyncadd.remote.s32 $0x1  }
0xc2: {  	_ =	sfence.sel $0xFFFF  }
0xc3: {  	[dreg:$0x0] =	wrdreg $0xFFFFFFFF;
	(pc) =	sbr.abs _section_cstart, $3  }
0xc4: {  	[dreg:$0x1] =	wrdreg $0xFFFFFFFF  }
0xc5: {  	_ =	task.clear_ibuf [dreg:s9], $0x2FFFF;
	_ =	strace $0x9FFFFFFF  }
0xc6: {  	(tm) =	ssettm $0x7FFFFFFF  }
0xc7: {  	_ =	shalt  }
tec
execute0_lowered:
.L_overlay_start_1:
0x0: {  	(tag) =	ssettag $0x1  }
0x1: {  	s11 =	rddreg [dreg:$0x0]  }
0x2: {  	s0 =	srdreg.scid;
	s5 =	stileid.u32  }
0x3: {  	s6 =	rddreg [dreg:$0x1];
	s2 =	sand.u32 $0x1, s0;
	s1 =	sshll.u32 s5, $0x1  }
0x4: {  	s3 =	rddreg [dreg:$0x3];
	s1 =	sor.u32 s2, s1  }
0x5: {  	[smem:$0x7FD] =	sst s2;
	s2 =	smul.u32 $0x18, s1  }
0x6: {  	s4 =	simm.s32 $0x0;
	s0 =	rddreg [dreg:$0x2];
	s1 =	smin.u32 s1, $0xE  }
0x7: {  	[smem:$0x7FF] =	sst s4;
	s7 =	sadd.s32 s1, s2  }
0x8: {  	s8 =	sshll.u32 s5, $0xA;
	s9 =	sshll.u32 s5, $0x6;
	s1 =	sshll.u32 s7, $0x7  }
0x9: {  	s8 =	sadd.s32 s11, s8;
	s20 =	sor.u32 $0x1C07, s9;
	s2 =	smin.u32 s1, $0x17A20  }
0xa: {  	_ =	strace $0x80000047;
	[dreg:$0x5] =	wrdreg s8;
	s21 =	sshrl.u32 s2, $0x3  }
0xb: {  	[dreg:$0x6] =	wrdreg s20;
	s12 =	ssub.s32 s1, s2;
	s6 =	sadd.s32 s6, s21  }
0xc: {  	s22 =	sadd.s32 $0x80, s12;
	[dreg:$0x7] =	wrdreg s6  }
0xd: {  	s23 =	sadd.s32 $0x100, s12;
	[dreg:$0x8] =	wrdreg s22  }
0xe: {  	s25 =	sadd.s32 $0x180, s12;
	[dreg:$0x9] =	wrdreg s23  }
0xf: {  	s8 =	sadd.s32 $0x200, s12;
	[dreg:$0xb] =	wrdreg s25  }
0x10: {  	s10 =	sadd.s32 $0x280, s12;
	[dreg:$0xd] =	wrdreg s8  }
0x11: {  	s14 =	sadd.s32 $0x300, s12;
	[dreg:$0xf] =	wrdreg s10  }
0x12: {  	s16 =	sadd.s32 $0x380, s12;
	[dreg:$0x11] =	wrdreg s14  }
0x13: {  	s18 =	sadd.s32 $0x400, s12;
	[dreg:$0x13] =	wrdreg s16  }
0x14: {  	s7 =	sshll.u32 s7, $0xB;
	s20 =	sadd.s32 $0x480, s12;
	[dreg:$0x15] =	wrdreg s18  }
0x15: {  	s6 =	sadd.s32 s0, s7;
	[dreg:$0x17] =	wrdreg s20;
	s22 =	sadd.s32 $0x500, s12  }
0x16: {  	s24 =	sadd.s32 $0x800, s6;
	[dreg:$0x19] =	wrdreg s22  }
0x17: {  	s26 =	sadd.s32 $0x1000, s6;
	[dreg:$0xa] =	wrdreg s24  }
0x18: {  	s9 =	sadd.s32 $0x1800, s6;
	[dreg:$0xc] =	wrdreg s26  }
0x19: {  	s13 =	sadd.s32 $0x2000, s6;
	[dreg:$0xe] =	wrdreg s9  }
0x1a: {  	s15 =	sadd.s32 $0x2800, s6;
	[dreg:$0x10] =	wrdreg s13  }
0x1b: {  	s17 =	sadd.s32 $0x3000, s6;
	[dreg:$0x12] =	wrdreg s15  }
0x1c: {  	s19 =	sadd.s32 $0x3800, s6;
	[dreg:$0x14] =	wrdreg s17  }
0x1d: {  	s21 =	sadd.s32 $0x4000, s6;
	[dreg:$0x16] =	wrdreg s19  }
0x1e: {  	s23 =	sadd.s32 $0x4800, s6;
	[dreg:$0x18] =	wrdreg s21  }
0x1f: {  	s25 =	sadd.s32 $0x5000, s6;
	[dreg:$0x1a] =	wrdreg s23  }
0x20: {  	s8 =	sadd.s32 $0x5800, s6;
	[dreg:$0x1c] =	wrdreg s25  }
0x21: {  	s10 =	sadd.s32 $0x6000, s6;
	[dreg:$0x1e] =	wrdreg s8  }
0x22: {  	s14 =	sadd.s32 $0x6800, s6;
	[smem:$0x7E7] =	sst s10  }
0x23: {  	s16 =	sadd.s32 $0x7000, s6;
	[smem:$0x7E9] =	sst s14  }
0x24: {  	s18 =	sadd.s32 $0x7800, s6;
	[smem:$0x7EB] =	sst s16  }
0x25: {  	s20 =	sadd.s32 $0x8000, s6;
	[smem:$0x7ED] =	sst s18  }
0x26: {  	s22 =	sadd.s32 $0x8800, s6;
	[smem:$0x7EF] =	sst s20  }
0x27: {  	[smem:$0x7F1] =	sst s22  }
0x28: {  	s24 =	sadd.s32 $0x580, s12;
	s18 =	rddreg [dreg:$0x6]  }
0x29: {  	s26 =	sadd.s32 $0x600, s12;
	[dreg:$0x1b] =	wrdreg s24  }
0x2a: {  	s9 =	sadd.s32 $0x680, s12;
	[dreg:$0x1d] =	wrdreg s26  }
0x2b: {  	s13 =	sadd.s32 $0x700, s12;
	[dreg:$0x1f] =	wrdreg s9  }
0x2c: {  	s15 =	sadd.s32 $0x780, s12;
	[smem:$0x7E8] =	sst s13  }
0x2d: {  	s17 =	sadd.s32 $0x800, s12;
	[smem:$0x7EA] =	sst s15  }
0x2e: {  	s19 =	sadd.s32 $0x880, s12;
	[smem:$0x7EC] =	sst s17  }
0x2f: {  	s21 =	sadd.s32 $0x900, s12;
	[smem:$0x7EE] =	sst s19  }
0x30: {  	s23 =	sadd.s32 $0x980, s12;
	[smem:$0x7F0] =	sst s21  }
0x31: {  	s25 =	sadd.s32 $0xA00, s12;
	[smem:$0x7F2] =	sst s23  }
0x32: {  	s8 =	sadd.s32 $0xA80, s12;
	[smem:$0x7F4] =	sst s25  }
0x33: {  	s10 =	sadd.s32 $0xA000, s6;
	[smem:$0x7F6] =	sst s8  }
0x34: {  	s14 =	sadd.s32 $0xA800, s6;
	[smem:$0x7F7] =	sst s10  }
0x35: {  	[smem:$0x7F9] =	sst s14  }
0x36: {  	s24 =	sadd.s32 $0x9000, s6;
	s10 =	rddreg [dreg:$0x5]  }
0x37: {  	s26 =	sadd.s32 $0x9800, s6;
	[smem:$0x7F3] =	sst s24  }
0x38: {  	s9 =	sshll.u32 s5, $0xD;
	s13 =	sadd.s32 $0xB00, s12;
	[smem:$0x7F5] =	sst s26  }
0x39: {  	s19 =	sadd.s32 $0xB000, s6;
	[smem:$0x7F8] =	sst s13;
	s8 =	sadd.s32 s9, s3  }
0x3a: {  	s1 =	smin.u32 s1, $0x17AA0;
	[smem:$0x7FB] =	sst s19;
	s17 =	sshrl.u32 s8, $0x3  }
0x3b: {  	s15 =	ssub.s32 s1, s2;
	s2 =	sshll.u32 s2, $0x4;
	[smem:$0x7E4] =	sst s17  }
0x3c: {  	s16 =	sadd.s32 $0xB80, s15;
	s2 =	sadd.s32 s2, s0;
	s7 =	sld [smem:$0x7E4]  }
0x3d: {  	[smem:$0x7FA] =	sst s16;
	s2 =	sadd.s32 $0xC000, s2  }
0x3e: {  	[smem:$0x7FC] =	sst s2  }
0x3f: {  	[spmem:s7], [sflag:s18] =	dma.local [hbm:s10], $0x400  }
0x40: {  	s7 =	simm.s32 $0x8;
	s20 =	rddreg [dreg:$0x7]  }
0x41: {  	[tilespmem:s4], [sflag:$0x8] =	stream.linear.gather [hbm4b:s20+s4], $0xC80, $0x38;
	[tilespmem:$0x1AC80] =	vst v63  }
0x42: {  	_ =	swait.ge [sflag:s7], $0xC80  }
0x43: {  	s9 =	simm.s32 $0xC80;
	s8 =	simm.s32 $0x80;
	[sflag:s7] =	ssyncset.done $0x0  }
0x44: {  	s10 =	simm.s32 $0x7;
	[smem:$0x7E5] =	sst s12;
	[sflag:s7] =	ssyncadd.s32 $0xFFFFF380  }
0x45: {  	[tilespmem:s9], [sflag:$0x1] =	stream.indirect.gather [hbm4b:s11+s8], $0x80, s12, s8, $0xb8;
	[tilespmem:$0x1AC80] =	vst v63  }
0x46: {  	_ =	swait.ge [sflag:s10], $0x400  }
0x47: {  	[sflag:s10] =	ssyncset.done $0x0  }
0x48: {  	[sflag:s10] =	ssyncadd.s32 $0xFFFFFC00  }
0x49: {  	[bflag:$0x0] =	sbarrier.arrive $0xFFFF  }
0x4a: {  	s11 =	simm.s32 $0x4C80;
	s12 =	simm.s32 $0x1;
	s21 =	rddreg [dreg:$0x8]  }
0x4b: {  	[tilespmem:s11], [sflag:$0x2] =	stream.indirect.gather [spmem:s3], $0x80, s21, s8, $0xb8;
	[tilespmem:$0x1AC80] =	vst v63  }
0x4c: {  	_ =	swait.ge [sflag:s12], $0x4000  }
0x4d: {  	[sflag:s12] =	ssyncset.done $0x0  }
0x4e: {  	s22 =	rddreg [dreg:$0x9];
	[sflag:s12] =	ssyncadd.s32 $0xFFFFC000  }
0x4f: {  	[hbm4b:s6+s4] =	stream.linear.scatter [tilespmem:s9], [sflag:$0x7], $0x4000, $0x38;
	[tilespmem:$0x1AC80] =	vst v63  }
0x50: {  	s14 =	simm.s32 $0x2;
	s13 =	simm.s32 $0x8C80;
	[smem:$0x7E6] =	sst s6  }
0x51: {  	[tilespmem:s13], [sflag:$0x3] =	stream.indirect.gather [spmem:s3], $0x80, s22, s8, $0xb8;
	[tilespmem:$0x1AC80] =	vst v63  }
0x52: {  	_ =	swait.ge [sflag:s14], $0x4000  }
0x53: {  	[sflag:s14] =	ssyncset.done $0x0  }
0x54: {  	s23 =	rddreg [dreg:$0xa];
	[sflag:s14] =	ssyncadd.s32 $0xFFFFC000  }
0x55: {  	[hbm4b:s23+s4] =	stream.linear.scatter [tilespmem:s11], [sflag:$0x8], $0x4000, $0x38;
	[tilespmem:$0x1AC80] =	vst v63  }
0x56: {  	s15 =	simm.s32 $0xCC80;
	s16 =	simm.s32 $0x3;
	s17 =	rddreg [dreg:$0xb]  }
0x57: {  	[tilespmem:s15], [sflag:$0x4] =	stream.indirect.gather [spmem:s3], $0x80, s17, s8, $0xb8;
	[tilespmem:$0x1AC80] =	vst v63  }
0x58: {  	_ =	swait.ge [sflag:s16], $0x4000  }
0x59: {  	[sflag:s16] =	ssyncset.done $0x0  }
0x5a: {  	s24 =	rddreg [dreg:$0xc];
	[sflag:s16] =	ssyncadd.s32 $0xFFFFC000  }
0x5b: {  	[hbm4b:s24+s4] =	stream.linear.scatter [tilespmem:s13], [sflag:$0x9], $0x4000, $0x38;
	[tilespmem:$0x1AC80] =	vst v63  }
0x5c: {  	s18 =	simm.s32 $0x4;
	s17 =	simm.s32 $0x10C80;
	s19 =	rddreg [dreg:$0xd]  }
0x5d: {  	[tilespmem:s17], [sflag:$0x5] =	stream.indirect.gather [spmem:s3], $0x80, s19, s8, $0xb8;
	[tilespmem:$0x1AC80] =	vst v63  }
0x5e: {  	_ =	swait.ge [sflag:s18], $0x4000  }
0x5f: {  	[sflag:s18] =	ssyncset.done $0x0  }
0x60: {  	s25 =	rddreg [dreg:$0xe];
	[sflag:s18] =	ssyncadd.s32 $0xFFFFC000  }
0x61: {  	[hbm4b:s25+s4] =	stream.linear.scatter [tilespmem:s15], [sflag:$0xA], $0x4000, $0x38;
	[tilespmem:$0x1AC80] =	vst v63  }
0x62: {  	s20 =	simm.s32 $0x5;
	s19 =	simm.s32 $0x14C80;
	s21 =	rddreg [dreg:$0xf]  }
0x63: {  	[tilespmem:s19], [sflag:$0x6] =	stream.indirect.gather [spmem:s3], $0x80, s21, s8, $0xb8;
	[tilespmem:$0x1AC80] =	vst v63  }
0x64: {  	_ =	swait.ge [sflag:s20], $0x4000  }
0x65: {  	[sflag:s20] =	ssyncset.done $0x0  }
0x66: {  	s26 =	rddreg [dreg:$0x10];
	[sflag:s20] =	ssyncadd.s32 $0xFFFFC000  }
0x67: {  	[hbm4b:s26+s4] =	stream.linear.scatter [tilespmem:s17], [sflag:$0xB], $0x4000, $0x38;
	[tilespmem:$0x1AC80] =	vst v63  }
0x68: {  	_ =	swait.ge [sflag:s10], $0x4000  }
0x69: {  	[sflag:s10] =	ssyncset.done $0x0  }
0x6a: {  	s21 =	simm.s32 $0x6;
	s6 =	rddreg [dreg:$0x11];
	[sflag:s10] =	ssyncadd.s32 $0xFFFFC000  }
0x6b: {  	[tilespmem:s9], [sflag:$0x1] =	stream.indirect.gather [spmem:s3], $0x80, s6, s8, $0xb8;
	[tilespmem:$0x1AC80] =	vst v63  }
0x6c: {  	_ =	swait.ge [sflag:s21], $0x4000  }
0x6d: {  	[sflag:s21] =	ssyncset.done $0x0  }
0x6e: {  	s22 =	rddreg [dreg:$0x12];
	[sflag:s21] =	ssyncadd.s32 $0xFFFFC000  }
0x6f: {  	[hbm4b:s22+s4] =	stream.linear.scatter [tilespmem:s19], [sflag:$0xC], $0x4000, $0x38;
	[tilespmem:$0x1AC80] =	vst v63  }
0x70: {  	_ =	swait.ge [sflag:s7], $0x4000  }
0x71: {  	[sflag:s7] =	ssyncset.done $0x0  }
0x72: {  	s23 =	rddreg [dreg:$0x13];
	[sflag:s7] =	ssyncadd.s32 $0xFFFFC000  }
0x73: {  	[tilespmem:s11], [sflag:$0x2] =	stream.indirect.gather [spmem:s3], $0x80, s23, s8, $0xb8;
	[tilespmem:$0x1AC80] =	vst v63  }
0x74: {  	_ =	swait.ge [sflag:s12], $0x4000  }
0x75: {  	[sflag:s12] =	ssyncset.done $0x0  }
0x76: {  	s22 =	simm.s32 $0x9;
	s24 =	rddreg [dreg:$0x14];
	[sflag:s12] =	ssyncadd.s32 $0xFFFFC000  }
0x77: {  	[hbm4b:s24+s4] =	stream.linear.scatter [tilespmem:s9], [sflag:$0x7], $0x4000, $0x38;
	[tilespmem:$0x1AC80] =	vst v63  }
0x78: {  	_ =	swait.ge [sflag:s22], $0x4000  }
0x79: {  	[sflag:s22] =	ssyncset.done $0x0  }
0x7a: {  	s25 =	rddreg [dreg:$0x15];
	[sflag:s22] =	ssyncadd.s32 $0xFFFFC000  }
0x7b: {  	[tilespmem:s13], [sflag:$0x3] =	stream.indirect.gather [spmem:s3], $0x80, s25, s8, $0xb8;
	[tilespmem:$0x1AC80] =	vst v63  }
0x7c: {  	_ =	swait.ge [sflag:s14], $0x4000  }
0x7d: {  	[sflag:s14] =	ssyncset.done $0x0  }
0x7e: {  	s23 =	simm.s32 $0xA;
	s26 =	rddreg [dreg:$0x16];
	[sflag:s14] =	ssyncadd.s32 $0xFFFFC000  }
0x7f: {  	[hbm4b:s26+s4] =	stream.linear.scatter [tilespmem:s11], [sflag:$0x8], $0x4000, $0x38;
	[tilespmem:$0x1AC80] =	vst v63  }
0x80: {  	_ =	swait.ge [sflag:s23], $0x4000  }
0x81: {  	[sflag:s23] =	ssyncset.done $0x0  }
0x82: {  	s6 =	rddreg [dreg:$0x17];
	[sflag:s23] =	ssyncadd.s32 $0xFFFFC000  }
0x83: {  	[tilespmem:s15], [sflag:$0x4] =	stream.indirect.gather [spmem:s3], $0x80, s6, s8, $0xb8;
	[tilespmem:$0x1AC80] =	vst v63  }
0x84: {  	_ =	swait.ge [sflag:s16], $0x4000  }
0x85: {  	[sflag:s16] =	ssyncset.done $0x0  }
0x86: {  	s24 =	rddreg [dreg:$0x18];
	[sflag:s16] =	ssyncadd.s32 $0xFFFFC000  }
0x87: {  	[hbm4b:s24+s4] =	stream.linear.scatter [tilespmem:s13], [sflag:$0x9], $0x4000, $0x38;
	[tilespmem:$0x1AC80] =	vst v63  }
0x88: {  	s24 =	simm.s32 $0xB  }
0x89: {  	_ =	swait.ge [sflag:s24], $0x4000  }
0x8a: {  	[sflag:s24] =	ssyncset.done $0x0  }
0x8b: {  	s25 =	rddreg [dreg:$0x19];
	[sflag:s24] =	ssyncadd.s32 $0xFFFFC000  }
0x8c: {  	[tilespmem:s17], [sflag:$0x5] =	stream.indirect.gather [spmem:s3], $0x80, s25, s8, $0xb8;
	[tilespmem:$0x1AC80] =	vst v63  }
0x8d: {  	_ =	swait.ge [sflag:s18], $0x4000  }
0x8e: {  	[sflag:s18] =	ssyncset.done $0x0  }
0x8f: {  	s25 =	simm.s32 $0xC;
	s26 =	rddreg [dreg:$0x1a];
	[sflag:s18] =	ssyncadd.s32 $0xFFFFC000  }
0x90: {  	[hbm4b:s26+s4] =	stream.linear.scatter [tilespmem:s15], [sflag:$0xA], $0x4000, $0x38;
	[tilespmem:$0x1AC80] =	vst v63  }
0x91: {  	_ =	swait.ge [sflag:s25], $0x4000  }
0x92: {  	[sflag:s25] =	ssyncset.done $0x0  }
0x93: {  	s6 =	rddreg [dreg:$0x1b];
	[sflag:s25] =	ssyncadd.s32 $0xFFFFC000  }
0x94: {  	[tilespmem:s19], [sflag:$0x6] =	stream.indirect.gather [spmem:s3], $0x80, s6, s8, $0xb8;
	[tilespmem:$0x1AC80] =	vst v63  }
0x95: {  	_ =	swait.ge [sflag:s20], $0x4000  }
0x96: {  	[sflag:s20] =	ssyncset.done $0x0  }
0x97: {  	s26 =	rddreg [dreg:$0x1c];
	[sflag:s20] =	ssyncadd.s32 $0xFFFFC000  }
0x98: {  	[hbm4b:s26+s4] =	stream.linear.scatter [tilespmem:s17], [sflag:$0xB], $0x4000, $0x38;
	[tilespmem:$0x1AC80] =	vst v63  }
0x99: {  	_ =	swait.ge [sflag:s10], $0x4000  }
0x9a: {  	[sflag:s10] =	ssyncset.done $0x0  }
0x9b: {  	s6 =	rddreg [dreg:$0x1d];
	[sflag:s10] =	ssyncadd.s32 $0xFFFFC000  }
0x9c: {  	[tilespmem:s9], [sflag:$0x1] =	stream.indirect.gather [spmem:s3], $0x80, s6, s8, $0xb8;
	[tilespmem:$0x1AC80] =	vst v63  }
0x9d: {  	_ =	swait.ge [sflag:s21], $0x4000  }
0x9e: {  	[sflag:s21] =	ssyncset.done $0x0  }
0x9f: {  	s26 =	rddreg [dreg:$0x1e];
	[sflag:s21] =	ssyncadd.s32 $0xFFFFC000  }
0xa0: {  	[hbm4b:s26+s4] =	stream.linear.scatter [tilespmem:s19], [sflag:$0xC], $0x4000, $0x38;
	[tilespmem:$0x1AC80] =	vst v63  }
0xa1: {  	_ =	swait.ge [sflag:s7], $0x4000  }
0xa2: {  	[sflag:s7] =	ssyncset.done $0x0  }
0xa3: {  	s6 =	rddreg [dreg:$0x1f];
	[sflag:s7] =	ssyncadd.s32 $0xFFFFC000  }
0xa4: {  	[tilespmem:s11], [sflag:$0x2] =	stream.indirect.gather [spmem:s3], $0x80, s6, s8, $0xb8;
	[tilespmem:$0x1AC80] =	vst v63  }
0xa5: {  	_ =	swait.ge [sflag:s12], $0x4000  }
0xa6: {  	s26 =	sld [smem:$0x7E7]  }
0xa7: {  	[sflag:s12] =	ssyncset.done $0x0  }
0xa8: {  	[sflag:s12] =	ssyncadd.s32 $0xFFFFC000  }
0xa9: {  	[hbm4b:s26+s4] =	stream.linear.scatter [tilespmem:s9], [sflag:$0x7], $0x4000, $0x38;
	[tilespmem:$0x1AC80] =	vst v63  }
0xaa: {  	_ =	swait.ge [sflag:s22], $0x4000  }
0xab: {  	s6 =	sld [smem:$0x7E8]  }
0xac: {  	[sflag:s22] =	ssyncset.done $0x0  }
0xad: {  	[sflag:s22] =	ssyncadd.s32 $0xFFFFC000  }
0xae: {  	[tilespmem:s13], [sflag:$0x3] =	stream.indirect.gather [spmem:s3], $0x80, s6, s8, $0xb8;
	[tilespmem:$0x1AC80] =	vst v63  }
0xaf: {  	_ =	swait.ge [sflag:s14], $0x4000  }
0xb0: {  	s26 =	sld [smem:$0x7E9]  }
0xb1: {  	[sflag:s14] =	ssyncset.done $0x0  }
0xb2: {  	[sflag:s14] =	ssyncadd.s32 $0xFFFFC000  }
0xb3: {  	[hbm4b:s26+s4] =	stream.linear.scatter [tilespmem:s11], [sflag:$0x8], $0x4000, $0x38;
	[tilespmem:$0x1AC80] =	vst v63  }
0xb4: {  	_ =	swait.ge [sflag:s23], $0x4000  }
0xb5: {  	s6 =	sld [smem:$0x7EA]  }
0xb6: {  	[sflag:s23] =	ssyncset.done $0x0  }
0xb7: {  	[sflag:s23] =	ssyncadd.s32 $0xFFFFC000  }
0xb8: {  	[tilespmem:s15], [sflag:$0x4] =	stream.indirect.gather [spmem:s3], $0x80, s6, s8, $0xb8;
	[tilespmem:$0x1AC80] =	vst v63  }
0xb9: {  	_ =	swait.ge [sflag:s16], $0x4000  }
0xba: {  	s26 =	sld [smem:$0x7EB]  }
0xbb: {  	[sflag:s16] =	ssyncset.done $0x0  }
0xbc: {  	[sflag:s16] =	ssyncadd.s32 $0xFFFFC000  }
0xbd: {  	[hbm4b:s26+s4] =	stream.linear.scatter [tilespmem:s13], [sflag:$0x9], $0x4000, $0x38;
	[tilespmem:$0x1AC80] =	vst v63  }
0xbe: {  	_ =	swait.ge [sflag:s24], $0x4000  }
0xbf: {  	s6 =	sld [smem:$0x7EC]  }
0xc0: {  	[sflag:s24] =	ssyncset.done $0x0  }
0xc1: {  	[sflag:s24] =	ssyncadd.s32 $0xFFFFC000  }
0xc2: {  	[tilespmem:s17], [sflag:$0x5] =	stream.indirect.gather [spmem:s3], $0x80, s6, s8, $0xb8;
	[tilespmem:$0x1AC80] =	vst v63  }
0xc3: {  	_ =	swait.ge [sflag:s18], $0x4000  }
0xc4: {  	s26 =	sld [smem:$0x7ED]  }
0xc5: {  	[sflag:s18] =	ssyncset.done $0x0  }
0xc6: {  	[sflag:s18] =	ssyncadd.s32 $0xFFFFC000  }
0xc7: {  	[hbm4b:s26+s4] =	stream.linear.scatter [tilespmem:s15], [sflag:$0xA], $0x4000, $0x38;
	[tilespmem:$0x1AC80] =	vst v63  }
0xc8: {  	_ =	swait.ge [sflag:s25], $0x4000  }
0xc9: {  	s6 =	sld [smem:$0x7EE]  }
0xca: {  	[sflag:s25] =	ssyncset.done $0x0  }
0xcb: {  	[sflag:s25] =	ssyncadd.s32 $0xFFFFC000  }
0xcc: {  	[tilespmem:s19], [sflag:$0x6] =	stream.indirect.gather [spmem:s3], $0x80, s6, s8, $0xb8;
	[tilespmem:$0x1AC80] =	vst v63  }
0xcd: {  	_ =	swait.ge [sflag:s20], $0x4000  }
0xce: {  	s26 =	sld [smem:$0x7EF]  }
0xcf: {  	[sflag:s20] =	ssyncset.done $0x0  }
0xd0: {  	[sflag:s20] =	ssyncadd.s32 $0xFFFFC000  }
0xd1: {  	[hbm4b:s26+s4] =	stream.linear.scatter [tilespmem:s17], [sflag:$0xB], $0x4000, $0x38;
	[tilespmem:$0x1AC80] =	vst v63  }
0xd2: {  	_ =	swait.ge [sflag:s10], $0x4000  }
0xd3: {  	s6 =	sld [smem:$0x7F0]  }
0xd4: {  	[sflag:s10] =	ssyncset.done $0x0  }
0xd5: {  	[sflag:s10] =	ssyncadd.s32 $0xFFFFC000  }
0xd6: {  	[tilespmem:s9], [sflag:$0x1] =	stream.indirect.gather [spmem:s3], $0x80, s6, s8, $0xb8;
	[tilespmem:$0x1AC80] =	vst v63  }
0xd7: {  	_ =	swait.ge [sflag:s21], $0x4000  }
0xd8: {  	s26 =	sld [smem:$0x7F1]  }
0xd9: {  	[sflag:s21] =	ssyncset.done $0x0  }
0xda: {  	[sflag:s21] =	ssyncadd.s32 $0xFFFFC000  }
0xdb: {  	[hbm4b:s26+s4] =	stream.linear.scatter [tilespmem:s19], [sflag:$0xC], $0x4000, $0x38;
	[tilespmem:$0x1AC80] =	vst v63  }
0xdc: {  	_ =	swait.ge [sflag:s7], $0x4000  }
0xdd: {  	s6 =	sld [smem:$0x7F2]  }
0xde: {  	[sflag:s7] =	ssyncset.done $0x0  }
0xdf: {  	[sflag:s7] =	ssyncadd.s32 $0xFFFFC000  }
0xe0: {  	[tilespmem:s11], [sflag:$0x2] =	stream.indirect.gather [spmem:s3], $0x80, s6, s8, $0xb8;
	[tilespmem:$0x1AC80] =	vst v63  }
0xe1: {  	_ =	swait.ge [sflag:s12], $0x4000  }
0xe2: {  	s26 =	sld [smem:$0x7F3]  }
0xe3: {  	[sflag:s12] =	ssyncset.done $0x0  }
0xe4: {  	[sflag:s12] =	ssyncadd.s32 $0xFFFFC000  }
0xe5: {  	[hbm4b:s26+s4] =	stream.linear.scatter [tilespmem:s9], [sflag:$0x7], $0x4000, $0x38;
	[tilespmem:$0x1AC80] =	vst v63  }
0xe6: {  	_ =	swait.ge [sflag:s22], $0x4000  }
0xe7: {  	s6 =	sld [smem:$0x7F4]  }
0xe8: {  	[sflag:s22] =	ssyncset.done $0x0  }
0xe9: {  	[sflag:s22] =	ssyncadd.s32 $0xFFFFC000  }
0xea: {  	[tilespmem:s13], [sflag:$0x3] =	stream.indirect.gather [spmem:s3], $0x80, s6, s8, $0xb8;
	[tilespmem:$0x1AC80] =	vst v63  }
0xeb: {  	_ =	swait.ge [sflag:s14], $0x4000  }
0xec: {  	s26 =	sld [smem:$0x7F5]  }
0xed: {  	[sflag:s14] =	ssyncset.done $0x0  }
0xee: {  	[sflag:s14] =	ssyncadd.s32 $0xFFFFC000  }
0xef: {  	[hbm4b:s26+s4] =	stream.linear.scatter [tilespmem:s11], [sflag:$0x8], $0x4000, $0x38;
	[tilespmem:$0x1AC80] =	vst v63  }
0xf0: {  	_ =	swait.ge [sflag:s23], $0x4000  }
0xf1: {  	s6 =	sld [smem:$0x7F6]  }
0xf2: {  	[sflag:s23] =	ssyncset.done $0x0  }
0xf3: {  	[sflag:s23] =	ssyncadd.s32 $0xFFFFC000  }
0xf4: {  	[tilespmem:s15], [sflag:$0x4] =	stream.indirect.gather [spmem:s3], $0x80, s6, s8, $0xb8;
	[tilespmem:$0x1AC80] =	vst v63  }
0xf5: {  	_ =	swait.ge [sflag:s16], $0x4000  }
0xf6: {  	s26 =	sld [smem:$0x7F7]  }
0xf7: {  	[sflag:s16] =	ssyncset.done $0x0  }
0xf8: {  	[sflag:s16] =	ssyncadd.s32 $0xFFFFC000  }
0xf9: {  	[hbm4b:s26+s4] =	stream.linear.scatter [tilespmem:s13], [sflag:$0x9], $0x4000, $0x38;
	[tilespmem:$0x1AC80] =	vst v63  }
0xfa: {  	_ =	swait.ge [sflag:s24], $0x4000  }
0xfb: {  	s6 =	sld [smem:$0x7F8]  }
0xfc: {  	[sflag:s24] =	ssyncset.done $0x0  }
0xfd: {  	[sflag:s24] =	ssyncadd.s32 $0xFFFFC000  }
0xfe: {  	[tilespmem:s17], [sflag:$0x5] =	stream.indirect.gather [spmem:s3], $0x80, s6, s8, $0xb8;
	[tilespmem:$0x1AC80] =	vst v63  }
0xff: {  	_ =	swait.ge [sflag:s18], $0x4000  }
0x100: {  	s26 =	sld [smem:$0x7F9]  }
0x101: {  	[sflag:s18] =	ssyncset.done $0x0  }
0x102: {  	[sflag:s18] =	ssyncadd.s32 $0xFFFFC000  }
0x103: {  	[hbm4b:s26+s4] =	stream.linear.scatter [tilespmem:s15], [sflag:$0xA], $0x4000, $0x38;
	[tilespmem:$0x1AC80] =	vst v63  }
0x104: {  	_ =	swait.ge [sflag:s25], $0x4000  }
0x105: {  	s6 =	sld [smem:$0x7FA]  }
0x106: {  	[sflag:s25] =	ssyncset.done $0x0  }
0x107: {  	[sflag:s25] =	ssyncadd.s32 $0xFFFFC000  }
0x108: {  	[tilespmem:s19], [sflag:$0x6] =	stream.indirect.gather [spmem:s3], $0x80, s6, s8, $0xb8;
	[tilespmem:$0x1AC80] =	vst v63  }
0x109: {  	_ =	swait.ge [sflag:s20], $0x4000  }
0x10a: {  	s26 =	sld [smem:$0x7FB]  }
0x10b: {  	[sflag:s20] =	ssyncset.done $0x0  }
0x10c: {  	p0 =	sgt.u32 s5, $0x6;
	[sflag:s20] =	ssyncadd.s32 $0xFFFFC000  }
0x10d: {  	[hbm4b:s26+s4] =	stream.linear.scatter [tilespmem:s17], [sflag:$0xB], $0x4000, $0x38;
	[tilespmem:$0x1AC80] =	vst v63  }
0x10e: {  	s26 =	simm.s32 @p0 $0x6  }
0x10f: {  	s1 =	sshll.u32 s1, $0x4;
	_ =	swait.ge @p0 [sflag:s26], $0x4000  }
0x110: {  	s0 =	sadd.s32 s1, s0;
	s1 =	simm.s32 @p0 $0x14C80;
	[sflag:s26] =	ssyncset.done @p0 $0x0  }
0x111: {  	s28 =	sadd.s32 $0xB800, s0;
	s0 =	simm.s32 @p0 $0x0;
	[sflag:s26] =	ssyncadd.s32 @p0 $0xFFFFC000  }
0x112: {  	[hbm4b:s28+s0] =	stream.linear.scatter @p0 [tilespmem:s1], [sflag:$0xC], $0x4000, $0x38;
	[tilespmem:$0x1AC80] =	vst v63  }
0x113: {  	s1 =	simm.s32 @p0 $0x7  }
0x114: {  	_ =	swait.ge @p0 [sflag:s1], $0x4000  }
0x115: {  	[sflag:s1] =	ssyncset.done @p0 $0x0  }
0x116: {  	s31 =	simm.s32 @!p0 $0x7;
	[sflag:s1] =	ssyncadd.s32 @p0 $0xFFFFC000  }
0x117: {  	_ =	swait.ge @!p0 [sflag:s31], $0x4000  }
0x118: {  	s30 =	simm.s32 @!p0 $0x6;
	s5 =	simm.s32 @!p0 $0xC00;
	[sflag:s31] =	ssyncset.done @!p0 $0x0  }
0x119: {  	s2 =	simm.s32 @!p0 $0x80;
	s0 =	simm.s32 @!p0 $0xC80;
	[sflag:s31] =	ssyncadd.s32 @!p0 $0xFFFFC000  }
0x11a: {  	[tilespmem:s0], [sflag:$0x1] =	stream.indirect.gather @!p0 [spmem:s3], $0x80, s5, s2, $0xb8;
	[tilespmem:$0x1AC80] =	vst v63  }
0x11b: {  	_ =	swait.ge @!p0 [sflag:s30], $0x4000  }
0x11c: {  	s29 =	simm.s32 @!p0 $0x1;
	[sflag:s30] =	ssyncset.done @!p0 $0x0  }
0x11d: {  	s2 =	simm.s32 @!p0 $0x0;
	s5 =	simm.s32 @!p0 $0x14C80;
	[sflag:s30] =	ssyncadd.s32 @!p0 $0xFFFFC000  }
0x11e: {  	[hbm4b:s28+s2] =	stream.linear.scatter @!p0 [tilespmem:s5], [sflag:$0xC], $0x4000, $0x38;
	[tilespmem:$0x1AC80] =	vst v63  }
0x11f: {  	_ =	swait.ge @!p0 [sflag:s29], $0x4000  }
0x120: {  	s5 =	sld [smem:$0x7FC]  }
0x121: {  	[sflag:s29] =	ssyncset.done @!p0 $0x0  }
0x122: {  	[sflag:s29] =	ssyncadd.s32 @!p0 $0xFFFFC000  }
0x123: {  	[hbm4b:s5+s2] =	stream.linear.scatter @!p0 [tilespmem:s0], [sflag:$0x7], $0x4000, $0x38;
	[tilespmem:$0x1AC80] =	vst v63  }
0x124: {  	_ =	swait.ge [sflag:s7], $0x4000  }
0x125: {  	[sflag:s7] =	ssyncset.done $0x0  }
0x126: {  	[sflag:s7] =	ssyncadd.s32 $0xFFFFC000  }
0x127: {  	_ =	swait.ge [sflag:s22], $0x4000  }
0x128: {  	[sflag:s22] =	ssyncset.done $0x0  }
0x129: {  	[sflag:s22] =	ssyncadd.s32 $0xFFFFC000  }
0x12a: {  	_ =	swait.ge [sflag:s23], $0x4000  }
0x12b: {  	s5 =	sld [smem:$0x7FD];
	_ =	sdelay $0x2  }
0x12c: {  	s0 =	ssub.s32 $0x2, s5  }
0x12d: {  	s6 =	sshrl.u32 s0, $0x1  }
0x12e: {  	[sflag:s23] =	ssyncset.done $0x0;
	s5 =	ssub.s32 s0, s6  }
0x12f: {  	[sflag:s23] =	ssyncadd.s32 $0xFFFFC000;
	s5 =	smax.u32 s5, $0x1  }
0x130: {  	_ =	swait.ge [sflag:s24], $0x4000;
	s5 =	sadd.s32 $0xFFFFFFFF, s5  }
0x131: {  	[sflag:s24] =	ssyncset.done $0x0;
	p1 =	sne.s32 s5, $0x0  }
.Ltmp0:
0x132: {  	[sflag:s24] =	ssyncadd.s32 $0xFFFFC000;
	(pc) =	sbr.rel @!p1 .LBB2_2-.Ltmp0, $4  }
0x133: {  	_ =	swait.ge [sflag:s25], $0x4000  }
0x134: {  	[sflag:s25] =	ssyncset.done $0x0  }
0x135: {  	[sflag:s25] =	ssyncadd.s32 $0xFFFFC000  }
0x136: {  	_ =	swait.ge @!p0 [sflag:s31], $0x4000  }
.LBB2_1:
0x137: {  	s6 =	sld [smem:$0x7E4]  }
0x138: {  	[sflag:s31] =	ssyncset.done @!p0 $0x0;
	s0 =	rddreg [dreg:$0x6]  }
0x139: {  	s2 =	rddreg [dreg:$0x5];
	[sflag:s31] =	ssyncadd.s32 @!p0 $0xFFFFC000  }
0x13a: {  	[spmem:s6], [sflag:s0] =	dma.local [hbm:s2], $0x400  }
0x13b: {  	s0 =	rddreg [dreg:$0x7]  }
0x13c: {  	[tilespmem:s4], [sflag:$0x8] =	stream.linear.gather [hbm4b:s0+s4], $0xC80, $0x38;
	[tilespmem:$0x1AC80] =	vst v63  }
0x13d: {  	_ =	swait.ge [sflag:s7], $0xC80  }
0x13e: {  	[sflag:s7] =	ssyncset.done $0x0;
	s6 =	sld [smem:$0x7E5]  }
0x13f: {  	[sflag:s7] =	ssyncadd.s32 $0xFFFFF380  }
0x140: {  	s2 =	rddreg [dreg:$0x0]  }
0x141: {  	[tilespmem:s9], [sflag:$0x1] =	stream.indirect.gather [hbm4b:s2+s8], $0x80, s6, s8, $0xb8;
	[tilespmem:$0x1AC80] =	vst v63  }
0x142: {  	_ =	swait.ge [sflag:s10], $0x400  }
0x143: {  	[sflag:s10] =	ssyncset.done $0x0  }
0x144: {  	[sflag:s10] =	ssyncadd.s32 $0xFFFFFC00  }
0x145: {  	[bflag:$0x0] =	sbarrier.arrive $0xFFFF  }
0x146: {  	s2 =	rddreg [dreg:$0x8]  }
0x147: {  	[tilespmem:s11], [sflag:$0x2] =	stream.indirect.gather [spmem:s3], $0x80, s2, s8, $0xb8;
	[tilespmem:$0x1AC80] =	vst v63  }
0x148: {  	_ =	swait.ge [sflag:s12], $0x4000  }
0x149: {  	s6 =	sld [smem:$0x7E6]  }
0x14a: {  	[sflag:s12] =	ssyncset.done $0x0  }
0x14b: {  	[sflag:s12] =	ssyncadd.s32 $0xFFFFC000  }
0x14c: {  	[hbm4b:s6+s4] =	stream.linear.scatter [tilespmem:s9], [sflag:$0x7], $0x4000, $0x38;
	[tilespmem:$0x1AC80] =	vst v63  }
0x14d: {  	s0 =	rddreg [dreg:$0x9]  }
0x14e: {  	[tilespmem:s13], [sflag:$0x3] =	stream.indirect.gather [spmem:s3], $0x80, s0, s8, $0xb8;
	[tilespmem:$0x1AC80] =	vst v63  }
0x14f: {  	_ =	swait.ge [sflag:s14], $0x4000  }
0x150: {  	[sflag:s14] =	ssyncset.done $0x0  }
0x151: {  	s2 =	rddreg [dreg:$0xa];
	[sflag:s14] =	ssyncadd.s32 $0xFFFFC000  }
0x152: {  	[hbm4b:s2+s4] =	stream.linear.scatter [tilespmem:s11], [sflag:$0x8], $0x4000, $0x38;
	[tilespmem:$0x1AC80] =	vst v63  }
0x153: {  	s6 =	rddreg [dreg:$0xb]  }
0x154: {  	[tilespmem:s15], [sflag:$0x4] =	stream.indirect.gather [spmem:s3], $0x80, s6, s8, $0xb8;
	[tilespmem:$0x1AC80] =	vst v63  }
0x155: {  	_ =	swait.ge [sflag:s16], $0x4000  }
0x156: {  	[sflag:s16] =	ssyncset.done $0x0  }
0x157: {  	s2 =	rddreg [dreg:$0xc];
	[sflag:s16] =	ssyncadd.s32 $0xFFFFC000  }
0x158: {  	[hbm4b:s2+s4] =	stream.linear.scatter [tilespmem:s13], [sflag:$0x9], $0x4000, $0x38;
	[tilespmem:$0x1AC80] =	vst v63  }
0x159: {  	s6 =	rddreg [dreg:$0xd]  }
0x15a: {  	[tilespmem:s17], [sflag:$0x5] =	stream.indirect.gather [spmem:s3], $0x80, s6, s8, $0xb8;
	[tilespmem:$0x1AC80] =	vst v63  }
0x15b: {  	_ =	swait.ge [sflag:s18], $0x4000  }
0x15c: {  	[sflag:s18] =	ssyncset.done $0x0  }
0x15d: {  	s2 =	rddreg [dreg:$0xe];
	[sflag:s18] =	ssyncadd.s32 $0xFFFFC000  }
0x15e: {  	[hbm4b:s2+s4] =	stream.linear.scatter [tilespmem:s15], [sflag:$0xA], $0x4000, $0x38;
	[tilespmem:$0x1AC80] =	vst v63  }
0x15f: {  	s6 =	rddreg [dreg:$0xf]  }
0x160: {  	[tilespmem:s19], [sflag:$0x6] =	stream.indirect.gather [spmem:s3], $0x80, s6, s8, $0xb8;
	[tilespmem:$0x1AC80] =	vst v63  }
0x161: {  	_ =	swait.ge [sflag:s20], $0x4000  }
0x162: {  	[sflag:s20] =	ssyncset.done $0x0  }
0x163: {  	s6 =	rddreg [dreg:$0x10];
	[sflag:s20] =	ssyncadd.s32 $0xFFFFC000  }
0x164: {  	[hbm4b:s6+s4] =	stream.linear.scatter [tilespmem:s17], [sflag:$0xB], $0x4000, $0x38;
	[tilespmem:$0x1AC80] =	vst v63  }
0x165: {  	_ =	swait.ge [sflag:s10], $0x4000  }
0x166: {  	[sflag:s10] =	ssyncset.done $0x0  }
0x167: {  	s2 =	rddreg [dreg:$0x11];
	[sflag:s10] =	ssyncadd.s32 $0xFFFFC000  }
0x168: {  	[tilespmem:s9], [sflag:$0x1] =	stream.indirect.gather [spmem:s3], $0x80, s2, s8, $0xb8;
	[tilespmem:$0x1AC80] =	vst v63  }
0x169: {  	_ =	swait.ge [sflag:s21], $0x4000  }
0x16a: {  	[sflag:s21] =	ssyncset.done $0x0  }
0x16b: {  	s6 =	rddreg [dreg:$0x12];
	[sflag:s21] =	ssyncadd.s32 $0xFFFFC000  }
0x16c: {  	[hbm4b:s6+s4] =	stream.linear.scatter [tilespmem:s19], [sflag:$0xC], $0x4000, $0x38;
	[tilespmem:$0x1AC80] =	vst v63  }
0x16d: {  	_ =	swait.ge [sflag:s7], $0x4000  }
0x16e: {  	[sflag:s7] =	ssyncset.done $0x0  }
0x16f: {  	s2 =	rddreg [dreg:$0x13];
	[sflag:s7] =	ssyncadd.s32 $0xFFFFC000  }
0x170: {  	[tilespmem:s11], [sflag:$0x2] =	stream.indirect.gather [spmem:s3], $0x80, s2, s8, $0xb8;
	[tilespmem:$0x1AC80] =	vst v63  }
0x171: {  	_ =	swait.ge [sflag:s12], $0x4000  }
0x172: {  	[sflag:s12] =	ssyncset.done $0x0  }
0x173: {  	s6 =	rddreg [dreg:$0x14];
	[sflag:s12] =	ssyncadd.s32 $0xFFFFC000  }
0x174: {  	[hbm4b:s6+s4] =	stream.linear.scatter [tilespmem:s9], [sflag:$0x7], $0x4000, $0x38;
	[tilespmem:$0x1AC80] =	vst v63  }
0x175: {  	_ =	swait.ge [sflag:s22], $0x4000  }
0x176: {  	[sflag:s22] =	ssyncset.done $0x0  }
0x177: {  	s2 =	rddreg [dreg:$0x15];
	[sflag:s22] =	ssyncadd.s32 $0xFFFFC000  }
0x178: {  	[tilespmem:s13], [sflag:$0x3] =	stream.indirect.gather [spmem:s3], $0x80, s2, s8, $0xb8;
	[tilespmem:$0x1AC80] =	vst v63  }
0x179: {  	_ =	swait.ge [sflag:s14], $0x4000  }
0x17a: {  	[sflag:s14] =	ssyncset.done $0x0  }
0x17b: {  	s6 =	rddreg [dreg:$0x16];
	[sflag:s14] =	ssyncadd.s32 $0xFFFFC000  }
0x17c: {  	[hbm4b:s6+s4] =	stream.linear.scatter [tilespmem:s11], [sflag:$0x8], $0x4000, $0x38;
	[tilespmem:$0x1AC80] =	vst v63  }
0x17d: {  	_ =	swait.ge [sflag:s23], $0x4000  }
0x17e: {  	[sflag:s23] =	ssyncset.done $0x0  }
0x17f: {  	s2 =	rddreg [dreg:$0x17];
	[sflag:s23] =	ssyncadd.s32 $0xFFFFC000  }
0x180: {  	[tilespmem:s15], [sflag:$0x4] =	stream.indirect.gather [spmem:s3], $0x80, s2, s8, $0xb8;
	[tilespmem:$0x1AC80] =	vst v63  }
0x181: {  	_ =	swait.ge [sflag:s16], $0x4000  }
0x182: {  	[sflag:s16] =	ssyncset.done $0x0  }
0x183: {  	s6 =	rddreg [dreg:$0x18];
	[sflag:s16] =	ssyncadd.s32 $0xFFFFC000  }
0x184: {  	[hbm4b:s6+s4] =	stream.linear.scatter [tilespmem:s13], [sflag:$0x9], $0x4000, $0x38;
	[tilespmem:$0x1AC80] =	vst v63  }
0x185: {  	_ =	swait.ge [sflag:s24], $0x4000  }
0x186: {  	[sflag:s24] =	ssyncset.done $0x0  }
0x187: {  	s2 =	rddreg [dreg:$0x19];
	[sflag:s24] =	ssyncadd.s32 $0xFFFFC000  }
0x188: {  	[tilespmem:s17], [sflag:$0x5] =	stream.indirect.gather [spmem:s3], $0x80, s2, s8, $0xb8;
	[tilespmem:$0x1AC80] =	vst v63  }
0x189: {  	_ =	swait.ge [sflag:s18], $0x4000  }
0x18a: {  	[sflag:s18] =	ssyncset.done $0x0  }
0x18b: {  	s6 =	rddreg [dreg:$0x1a];
	[sflag:s18] =	ssyncadd.s32 $0xFFFFC000  }
0x18c: {  	[hbm4b:s6+s4] =	stream.linear.scatter [tilespmem:s15], [sflag:$0xA], $0x4000, $0x38;
	[tilespmem:$0x1AC80] =	vst v63  }
0x18d: {  	_ =	swait.ge [sflag:s25], $0x4000  }
0x18e: {  	[sflag:s25] =	ssyncset.done $0x0  }
0x18f: {  	s2 =	rddreg [dreg:$0x1b];
	[sflag:s25] =	ssyncadd.s32 $0xFFFFC000  }
0x190: {  	[tilespmem:s19], [sflag:$0x6] =	stream.indirect.gather [spmem:s3], $0x80, s2, s8, $0xb8;
	[tilespmem:$0x1AC80] =	vst v63  }
0x191: {  	_ =	swait.ge [sflag:s20], $0x4000  }
0x192: {  	[sflag:s20] =	ssyncset.done $0x0  }
0x193: {  	s6 =	rddreg [dreg:$0x1c];
	[sflag:s20] =	ssyncadd.s32 $0xFFFFC000  }
0x194: {  	[hbm4b:s6+s4] =	stream.linear.scatter [tilespmem:s17], [sflag:$0xB], $0x4000, $0x38;
	[tilespmem:$0x1AC80] =	vst v63  }
0x195: {  	_ =	swait.ge [sflag:s10], $0x4000  }
0x196: {  	[sflag:s10] =	ssyncset.done $0x0  }
0x197: {  	s2 =	rddreg [dreg:$0x1d];
	[sflag:s10] =	ssyncadd.s32 $0xFFFFC000  }
0x198: {  	[tilespmem:s9], [sflag:$0x1] =	stream.indirect.gather [spmem:s3], $0x80, s2, s8, $0xb8;
	[tilespmem:$0x1AC80] =	vst v63  }
0x199: {  	_ =	swait.ge [sflag:s21], $0x4000  }
0x19a: {  	[sflag:s21] =	ssyncset.done $0x0  }
0x19b: {  	s6 =	rddreg [dreg:$0x1e];
	[sflag:s21] =	ssyncadd.s32 $0xFFFFC000  }
0x19c: {  	[hbm4b:s6+s4] =	stream.linear.scatter [tilespmem:s19], [sflag:$0xC], $0x4000, $0x38;
	[tilespmem:$0x1AC80] =	vst v63  }
0x19d: {  	_ =	swait.ge [sflag:s7], $0x4000  }
0x19e: {  	[sflag:s7] =	ssyncset.done $0x0  }
0x19f: {  	s2 =	rddreg [dreg:$0x1f];
	[sflag:s7] =	ssyncadd.s32 $0xFFFFC000  }
0x1a0: {  	[tilespmem:s11], [sflag:$0x2] =	stream.indirect.gather [spmem:s3], $0x80, s2, s8, $0xb8;
	[tilespmem:$0x1AC80] =	vst v63  }
0x1a1: {  	_ =	swait.ge [sflag:s12], $0x4000  }
0x1a2: {  	s6 =	sld [smem:$0x7E7]  }
0x1a3: {  	[sflag:s12] =	ssyncset.done $0x0  }
0x1a4: {  	[sflag:s12] =	ssyncadd.s32 $0xFFFFC000  }
0x1a5: {  	[hbm4b:s6+s4] =	stream.linear.scatter [tilespmem:s9], [sflag:$0x7], $0x4000, $0x38;
	[tilespmem:$0x1AC80] =	vst v63  }
0x1a6: {  	_ =	swait.ge [sflag:s22], $0x4000  }
0x1a7: {  	s2 =	sld [smem:$0x7E8]  }
0x1a8: {  	[sflag:s22] =	ssyncset.done $0x0  }
0x1a9: {  	[sflag:s22] =	ssyncadd.s32 $0xFFFFC000  }
0x1aa: {  	[tilespmem:s13], [sflag:$0x3] =	stream.indirect.gather [spmem:s3], $0x80, s2, s8, $0xb8;
	[tilespmem:$0x1AC80] =	vst v63  }
0x1ab: {  	_ =	swait.ge [sflag:s14], $0x4000  }
0x1ac: {  	s6 =	sld [smem:$0x7E9]  }
0x1ad: {  	[sflag:s14] =	ssyncset.done $0x0  }
0x1ae: {  	[sflag:s14] =	ssyncadd.s32 $0xFFFFC000  }
0x1af: {  	[hbm4b:s6+s4] =	stream.linear.scatter [tilespmem:s11], [sflag:$0x8], $0x4000, $0x38;
	[tilespmem:$0x1AC80] =	vst v63  }
0x1b0: {  	_ =	swait.ge [sflag:s23], $0x4000  }
0x1b1: {  	s2 =	sld [smem:$0x7EA]  }
0x1b2: {  	[sflag:s23] =	ssyncset.done $0x0  }
0x1b3: {  	[sflag:s23] =	ssyncadd.s32 $0xFFFFC000  }
0x1b4: {  	[tilespmem:s15], [sflag:$0x4] =	stream.indirect.gather [spmem:s3], $0x80, s2, s8, $0xb8;
	[tilespmem:$0x1AC80] =	vst v63  }
0x1b5: {  	_ =	swait.ge [sflag:s16], $0x4000  }
0x1b6: {  	s6 =	sld [smem:$0x7EB]  }
0x1b7: {  	[sflag:s16] =	ssyncset.done $0x0  }
0x1b8: {  	[sflag:s16] =	ssyncadd.s32 $0xFFFFC000  }
0x1b9: {  	[hbm4b:s6+s4] =	stream.linear.scatter [tilespmem:s13], [sflag:$0x9], $0x4000, $0x38;
	[tilespmem:$0x1AC80] =	vst v63  }
0x1ba: {  	_ =	swait.ge [sflag:s24], $0x4000  }
0x1bb: {  	s2 =	sld [smem:$0x7EC]  }
0x1bc: {  	[sflag:s24] =	ssyncset.done $0x0  }
0x1bd: {  	[sflag:s24] =	ssyncadd.s32 $0xFFFFC000  }
0x1be: {  	[tilespmem:s17], [sflag:$0x5] =	stream.indirect.gather [spmem:s3], $0x80, s2, s8, $0xb8;
	[tilespmem:$0x1AC80] =	vst v63  }
0x1bf: {  	_ =	swait.ge [sflag:s18], $0x4000  }
0x1c0: {  	s6 =	sld [smem:$0x7ED]  }
0x1c1: {  	[sflag:s18] =	ssyncset.done $0x0  }
0x1c2: {  	[sflag:s18] =	ssyncadd.s32 $0xFFFFC000  }
0x1c3: {  	[hbm4b:s6+s4] =	stream.linear.scatter [tilespmem:s15], [sflag:$0xA], $0x4000, $0x38;
	[tilespmem:$0x1AC80] =	vst v63  }
0x1c4: {  	_ =	swait.ge [sflag:s25], $0x4000  }
0x1c5: {  	s2 =	sld [smem:$0x7EE]  }
0x1c6: {  	[sflag:s25] =	ssyncset.done $0x0  }
0x1c7: {  	[sflag:s25] =	ssyncadd.s32 $0xFFFFC000  }
0x1c8: {  	[tilespmem:s19], [sflag:$0x6] =	stream.indirect.gather [spmem:s3], $0x80, s2, s8, $0xb8;
	[tilespmem:$0x1AC80] =	vst v63  }
0x1c9: {  	_ =	swait.ge [sflag:s20], $0x4000  }
0x1ca: {  	s6 =	sld [smem:$0x7EF]  }
0x1cb: {  	[sflag:s20] =	ssyncset.done $0x0  }
0x1cc: {  	[sflag:s20] =	ssyncadd.s32 $0xFFFFC000  }
0x1cd: {  	[hbm4b:s6+s4] =	stream.linear.scatter [tilespmem:s17], [sflag:$0xB], $0x4000, $0x38;
	[tilespmem:$0x1AC80] =	vst v63  }
0x1ce: {  	_ =	swait.ge [sflag:s10], $0x4000  }
0x1cf: {  	s2 =	sld [smem:$0x7F0]  }
0x1d0: {  	[sflag:s10] =	ssyncset.done $0x0  }
0x1d1: {  	[sflag:s10] =	ssyncadd.s32 $0xFFFFC000  }
0x1d2: {  	[tilespmem:s9], [sflag:$0x1] =	stream.indirect.gather [spmem:s3], $0x80, s2, s8, $0xb8;
	[tilespmem:$0x1AC80] =	vst v63  }
0x1d3: {  	_ =	swait.ge [sflag:s21], $0x4000  }
0x1d4: {  	s6 =	sld [smem:$0x7F1]  }
0x1d5: {  	[sflag:s21] =	ssyncset.done $0x0  }
0x1d6: {  	[sflag:s21] =	ssyncadd.s32 $0xFFFFC000  }
0x1d7: {  	[hbm4b:s6+s4] =	stream.linear.scatter [tilespmem:s19], [sflag:$0xC], $0x4000, $0x38;
	[tilespmem:$0x1AC80] =	vst v63  }
0x1d8: {  	_ =	swait.ge [sflag:s7], $0x4000  }
0x1d9: {  	s2 =	sld [smem:$0x7F2]  }
0x1da: {  	[sflag:s7] =	ssyncset.done $0x0  }
0x1db: {  	[sflag:s7] =	ssyncadd.s32 $0xFFFFC000  }
0x1dc: {  	[tilespmem:s11], [sflag:$0x2] =	stream.indirect.gather [spmem:s3], $0x80, s2, s8, $0xb8;
	[tilespmem:$0x1AC80] =	vst v63  }
0x1dd: {  	_ =	swait.ge [sflag:s12], $0x4000  }
0x1de: {  	s6 =	sld [smem:$0x7F3]  }
0x1df: {  	[sflag:s12] =	ssyncset.done $0x0  }
0x1e0: {  	[sflag:s12] =	ssyncadd.s32 $0xFFFFC000  }
0x1e1: {  	[hbm4b:s6+s4] =	stream.linear.scatter [tilespmem:s9], [sflag:$0x7], $0x4000, $0x38;
	[tilespmem:$0x1AC80] =	vst v63  }
0x1e2: {  	_ =	swait.ge [sflag:s22], $0x4000  }
0x1e3: {  	s2 =	sld [smem:$0x7F4]  }
0x1e4: {  	[sflag:s22] =	ssyncset.done $0x0  }
0x1e5: {  	[sflag:s22] =	ssyncadd.s32 $0xFFFFC000  }
0x1e6: {  	[tilespmem:s13], [sflag:$0x3] =	stream.indirect.gather [spmem:s3], $0x80, s2, s8, $0xb8;
	[tilespmem:$0x1AC80] =	vst v63  }
0x1e7: {  	_ =	swait.ge [sflag:s14], $0x4000  }
0x1e8: {  	s6 =	sld [smem:$0x7F5]  }
0x1e9: {  	[sflag:s14] =	ssyncset.done $0x0  }
0x1ea: {  	[sflag:s14] =	ssyncadd.s32 $0xFFFFC000  }
0x1eb: {  	[hbm4b:s6+s4] =	stream.linear.scatter [tilespmem:s11], [sflag:$0x8], $0x4000, $0x38;
	[tilespmem:$0x1AC80] =	vst v63  }
0x1ec: {  	_ =	swait.ge [sflag:s23], $0x4000  }
0x1ed: {  	s2 =	sld [smem:$0x7F6]  }
0x1ee: {  	[sflag:s23] =	ssyncset.done $0x0  }
0x1ef: {  	[sflag:s23] =	ssyncadd.s32 $0xFFFFC000  }
0x1f0: {  	[tilespmem:s15], [sflag:$0x4] =	stream.indirect.gather [spmem:s3], $0x80, s2, s8, $0xb8;
	[tilespmem:$0x1AC80] =	vst v63  }
0x1f1: {  	_ =	swait.ge [sflag:s16], $0x4000  }
0x1f2: {  	s6 =	sld [smem:$0x7F7]  }
0x1f3: {  	[sflag:s16] =	ssyncset.done $0x0  }
0x1f4: {  	[sflag:s16] =	ssyncadd.s32 $0xFFFFC000  }
0x1f5: {  	[hbm4b:s6+s4] =	stream.linear.scatter [tilespmem:s13], [sflag:$0x9], $0x4000, $0x38;
	[tilespmem:$0x1AC80] =	vst v63  }
0x1f6: {  	_ =	swait.ge [sflag:s24], $0x4000  }
0x1f7: {  	s2 =	sld [smem:$0x7F8]  }
0x1f8: {  	[sflag:s24] =	ssyncset.done $0x0  }
0x1f9: {  	[sflag:s24] =	ssyncadd.s32 $0xFFFFC000  }
0x1fa: {  	[tilespmem:s17], [sflag:$0x5] =	stream.indirect.gather [spmem:s3], $0x80, s2, s8, $0xb8;
	[tilespmem:$0x1AC80] =	vst v63  }
0x1fb: {  	_ =	swait.ge [sflag:s18], $0x4000  }
0x1fc: {  	s6 =	sld [smem:$0x7F9]  }
0x1fd: {  	[sflag:s18] =	ssyncset.done $0x0  }
0x1fe: {  	[sflag:s18] =	ssyncadd.s32 $0xFFFFC000  }
0x1ff: {  	[hbm4b:s6+s4] =	stream.linear.scatter [tilespmem:s15], [sflag:$0xA], $0x4000, $0x38;
	[tilespmem:$0x1AC80] =	vst v63  }
0x200: {  	_ =	swait.ge [sflag:s25], $0x4000  }
0x201: {  	s2 =	sld [smem:$0x7FA]  }
0x202: {  	[sflag:s25] =	ssyncset.done $0x0  }
0x203: {  	[sflag:s25] =	ssyncadd.s32 $0xFFFFC000  }
0x204: {  	[tilespmem:s19], [sflag:$0x6] =	stream.indirect.gather [spmem:s3], $0x80, s2, s8, $0xb8;
	[tilespmem:$0x1AC80] =	vst v63  }
0x205: {  	_ =	swait.ge [sflag:s20], $0x4000  }
0x206: {  	s6 =	sld [smem:$0x7FB]  }
0x207: {  	[sflag:s20] =	ssyncset.done $0x0  }
0x208: {  	[sflag:s20] =	ssyncadd.s32 $0xFFFFC000  }
0x209: {  	[hbm4b:s6+s4] =	stream.linear.scatter [tilespmem:s17], [sflag:$0xB], $0x4000, $0x38;
	[tilespmem:$0x1AC80] =	vst v63  }
0x20a: {  	_ =	swait.ge @p0 [sflag:s26], $0x4000  }
0x20b: {  	[sflag:s26] =	ssyncset.done @p0 $0x0  }
0x20c: {  	s0 =	simm.s32 @p0 $0x0;
	s2 =	simm.s32 @p0 $0x14C80;
	[sflag:s26] =	ssyncadd.s32 @p0 $0xFFFFC000  }
0x20d: {  	[hbm4b:s28+s0] =	stream.linear.scatter @p0 [tilespmem:s2], [sflag:$0xC], $0x4000, $0x38;
	[tilespmem:$0x1AC80] =	vst v63  }
0x20e: {  	_ =	swait.ge @p0 [sflag:s1], $0x4000  }
0x20f: {  	[sflag:s1] =	ssyncset.done @p0 $0x0  }
0x210: {  	[sflag:s1] =	ssyncadd.s32 @p0 $0xFFFFC000  }
0x211: {  	_ =	swait.ge @!p0 [sflag:s31], $0x4000  }
0x212: {  	s6 =	simm.s32 @!p0 $0xC00;
	[sflag:s31] =	ssyncset.done @!p0 $0x0  }
0x213: {  	s2 =	simm.s32 @!p0 $0xC80;
	s0 =	simm.s32 @!p0 $0x80;
	[sflag:s31] =	ssyncadd.s32 @!p0 $0xFFFFC000  }
0x214: {  	[tilespmem:s2], [sflag:$0x1] =	stream.indirect.gather @!p0 [spmem:s3], $0x80, s6, s0, $0xb8;
	[tilespmem:$0x1AC80] =	vst v63  }
0x215: {  	_ =	swait.ge @!p0 [sflag:s30], $0x4000  }
0x216: {  	[sflag:s30] =	ssyncset.done @!p0 $0x0  }
0x217: {  	s6 =	simm.s32 @!p0 $0x0;
	s0 =	simm.s32 @!p0 $0x14C80;
	[sflag:s30] =	ssyncadd.s32 @!p0 $0xFFFFC000  }
0x218: {  	[hbm4b:s28+s6] =	stream.linear.scatter @!p0 [tilespmem:s0], [sflag:$0xC], $0x4000, $0x38;
	[tilespmem:$0x1AC80] =	vst v63  }
0x219: {  	_ =	swait.ge @!p0 [sflag:s29], $0x4000  }
0x21a: {  	s0 =	sld [smem:$0x7FC]  }
0x21b: {  	[sflag:s29] =	ssyncset.done @!p0 $0x0  }
0x21c: {  	[sflag:s29] =	ssyncadd.s32 @!p0 $0xFFFFC000  }
0x21d: {  	[hbm4b:s0+s6] =	stream.linear.scatter @!p0 [tilespmem:s2], [sflag:$0x7], $0x4000, $0x38;
	[tilespmem:$0x1AC80] =	vst v63  }
0x21e: {  	_ =	swait.ge [sflag:s7], $0x4000  }
0x21f: {  	[sflag:s7] =	ssyncset.done $0x0  }
0x220: {  	[sflag:s7] =	ssyncadd.s32 $0xFFFFC000  }
0x221: {  	_ =	swait.ge [sflag:s22], $0x4000  }
0x222: {  	[sflag:s22] =	ssyncset.done $0x0  }
0x223: {  	[sflag:s22] =	ssyncadd.s32 $0xFFFFC000  }
0x224: {  	_ =	swait.ge [sflag:s23], $0x4000  }
0x225: {  	[sflag:s23] =	ssyncset.done $0x0  }
0x226: {  	[sflag:s23] =	ssyncadd.s32 $0xFFFFC000  }
0x227: {  	s5 =	sadd.s32 $0xFFFFFFFF, s5;
	_ =	swait.ge [sflag:s24], $0x4000  }
0x228: {  	p1 =	sne.s32 s5, $0x0;
	[sflag:s24] =	ssyncset.done $0x0  }
.Ltmp1:
0x229: {  	[sflag:s24] =	ssyncadd.s32 $0xFFFFC000;
	(pc) =	sbr.rel @p1 .LBB2_1-.Ltmp1, $4  }
0x22a: {  	_ =	swait.ge [sflag:s25], $0x4000  }
0x22b: {  	[sflag:s25] =	ssyncset.done $0x0  }
0x22c: {  	[sflag:s25] =	ssyncadd.s32 $0xFFFFC000  }
0x22d: {  	_ =	swait.ge @!p0 [sflag:s31], $0x4000  }
.LBB2_2:
0x22e: {  	[sflag:s31] =	ssyncset.done @!p0 $0x0  }
0x22f: {  	[sflag:s31] =	ssyncadd.s32 @!p0 $0xFFFFC000  }
0x230: {  	_ =	sfence.sel $0x180000  }
0x231: {  	[bflag:$0x0] =	sbarrier.arrive $0xFFFF  }
0x232: {  	_ =	strace $0x90000047  }
0x233: {  	s0 =	stileid.u32;
	[bflag:$0x2] =	sbarrier.arrive $0xFFFF  }
0x234: {  	p0 =	sne.s32 s0, $0x0;
	s0 =	rddreg [dreg:$0x4]  }
0x235: {  	s0 =	sadd.s32 @!p0 $0x100000, s0  }
0x236: {  	[sflag:s0] =	ssyncadd.tile.s32 @!p0 $0x1;
	_ =	shalt  }
.Lfunc_end2:
_tile_overlayer_lowered:
.L_overlay_start_2:
0x237: {  	(tag) =	ssettag $0x2  }
0x238: {  	s0 =	rddreg [dreg:$0x0];
	s2 =	stileid.u32  }
0x239: {  	s1 =	rddreg [dreg:$0x1];
	p0 =	sne.s32 s2, $0x0  }
0x23a: {  	s3 =	rddreg [dreg:$0x2];
	[bflag:$0x3] =	sbarrier.arrive $0xFFFF;
	s2 =	simm.s32 @!p0 $0x1C0D  }
0x23b: {  	[timem:s3], [sflag:s2] =	dma.local @!p0 [hbm:s0], s1  }
0x23c: {  	s0 =	simm.s32 @!p0 $0xD  }
0x23d: {  	_ =	swait.ge @!p0 [sflag:s0], s1  }
0x23e: {  	s1 =	ssub.s32 @!p0 $0x0, s1;
	[sflag:s0] =	ssyncset.done @!p0 $0x0  }
0x23f: {  	[sflag:s0] =	ssyncadd.s32 @!p0 s1  }
0x240: {  	[bflag:$0x3] =	sbarrier.arrive $0xFFFF  }
0x241: {  	_ =	shalt  }

</sc_bundles>
